<compile_context>
chip_gen: v7x
topology: tpu7x:2x2x1
jax: 0.10.2.dev20260603
libtpu: 0.0.44.dev20260713+nightly
codegen_flags: <defaults>
</compile_context>

<pallas_src>
import functools

import jax
import jax.numpy as jnp
from jax import lax
from jax.experimental import pallas as pl
from jax.experimental.pallas import tpu as pltpu
from jax.experimental.pallas import tpu_sc as plsc

B, N, C, E, L = 4, 1024, 128, 32768, 4
T = B * N

NUM_ROW_BLOCKS = 16
ROWS_PER_BLOCK = N // NUM_ROW_BLOCKS
BLOCK_WORDS = ROWS_PER_BLOCK * N
NUM_BLOCKS = B * NUM_ROW_BLOCKS
EDGE_CHUNK = 4096
NCHUNKS = E // EDGE_CHUNK


def _build_adjacency(edges_flat):
    info = plsc.get_sparse_core_info()
    nc, ns = info.num_cores, info.num_subcores
    nw = nc * ns
    blocks_per_worker = NUM_BLOCKS // nw
    mesh = plsc.VectorSubcoreMesh(core_axis_name="c", subcore_axis_name="s")

    @functools.partial(
        pl.kernel,
        mesh=mesh,
        compiler_params=pltpu.CompilerParams(needs_layout_passes=False),
        out_type=jax.ShapeDtypeStruct((B, N, N), jnp.float32),
        scratch_types=[
            pltpu.VMEM((ROWS_PER_BLOCK, N), jnp.float32),
            pltpu.VMEM((EDGE_CHUNK,), jnp.int32),
            pltpu.VMEM((EDGE_CHUNK,), jnp.int32),
            pltpu.VMEM((EDGE_CHUNK,), jnp.int32),
            pltpu.VMEM((EDGE_CHUNK,), jnp.int32),
            pltpu.SemaphoreType.DMA,
            pltpu.SemaphoreType.DMA,
        ],
    )
    def adj_kernel(edges_hbm, out_hbm, block, src_a, src_b, dst_a,
                   dst_b, sem0, sem1):
        wid = lax.axis_index("s") * nc + lax.axis_index("c")
        srcs = (src_a, src_b)
        dsts = (dst_a, dst_b)
        sems = (sem0, sem1)
        zeros16 = jnp.zeros((16,), jnp.float32)
        ones16 = jnp.ones((16,), jnp.float32)
        for bw in range(blocks_per_worker):
            w = wid * blocks_per_worker + bw
            b = w // NUM_ROW_BLOCKS
            row_base = (w % NUM_ROW_BLOCKS) * ROWS_PER_BLOCK

            src_base = b * 2 * E
            dst_base = b * 2 * E + E
            pend = [
                pltpu.async_copy(edges_hbm.at[pl.ds(src_base, EDGE_CHUNK)],
                                 srcs[0], sems[0]),
                pltpu.async_copy(edges_hbm.at[pl.ds(dst_base, EDGE_CHUNK)],
                                 dsts[0], sems[0]),
            ]

            @plsc.parallel_loop(0, BLOCK_WORDS, step=16, unroll=8)
            def _(i):
                block[i >> 10, pl.ds(i & (N - 1), 16)] = zeros16

            for ci in range(NCHUNKS):
                buf = ci % 2
                for cp in pend:
                    cp.wait()
                if ci + 1 < NCHUNKS:
                    nxt = 1 - buf
                    off = (ci + 1) * EDGE_CHUNK
                    pend = [
                        pltpu.async_copy(
                            edges_hbm.at[pl.ds(src_base + off, EDGE_CHUNK)],
                            srcs[nxt], sems[nxt]),
                        pltpu.async_copy(
                            edges_hbm.at[pl.ds(dst_base + off, EDGE_CHUNK)],
                            dsts[nxt], sems[nxt]),
                    ]
                sv = srcs[buf]
                dv_ref = dsts[buf]

                @plsc.parallel_loop(0, EDGE_CHUNK, step=16, unroll=4)
                def _(k):
                    s = sv[pl.ds(k, 16)]
                    dv = dv_ref[pl.ds(k, 16)]
                    rel = dv - row_base
                    msk = (rel >= 0) & (rel < ROWS_PER_BLOCK)
                    rel_c = jnp.where(msk, rel, 0)
                    plsc.addupdate_scatter(block, [rel_c, s], ones16, mask=msk)

            pltpu.sync_copy(
                block,
                out_hbm.at[b, pl.ds((w % NUM_ROW_BLOCKS) * ROWS_PER_BLOCK,
                                    ROWS_PER_BLOCK), :])

    return adj_kernel(edges_flat)


QCHUNK = 256


def _attention_body(x_ref, wq_ref, bq_ref, wk_ref, bk_ref, wv_ref, bv_ref,
                    wo_ref, bo_ref, wc_ref, bc_ref, out_ref,
                    k_scr, v_scr, woe_scr, boe_scr):
    i = pl.program_id(0)

    @pl.when(i == 0)
    def _():
        xf = x_ref[...]
        k_scr[...] = jnp.dot(xf, wk_ref[...], preferred_element_type=jnp.float32) + bk_ref[...]
        v_scr[...] = jnp.dot(xf, wv_ref[...], preferred_element_type=jnp.float32) + bv_ref[...]
        wce = wc_ref[0:C, :] + wc_ref[C:2 * C, :]
        woe_scr[...] = jnp.dot(wo_ref[...], wce, preferred_element_type=jnp.float32)
        boe_scr[...] = jnp.dot(bo_ref[...], wce, preferred_element_type=jnp.float32) + bc_ref[...]

    xb = x_ref[pl.ds(i * N, N), :]
    q = jnp.dot(xb, wq_ref[...], preferred_element_type=jnp.float32) + bq_ref[...]
    kf = k_scr[...]
    vf = v_scr[...]
    woe = woe_scr[...]
    boe = boe_scr[...]
    for j in range(N // QCHUNK):
        qj = q[j * QCHUNK:(j + 1) * QCHUNK]
        sc = lax.dot_general(qj, kf, (((1,), (1,)), ((), ())),
                             preferred_element_type=jnp.float32)
        e = jnp.exp(sc)
        inv = 1.0 / jnp.sum(e, axis=1, keepdims=True)
        att = jnp.dot(e, vf, preferred_element_type=jnp.float32) * inv
        res = jnp.dot(att, woe, preferred_element_type=jnp.float32) + boe
        out_ref[0, pl.ds(j * QCHUNK, QCHUNK), :] = res


def _gnn_body(x_ref, a_ref, ws_ref, wn_ref, bg_ref, att_ref, out_ref):
    i = pl.program_id(0)
    xb = x_ref[pl.ds(i * N, N), :]
    ab = a_ref[0]
    inv_deg = 1.0 / jnp.maximum(jnp.sum(ab, axis=1, keepdims=True), 1.0)
    ab16 = ab.astype(jnp.bfloat16)
    h = xb
    for l in range(L):
        agg = jnp.dot(ab16, h.astype(jnp.bfloat16),
                      preferred_element_type=jnp.float32) * inv_deg
        h = jnp.tanh(jnp.dot(h, ws_ref[l], preferred_element_type=jnp.float32)
                     + jnp.dot(agg, wn_ref[l], preferred_element_type=jnp.float32)
                     + bg_ref[l])
    out_ref[0, :, 0:C] = h
    out_ref[0, :, pl.ds(C, C)] = att_ref[0]


def _full(shape):
    return pl.BlockSpec(shape, lambda i: (0,) * len(shape))


def _attention(x, wq, bq, wk, bk, wv, bv, wo, bo, wc, bc):
    return pl.pallas_call(
        _attention_body,
        grid=(B,),
        in_specs=[
            _full((T, C)),
            _full((C, C)), _full((1, C)),
            _full((C, C)), _full((1, C)),
            _full((C, C)), _full((1, C)),
            _full((C, C)), _full((1, C)),
            _full((2 * C, C)), _full((1, C)),
        ],
        out_specs=pl.BlockSpec((1, N, C), lambda i: (i, 0, 0)),
        out_shape=jax.ShapeDtypeStruct((B, N, C), jnp.float32),
        scratch_shapes=[
            pltpu.VMEM((T, C), jnp.float32),
            pltpu.VMEM((T, C), jnp.float32),
            pltpu.VMEM((C, C), jnp.float32),
            pltpu.VMEM((1, C), jnp.float32),
        ],
        compiler_params=pltpu.CompilerParams(
            dimension_semantics=("arbitrary",),
        ),
    )(x, wq, bq, wk, bk, wv, bv, wo, bo, wc, bc)


def _gnn(x, a3, w_self, w_nei, b_gnn, att):
    return pl.pallas_call(
        _gnn_body,
        grid=(B,),
        in_specs=[
            _full((T, C)),
            pl.BlockSpec((1, N, N), lambda i: (i, 0, 0)),
            _full((L, C, C)),
            _full((L, C, C)),
            _full((L, 1, C)),
            pl.BlockSpec((1, N, C), lambda i: (i, 0, 0)),
        ],
        out_specs=pl.BlockSpec((1, N, 2 * C), lambda i: (i, 0, 0)),
        out_shape=jax.ShapeDtypeStruct((B, N, 2 * C), jnp.float32),
        compiler_params=pltpu.CompilerParams(
            dimension_semantics=("arbitrary",),
        ),
    )(x, a3, w_self, w_nei, b_gnn, att)


def kernel(batch_node_tsr, edge_index, batch_last_node_idx_list, W_self, W_nei,
           b_gnn, Wq, bq, Wk, bk, Wv, bv, Wo, bo, Wc, bc):
    del batch_last_node_idx_list
    x = batch_node_tsr.reshape(T, C)
    a3 = _build_adjacency(edge_index.reshape(-1))
    att_out = _attention(x, Wq, bq.reshape(1, C), Wk, bk.reshape(1, C),
                         Wv, bv.reshape(1, C), Wo, bo.reshape(1, C),
                         Wc, bc.reshape(1, C))
    return _gnn(x, a3, W_self, W_nei, b_gnn.reshape(L, 1, C), att_out)

# --- scband reference (transcript-rebuilt; emitter-appended) ---
"""Pipeline reference for scband-pre-embedded-graph-encoder-with-attention-6193342841319 (READ-ONLY COPY).

The authoritative reference and input builder live on the scoring server;
editing this copy changes nothing except your own understanding.
"""

import jax, jax.numpy as jnp
import numpy as np

B, N, C = 4, 1024, 128
E = 32768
L = 4
T = B * N


def setup_inputs(seed: int = 0) -> dict:
    key = jax.random.key(seed)
    ks = jax.random.split(key, 16)
    inp = {}
    inp["batch_node_tsr"] = jax.random.normal(ks[0], (B, N, C), dtype=jnp.float32)
    inp["edge_index"] = jax.random.randint(ks[1], (B, 2, E), 0, N, dtype=jnp.int32)
    inp["batch_last_node_idx_list"] = jax.random.randint(ks[2], (B,), 0, N, dtype=jnp.int32)
    # GNN layer params (sage_mean constructor: self-transform + mean-neighbor transform)
    inp["W_self"] = jax.random.normal(ks[3], (L, C, C), dtype=jnp.float32) * 0.05
    inp["W_nei"] = jax.random.normal(ks[4], (L, C, C), dtype=jnp.float32) * 0.05
    inp["b_gnn"] = jnp.zeros((L, C), dtype=jnp.float32)
    # DoubleHeadedAttention params (input_dim = attention_dim = hidden_size = C)
    inp["Wq"] = jax.random.normal(ks[5], (C, C), dtype=jnp.float32) * 0.05
    inp["bq"] = jnp.zeros((C,), dtype=jnp.float32)
    inp["Wk"] = jax.random.normal(ks[6], (C, C), dtype=jnp.float32) * 0.05
    inp["bk"] = jnp.zeros((C,), dtype=jnp.float32)
    inp["Wv"] = jax.random.normal(ks[7], (C, C), dtype=jnp.float32) * 0.05
    inp["bv"] = jnp.zeros((C,), dtype=jnp.float32)
    inp["Wo"] = jax.random.normal(ks[8], (C, C), dtype=jnp.float32) * 0.05
    inp["bo"] = jnp.zeros((C,), dtype=jnp.float32)
    # combination_layer: Linear(2*hidden, hidden)
    inp["Wc"] = jax.random.normal(ks[9], (2 * C, C), dtype=jnp.float32) * 0.05
    inp["bc"] = jnp.zeros((C,), dtype=jnp.float32)
    return inp


def reference(batch_node_tsr, edge_index, batch_last_node_idx_list, W_self, W_nei, b_gnn,
              Wq, bq, Wk, bk, Wv, bv, Wo, bo, Wc, bc):
    # Batch the per-graph edge lists with node-index offsets (torch_geometric Batch.from_data_list)
    offsets = (jnp.arange(B, dtype=edge_index.dtype) * N)[:, None]
    src = (edge_index[:, 0, :] + offsets).reshape(-1)
    dst = (edge_index[:, 1, :] + offsets).reshape(-1)
    x0 = batch_node_tsr.reshape(T, C)  # torch_geo_batch.x (dropout is identity in eval / p=0)
    deg = jax.ops.segment_sum(jnp.ones_like(src, dtype=jnp.float32), dst, num_segments=T)
    deg = jnp.clip(deg, 1.0, None)[:, None]
    h = x0
    for i in range(L):
        msgs = jnp.take(h, src, axis=0)                      # gather source node features
        agg = jax.ops.segment_sum(msgs, dst, num_segments=T) / deg  # mean aggregation
        h = h @ W_self[i] + agg @ W_nei[i] + b_gnn[i]
        h = jnp.tanh(h)                                       # self.activ
    # fixed-size graphs: per-graph embedding extraction is a reshape
    batch_embedding = h.reshape(B, N, C)
    # DoubleHeadedAttention over torch_geo_batch.x with input1 = input2 = x0
    q1 = x0 @ Wq + bq
    q2 = x0 @ Wq + bq
    k1 = x0 @ Wk + bk
    k2 = x0 @ Wk + bk
    v1 = x0 @ Wv + bv
    v2 = x0 @ Wv + bv
    att1 = jax.nn.softmax(q1 @ k2.T, axis=-1)
    att2 = jax.nn.softmax(q2 @ k1.T, axis=-1)
    attended1 = att1 @ v2
    attended2 = att2 @ v1
    out1 = attended1 @ Wo + bo
    out2 = attended2 @ Wo + bo
    combined = jnp.concatenate([out1, out2], axis=-1)
    att_output = combined @ Wc + bc
    return jnp.concatenate([batch_embedding, att_output.reshape(B, N, C)], axis=-1)

if __name__ == "__main__":
    import jax
    _d = setup_inputs()
    print(jax.jit(kernel)(*tuple(_d.values())))

</pallas_src>

<mosaic_0001>
#map = affine_map<(d0, d1) -> (0)>
#map1 = affine_map<(d0, d1) -> (0, 0, 0)>
module attributes {stable_mosaic.version = 14 : i64} {
  func.func @adj_kernel(%arg0: i32, %arg1: i32, %arg2: memref<262144xi32, #tpu.memory_space<hbm>>, %arg3: memref<4x1024x1024xf32, #tpu.memory_space<hbm>>, %arg4: memref<64x1024xf32, #tpu.memory_space<vmem>>, %arg5: memref<4096xi32, #tpu.memory_space<vmem>>, %arg6: memref<4096xi32, #tpu.memory_space<vmem>>, %arg7: memref<4096xi32, #tpu.memory_space<vmem>>, %arg8: memref<4096xi32, #tpu.memory_space<vmem>>, %arg9: memref<!tpu.dma_semaphore, #tpu.memory_space<semaphore_mem>>, %arg10: memref<!tpu.dma_semaphore, #tpu.memory_space<semaphore_mem>>) attributes {dimension_semantics = [#tpu.dimension_semantics<core_parallel>, #tpu.dimension_semantics<subcore_parallel>], iteration_bounds = array<i64: 2, 16>, scalar_prefetch = 0 : i64, scratch_operands = 7 : i64, tpu.core_type = #tpu.core_type<sc_vector_subcore>, window_params = [{transform_indices = #map}, {transform_indices = #map1}]} {
    %mul3A = arith.constant 2 : i32
    %mul3A_0 = arith.muli %arg1, %mul3A : i32
    %add3A = arith.addi %mul3A_0, %arg0 : i32
    %broadcast_in_dim3A = arith.constant 0.000000e+00 : f32
    %broadcast_in_dim3A_1 = vector.broadcast %broadcast_in_dim3A : f32 to vector<16xf32>
    %broadcast_in_dim3A_2 = arith.constant 1.000000e+00 : f32
    %broadcast_in_dim3A_3 = vector.broadcast %broadcast_in_dim3A_2 : f32 to vector<16xf32>
    %mul3A_4 = arith.constant 2 : i32
    %mul3A_5 = arith.muli %add3A, %mul3A_4 : i32
    %add3A_6 = arith.constant 0 : i32
    %add3A_7 = arith.addi %mul3A_5, %add3A_6 : i32
    %jit3A = arith.constant 16 : i32
    %div3A = arith.divsi %add3A_7, %jit3A : i32
    %sign3A = arith.constant 0 : i32
    %sign3A_8 = arith.cmpi sgt, %add3A_7, %sign3A : i32
    %sign3A_9 = arith.extui %sign3A_8 : i1 to i32
    %sign3A_10 = arith.constant 0 : i32
    %sign3A_11 = arith.cmpi slt, %add3A_7, %sign3A_10 : i32
    %sign3A_12 = arith.extui %sign3A_11 : i1 to i32
    %sign3A_13 = arith.subi %sign3A_9, %sign3A_12 : i32
    %sign3A_14 = arith.constant 0 : i32
    %sign3A_15 = arith.cmpi sgt, %jit3A, %sign3A_14 : i32
    %sign3A_16 = arith.extui %sign3A_15 : i1 to i32
    %sign3A_17 = arith.constant 0 : i32
    %sign3A_18 = arith.cmpi slt, %jit3A, %sign3A_17 : i32
    %sign3A_19 = arith.extui %sign3A_18 : i1 to i32
    %sign3A_20 = arith.subi %sign3A_16, %sign3A_19 : i32
    %ne3A = arith.cmpi ne, %sign3A_13, %sign3A_20 : i32
    %rem3A = arith.remsi %add3A_7, %jit3A : i32
    %ne3A_21 = arith.constant 0 : i32
    %ne3A_22 = arith.cmpi ne, %rem3A, %ne3A_21 : i32
    %and3A = arith.andi %ne3A, %ne3A_22 : i1
    %sub3A = arith.constant 1 : i32
    %sub3A_23 = arith.subi %div3A, %sub3A : i32
    %select_n3A = arith.select %and3A, %sub3A_23, %div3A : i32
    %jit3A_24 = arith.constant 16 : i32
    %eq3A = arith.constant 0 : i32
    %eq3A_25 = arith.cmpi eq, %jit3A_24, %eq3A : i32
    %jit3A_26 = arith.constant 1 : i32
    %select_n3A_27 = arith.select %eq3A_25, %jit3A_26, %jit3A_24 : i32
    %rem3A_28 = arith.remsi %add3A_7, %select_n3A_27 : i32
    %ne3A_29 = arith.constant 0 : i32
    %ne3A_30 = arith.cmpi ne, %rem3A_28, %ne3A_29 : i32
    %lt3A = arith.constant 0 : i32
    %lt3A_31 = arith.cmpi slt, %rem3A_28, %lt3A : i32
    %lt3A_32 = arith.constant 0 : i32
    %lt3A_33 = arith.cmpi slt, %select_n3A_27, %lt3A_32 : i32
    %ne3A_34 = arith.xori %lt3A_31, %lt3A_33 : i1
    %and3A_35 = arith.andi %ne3A_34, %ne3A_30 : i1
    %add3A_36 = arith.addi %rem3A_28, %select_n3A_27 : i32
    %select_n3A_37 = arith.select %and3A_35, %add3A_36, %rem3A_28 : i32
    %mul3A_38 = arith.constant 64 : i32
    %mul3A_39 = arith.muli %select_n3A_37, %mul3A_38 : i32
    %mul3A_40 = arith.constant 2 : i32
    %mul3A_41 = arith.muli %select_n3A, %mul3A_40 : i32
    %mul3A_42 = arith.constant 32768 : i32
    %mul3A_43 = arith.muli %mul3A_41, %mul3A_42 : i32
    %mul3A_44 = arith.constant 2 : i32
    %mul3A_45 = arith.muli %select_n3A, %mul3A_44 : i32
    %mul3A_46 = arith.constant 32768 : i32
    %mul3A_47 = arith.muli %mul3A_45, %mul3A_46 : i32
    %add3A_48 = arith.constant 32768 : i32
    %add3A_49 = arith.addi %mul3A_47, %add3A_48 : i32
    %dma_start3A = tpu.memref_slice %arg2[%mul3A_43] : memref<262144xi32, #tpu.memory_space<hbm>> -> memref<4096xi32, #tpu.memory_space<hbm>>
    %dma_start3A_50 = tpu.memref_slice %arg2[%mul3A_43] : memref<262144xi32, #tpu.memory_space<hbm>> -> memref<4096xi32, #tpu.memory_space<hbm>>
    tpu.enqueue_dma source(%dma_start3A_50 : memref<4096xi32, #tpu.memory_space<hbm>>) target(%arg5 : memref<4096xi32, #tpu.memory_space<vmem>>) target_semaphore(%arg9 : memref<!tpu.dma_semaphore, #tpu.memory_space<semaphore_mem>>)
    %dma_start3A_51 = tpu.memref_slice %arg2[%add3A_49] : memref<262144xi32, #tpu.memory_space<hbm>> -> memref<4096xi32, #tpu.memory_space<hbm>>
    %dma_start3A_52 = tpu.memref_slice %arg2[%add3A_49] : memref<262144xi32, #tpu.memory_space<hbm>> -> memref<4096xi32, #tpu.memory_space<hbm>>
    tpu.enqueue_dma source(%dma_start3A_52 : memref<4096xi32, #tpu.memory_space<hbm>>) target(%arg7 : memref<4096xi32, #tpu.memory_space<vmem>>) target_semaphore(%arg9 : memref<!tpu.dma_semaphore, #tpu.memory_space<semaphore_mem>>)
    %parallel_loop3A = arith.constant 0 : i32
    %parallel_loop3A_53 = arith.constant 65536 : i32
    %parallel_loop3A_54 = arith.constant 16 : i32
    scf.for %parallel_loop3A_377 = %parallel_loop3A to %parallel_loop3A_53 step %parallel_loop3A_54  : i32 {
      %parallel_loop3A_378 = arith.constant 10 : i32
      %parallel_loop3A_379 = arith.shrsi %parallel_loop3A_377, %parallel_loop3A_378 : i32
      %parallel_loop3A_380 = arith.constant 1023 : i32
      %parallel_loop3A_381 = arith.andi %parallel_loop3A_377, %parallel_loop3A_380 : i32
      %parallel_loop3A_382 = arith.index_cast %parallel_loop3A_379 : i32 to index
      %parallel_loop3A_383 = arith.index_cast %parallel_loop3A_381 : i32 to index
      %parallel_loop3A_384 = tpu.vector_load %arg4[%parallel_loop3A_382, %parallel_loop3A_383] {strides = array<i32>} : memref<64x1024xf32, #tpu.memory_space<vmem>>, vector<16xf32>,
      tpu.vector_store %arg4[%parallel_loop3A_382, %parallel_loop3A_383], %broadcast_in_dim3A_1 {strides = array<i32>} : memref<64x1024xf32, #tpu.memory_space<vmem>>, vector<16xf32>,
    } {sc.loop_unroll_factor = 8 : i64, sc.parallel_access}
    %dma_wait3A = tpu.memref_slice %arg2[%mul3A_43] : memref<262144xi32, #tpu.memory_space<hbm>> -> memref<4096xi32, #tpu.memory_space<hbm>>
    %dma_wait3A_55 = tpu.memref_slice %arg2[%mul3A_43] : memref<262144xi32, #tpu.memory_space<hbm>> -> memref<4096xi32, #tpu.memory_space<hbm>>
    tpu.wait_dma2 semaphore(%arg9 : memref<!tpu.dma_semaphore, #tpu.memory_space<semaphore_mem>>) src(%dma_wait3A_55 : memref<4096xi32, #tpu.memory_space<hbm>>) dst(%arg5 : memref<4096xi32, #tpu.memory_space<vmem>>)
    %dma_wait3A_56 = tpu.memref_slice %arg2[%add3A_49] : memref<262144xi32, #tpu.memory_space<hbm>> -> memref<4096xi32, #tpu.memory_space<hbm>>
    %dma_wait3A_57 = tpu.memref_slice %arg2[%add3A_49] : memref<262144xi32, #tpu.memory_space<hbm>> -> memref<4096xi32, #tpu.memory_space<hbm>>
    tpu.wait_dma2 semaphore(%arg9 : memref<!tpu.dma_semaphore, #tpu.memory_space<semaphore_mem>>) src(%dma_wait3A_57 : memref<4096xi32, #tpu.memory_space<hbm>>) dst(%arg7 : memref<4096xi32, #tpu.memory_space<vmem>>)
    %add3A_58 = arith.constant 4096 : i32
    %add3A_59 = arith.addi %mul3A_43, %add3A_58 : i32
    %dma_start3A_60 = tpu.memref_slice %arg2[%add3A_59] : memref<262144xi32, #tpu.memory_space<hbm>> -> memref<4096xi32, #tpu.memory_space<hbm>>
    %dma_start3A_61 = tpu.memref_slice %arg2[%add3A_59] : memref<262144xi32, #tpu.memory_space<hbm>> -> memref<4096xi32, #tpu.memory_space<hbm>>
    tpu.enqueue_dma source(%dma_start3A_61 : memref<4096xi32, #tpu.memory_space<hbm>>) target(%arg6 : memref<4096xi32, #tpu.memory_space<vmem>>) target_semaphore(%arg10 : memref<!tpu.dma_semaphore, #tpu.memory_space<semaphore_mem>>)
    %add3A_62 = arith.constant 4096 : i32
    %add3A_63 = arith.addi %add3A_49, %add3A_62 : i32
    %dma_start3A_64 = tpu.memref_slice %arg2[%add3A_63] : memref<262144xi32, #tpu.memory_space<hbm>> -> memref<4096xi32, #tpu.memory_space<hbm>>
    %dma_start3A_65 = tpu.memref_slice %arg2[%add3A_63] : memref<262144xi32, #tpu.memory_space<hbm>> -> memref<4096xi32, #tpu.memory_space<hbm>>
    tpu.enqueue_dma source(%dma_start3A_65 : memref<4096xi32, #tpu.memory_space<hbm>>) target(%arg8 : memref<4096xi32, #tpu.memory_space<vmem>>) target_semaphore(%arg10 : memref<!tpu.dma_semaphore, #tpu.memory_space<semaphore_mem>>)
    %parallel_loop3A_66 = arith.constant 0 : i32
    %parallel_loop3A_67 = arith.constant 4096 : i32
    %parallel_loop3A_68 = arith.constant 16 : i32
    scf.for %parallel_loop3A_377 = %parallel_loop3A_66 to %parallel_loop3A_67 step %parallel_loop3A_68  : i32 {
      %parallel_loop3A_378 = arith.index_cast %parallel_loop3A_377 : i32 to index
      %parallel_loop3A_379 = tpu.vector_load %arg5[%parallel_loop3A_378] {strides = array<i32>} : memref<4096xi32, #tpu.memory_space<vmem>>, vector<16xi32>,
      %parallel_loop3A_380 = arith.index_cast %parallel_loop3A_377 : i32 to index
      %parallel_loop3A_381 = tpu.vector_load %arg7[%parallel_loop3A_380] {strides = array<i32>} : memref<4096xi32, #tpu.memory_space<vmem>>, vector<16xi32>,
      %parallel_loop3A_382 = vector.broadcast %mul3A_39 : i32 to vector<16xi32>
      %parallel_loop3A_383 = arith.subi %parallel_loop3A_381, %parallel_loop3A_382 : vector<16xi32>
      %parallel_loop3A_384 = arith.constant 0 : i32
      %parallel_loop3A_385 = vector.broadcast %parallel_loop3A_384 : i32 to vector<16xi32>
      %parallel_loop3A_386 = arith.cmpi sge, %parallel_loop3A_383, %parallel_loop3A_385 : vector<16xi32>
      %parallel_loop3A_387 = arith.constant 64 : i32
      %parallel_loop3A_388 = vector.broadcast %parallel_loop3A_387 : i32 to vector<16xi32>
      %parallel_loop3A_389 = arith.cmpi slt, %parallel_loop3A_383, %parallel_loop3A_388 : vector<16xi32>
      %parallel_loop3A_390 = arith.andi %parallel_loop3A_386, %parallel_loop3A_389 : vector<16xi1>
      %parallel_loop3A_391 = arith.constant 0 : i32
      %parallel_loop3A_392 = vector.broadcast %parallel_loop3A_391 : i32 to vector<16xi32>
      %parallel_loop3A_393 = arith.select %parallel_loop3A_390, %parallel_loop3A_383, %parallel_loop3A_392 : vector<16xi1>, vector<16xi32>
      tpu.vector_store_idx %arg4[%parallel_loop3A_393, %parallel_loop3A_379], %broadcast_in_dim3A_3 masked %parallel_loop3A_390 {add = true} : memref<64x1024xf32, #tpu.memory_space<vmem>>[vector<16xi32>, vector<16xi32>], vector<16xf32>, vector<16xi1>
    } {sc.loop_unroll_factor = 4 : i64, sc.parallel_access}
    %dma_wait3A_69 = tpu.memref_slice %arg2[%add3A_59] : memref<262144xi32, #tpu.memory_space<hbm>> -> memref<4096xi32, #tpu.memory_space<hbm>>
    %dma_wait3A_70 = tpu.memref_slice %arg2[%add3A_59] : memref<262144xi32, #tpu.memory_space<hbm>> -> memref<4096xi32, #tpu.memory_space<hbm>>
    tpu.wait_dma2 semaphore(%arg10 : memref<!tpu.dma_semaphore, #tpu.memory_space<semaphore_mem>>) src(%dma_wait3A_70 : memref<4096xi32, #tpu.memory_space<hbm>>) dst(%arg6 : memref<4096xi32, #tpu.memory_space<vmem>>)
    %dma_wait3A_71 = tpu.memref_slice %arg2[%add3A_63] : memref<262144xi32, #tpu.memory_space<hbm>> -> memref<4096xi32, #tpu.memory_space<hbm>>
    %dma_wait3A_72 = tpu.memref_slice %arg2[%add3A_63] : memref<262144xi32, #tpu.memory_space<hbm>> -> memref<4096xi32, #tpu.memory_space<hbm>>
    tpu.wait_dma2 semaphore(%arg10 : memref<!tpu.dma_semaphore, #tpu.memory_space<semaphore_mem>>) src(%dma_wait3A_72 : memref<4096xi32, #tpu.memory_space<hbm>>) dst(%arg8 : memref<4096xi32, #tpu.memory_space<vmem>>)
    %add3A_73 = arith.constant 8192 : i32
    %add3A_74 = arith.addi %mul3A_43, %add3A_73 : i32
    %dma_start3A_75 = tpu.memref_slice %arg2[%add3A_74] : memref<262144xi32, #tpu.memory_space<hbm>> -> memref<4096xi32, #tpu.memory_space<hbm>>
    %dma_start3A_76 = tpu.memref_slice %arg2[%add3A_74] : memref<262144xi32, #tpu.memory_space<hbm>> -> memref<4096xi32, #tpu.memory_space<hbm>>
    tpu.enqueue_dma source(%dma_start3A_76 : memref<4096xi32, #tpu.memory_space<hbm>>) target(%arg5 : memref<4096xi32, #tpu.memory_space<vmem>>) target_semaphore(%arg9 : memref<!tpu.dma_semaphore, #tpu.memory_space<semaphore_mem>>)
    %add3A_77 = arith.constant 8192 : i32
    %add3A_78 = arith.addi %add3A_49, %add3A_77 : i32
    %dma_start3A_79 = tpu.memref_slice %arg2[%add3A_78] : memref<262144xi32, #tpu.memory_space<hbm>> -> memref<4096xi32, #tpu.memory_space<hbm>>
    %dma_start3A_80 = tpu.memref_slice %arg2[%add3A_78] : memref<262144xi32, #tpu.memory_space<hbm>> -> memref<4096xi32, #tpu.memory_space<hbm>>
    tpu.enqueue_dma source(%dma_start3A_80 : memref<4096xi32, #tpu.memory_space<hbm>>) target(%arg7 : memref<4096xi32, #tpu.memory_space<vmem>>) target_semaphore(%arg9 : memref<!tpu.dma_semaphore, #tpu.memory_space<semaphore_mem>>)
    %parallel_loop3A_81 = arith.constant 0 : i32
    %parallel_loop3A_82 = arith.constant 4096 : i32
    %parallel_loop3A_83 = arith.constant 16 : i32
    scf.for %parallel_loop3A_377 = %parallel_loop3A_81 to %parallel_loop3A_82 step %parallel_loop3A_83  : i32 {
      %parallel_loop3A_378 = arith.index_cast %parallel_loop3A_377 : i32 to index
      %parallel_loop3A_379 = tpu.vector_load %arg6[%parallel_loop3A_378] {strides = array<i32>} : memref<4096xi32, #tpu.memory_space<vmem>>, vector<16xi32>,
      %parallel_loop3A_380 = arith.index_cast %parallel_loop3A_377 : i32 to index
      %parallel_loop3A_381 = tpu.vector_load %arg8[%parallel_loop3A_380] {strides = array<i32>} : memref<4096xi32, #tpu.memory_space<vmem>>, vector<16xi32>,
      %parallel_loop3A_382 = vector.broadcast %mul3A_39 : i32 to vector<16xi32>
      %parallel_loop3A_383 = arith.subi %parallel_loop3A_381, %parallel_loop3A_382 : vector<16xi32>
      %parallel_loop3A_384 = arith.constant 0 : i32
      %parallel_loop3A_385 = vector.broadcast %parallel_loop3A_384 : i32 to vector<16xi32>
      %parallel_loop3A_386 = arith.cmpi sge, %parallel_loop3A_383, %parallel_loop3A_385 : vector<16xi32>
      %parallel_loop3A_387 = arith.constant 64 : i32
      %parallel_loop3A_388 = vector.broadcast %parallel_loop3A_387 : i32 to vector<16xi32>
      %parallel_loop3A_389 = arith.cmpi slt, %parallel_loop3A_383, %parallel_loop3A_388 : vector<16xi32>
      %parallel_loop3A_390 = arith.andi %parallel_loop3A_386, %parallel_loop3A_389 : vector<16xi1>
      %parallel_loop3A_391 = arith.constant 0 : i32
      %parallel_loop3A_392 = vector.broadcast %parallel_loop3A_391 : i32 to vector<16xi32>
      %parallel_loop3A_393 = arith.select %parallel_loop3A_390, %parallel_loop3A_383, %parallel_loop3A_392 : vector<16xi1>, vector<16xi32>
      tpu.vector_store_idx %arg4[%parallel_loop3A_393, %parallel_loop3A_379], %broadcast_in_dim3A_3 masked %parallel_loop3A_390 {add = true} : memref<64x1024xf32, #tpu.memory_space<vmem>>[vector<16xi32>, vector<16xi32>], vector<16xf32>, vector<16xi1>
    } {sc.loop_unroll_factor = 4 : i64, sc.parallel_access}
    %dma_wait3A_84 = tpu.memref_slice %arg2[%add3A_74] : memref<262144xi32, #tpu.memory_space<hbm>> -> memref<4096xi32, #tpu.memory_space<hbm>>
    %dma_wait3A_85 = tpu.memref_slice %arg2[%add3A_74] : memref<262144xi32, #tpu.memory_space<hbm>> -> memref<4096xi32, #tpu.memory_space<hbm>>
    tpu.wait_dma2 semaphore(%arg9 : memref<!tpu.dma_semaphore, #tpu.memory_space<semaphore_mem>>) src(%dma_wait3A_85 : memref<4096xi32, #tpu.memory_space<hbm>>) dst(%arg5 : memref<4096xi32, #tpu.memory_space<vmem>>)
    %dma_wait3A_86 = tpu.memref_slice %arg2[%add3A_78] : memref<262144xi32, #tpu.memory_space<hbm>> -> memref<4096xi32, #tpu.memory_space<hbm>>
    %dma_wait3A_87 = tpu.memref_slice %arg2[%add3A_78] : memref<262144xi32, #tpu.memory_space<hbm>> -> memref<4096xi32, #tpu.memory_space<hbm>>
    tpu.wait_dma2 semaphore(%arg9 : memref<!tpu.dma_semaphore, #tpu.memory_space<semaphore_mem>>) src(%dma_wait3A_87 : memref<4096xi32, #tpu.memory_space<hbm>>) dst(%arg7 : memref<4096xi32, #tpu.memory_space<vmem>>)
    %add3A_88 = arith.constant 12288 : i32
    %add3A_89 = arith.addi %mul3A_43, %add3A_88 : i32
    %dma_start3A_90 = tpu.memref_slice %arg2[%add3A_89] : memref<262144xi32, #tpu.memory_space<hbm>> -> memref<4096xi32, #tpu.memory_space<hbm>>
    %dma_start3A_91 = tpu.memref_slice %arg2[%add3A_89] : memref<262144xi32, #tpu.memory_space<hbm>> -> memref<4096xi32, #tpu.memory_space<hbm>>
    tpu.enqueue_dma source(%dma_start3A_91 : memref<4096xi32, #tpu.memory_space<hbm>>) target(%arg6 : memref<4096xi32, #tpu.memory_space<vmem>>) target_semaphore(%arg10 : memref<!tpu.dma_semaphore, #tpu.memory_space<semaphore_mem>>)
    %add3A_92 = arith.constant 12288 : i32
    %add3A_93 = arith.addi %add3A_49, %add3A_92 : i32
    %dma_start3A_94 = tpu.memref_slice %arg2[%add3A_93] : memref<262144xi32, #tpu.memory_space<hbm>> -> memref<4096xi32, #tpu.memory_space<hbm>>
    %dma_start3A_95 = tpu.memref_slice %arg2[%add3A_93] : memref<262144xi32, #tpu.memory_space<hbm>> -> memref<4096xi32, #tpu.memory_space<hbm>>
    tpu.enqueue_dma source(%dma_start3A_95 : memref<4096xi32, #tpu.memory_space<hbm>>) target(%arg8 : memref<4096xi32, #tpu.memory_space<vmem>>) target_semaphore(%arg10 : memref<!tpu.dma_semaphore, #tpu.memory_space<semaphore_mem>>)
    %parallel_loop3A_96 = arith.constant 0 : i32
    %parallel_loop3A_97 = arith.constant 4096 : i32
    %parallel_loop3A_98 = arith.constant 16 : i32
    scf.for %parallel_loop3A_377 = %parallel_loop3A_96 to %parallel_loop3A_97 step %parallel_loop3A_98  : i32 {
      %parallel_loop3A_378 = arith.index_cast %parallel_loop3A_377 : i32 to index
      %parallel_loop3A_379 = tpu.vector_load %arg5[%parallel_loop3A_378] {strides = array<i32>} : memref<4096xi32, #tpu.memory_space<vmem>>, vector<16xi32>,
      %parallel_loop3A_380 = arith.index_cast %parallel_loop3A_377 : i32 to index
      %parallel_loop3A_381 = tpu.vector_load %arg7[%parallel_loop3A_380] {strides = array<i32>} : memref<4096xi32, #tpu.memory_space<vmem>>, vector<16xi32>,
      %parallel_loop3A_382 = vector.broadcast %mul3A_39 : i32 to vector<16xi32>
      %parallel_loop3A_383 = arith.subi %parallel_loop3A_381, %parallel_loop3A_382 : vector<16xi32>
      %parallel_loop3A_384 = arith.constant 0 : i32
      %parallel_loop3A_385 = vector.broadcast %parallel_loop3A_384 : i32 to vector<16xi32>
      %parallel_loop3A_386 = arith.cmpi sge, %parallel_loop3A_383, %parallel_loop3A_385 : vector<16xi32>
      %parallel_loop3A_387 = arith.constant 64 : i32
      %parallel_loop3A_388 = vector.broadcast %parallel_loop3A_387 : i32 to vector<16xi32>
      %parallel_loop3A_389 = arith.cmpi slt, %parallel_loop3A_383, %parallel_loop3A_388 : vector<16xi32>
      %parallel_loop3A_390 = arith.andi %parallel_loop3A_386, %parallel_loop3A_389 : vector<16xi1>
      %parallel_loop3A_391 = arith.constant 0 : i32
      %parallel_loop3A_392 = vector.broadcast %parallel_loop3A_391 : i32 to vector<16xi32>
      %parallel_loop3A_393 = arith.select %parallel_loop3A_390, %parallel_loop3A_383, %parallel_loop3A_392 : vector<16xi1>, vector<16xi32>
      tpu.vector_store_idx %arg4[%parallel_loop3A_393, %parallel_loop3A_379], %broadcast_in_dim3A_3 masked %parallel_loop3A_390 {add = true} : memref<64x1024xf32, #tpu.memory_space<vmem>>[vector<16xi32>, vector<16xi32>], vector<16xf32>, vector<16xi1>
    } {sc.loop_unroll_factor = 4 : i64, sc.parallel_access}
    %dma_wait3A_99 = tpu.memref_slice %arg2[%add3A_89] : memref<262144xi32, #tpu.memory_space<hbm>> -> memref<4096xi32, #tpu.memory_space<hbm>>
    %dma_wait3A_100 = tpu.memref_slice %arg2[%add3A_89] : memref<262144xi32, #tpu.memory_space<hbm>> -> memref<4096xi32, #tpu.memory_space<hbm>>
    tpu.wait_dma2 semaphore(%arg10 : memref<!tpu.dma_semaphore, #tpu.memory_space<semaphore_mem>>) src(%dma_wait3A_100 : memref<4096xi32, #tpu.memory_space<hbm>>) dst(%arg6 : memref<4096xi32, #tpu.memory_space<vmem>>)
    %dma_wait3A_101 = tpu.memref_slice %arg2[%add3A_93] : memref<262144xi32, #tpu.memory_space<hbm>> -> memref<4096xi32, #tpu.memory_space<hbm>>
    %dma_wait3A_102 = tpu.memref_slice %arg2[%add3A_93] : memref<262144xi32, #tpu.memory_space<hbm>> -> memref<4096xi32, #tpu.memory_space<hbm>>
    tpu.wait_dma2 semaphore(%arg10 : memref<!tpu.dma_semaphore, #tpu.memory_space<semaphore_mem>>) src(%dma_wait3A_102 : memref<4096xi32, #tpu.memory_space<hbm>>) dst(%arg8 : memref<4096xi32, #tpu.memory_space<vmem>>)
    %add3A_103 = arith.constant 16384 : i32
    %add3A_104 = arith.addi %mul3A_43, %add3A_103 : i32
    %dma_start3A_105 = tpu.memref_slice %arg2[%add3A_104] : memref<262144xi32, #tpu.memory_space<hbm>> -> memref<4096xi32, #tpu.memory_space<hbm>>
    %dma_start3A_106 = tpu.memref_slice %arg2[%add3A_104] : memref<262144xi32, #tpu.memory_space<hbm>> -> memref<4096xi32, #tpu.memory_space<hbm>>
    tpu.enqueue_dma source(%dma_start3A_106 : memref<4096xi32, #tpu.memory_space<hbm>>) target(%arg5 : memref<4096xi32, #tpu.memory_space<vmem>>) target_semaphore(%arg9 : memref<!tpu.dma_semaphore, #tpu.memory_space<semaphore_mem>>)
    %add3A_107 = arith.constant 16384 : i32
    %add3A_108 = arith.addi %add3A_49, %add3A_107 : i32
    %dma_start3A_109 = tpu.memref_slice %arg2[%add3A_108] : memref<262144xi32, #tpu.memory_space<hbm>> -> memref<4096xi32, #tpu.memory_space<hbm>>
    %dma_start3A_110 = tpu.memref_slice %arg2[%add3A_108] : memref<262144xi32, #tpu.memory_space<hbm>> -> memref<4096xi32, #tpu.memory_space<hbm>>
    tpu.enqueue_dma source(%dma_start3A_110 : memref<4096xi32, #tpu.memory_space<hbm>>) target(%arg7 : memref<4096xi32, #tpu.memory_space<vmem>>) target_semaphore(%arg9 : memref<!tpu.dma_semaphore, #tpu.memory_space<semaphore_mem>>)
    %parallel_loop3A_111 = arith.constant 0 : i32
    %parallel_loop3A_112 = arith.constant 4096 : i32
    %parallel_loop3A_113 = arith.constant 16 : i32
    scf.for %parallel_loop3A_377 = %parallel_loop3A_111 to %parallel_loop3A_112 step %parallel_loop3A_113  : i32 {
      %parallel_loop3A_378 = arith.index_cast %parallel_loop3A_377 : i32 to index
      %parallel_loop3A_379 = tpu.vector_load %arg6[%parallel_loop3A_378] {strides = array<i32>} : memref<4096xi32, #tpu.memory_space<vmem>>, vector<16xi32>,
      %parallel_loop3A_380 = arith.index_cast %parallel_loop3A_377 : i32 to index
      %parallel_loop3A_381 = tpu.vector_load %arg8[%parallel_loop3A_380] {strides = array<i32>} : memref<4096xi32, #tpu.memory_space<vmem>>, vector<16xi32>,
      %parallel_loop3A_382 = vector.broadcast %mul3A_39 : i32 to vector<16xi32>
      %parallel_loop3A_383 = arith.subi %parallel_loop3A_381, %parallel_loop3A_382 : vector<16xi32>
      %parallel_loop3A_384 = arith.constant 0 : i32
      %parallel_loop3A_385 = vector.broadcast %parallel_loop3A_384 : i32 to vector<16xi32>
      %parallel_loop3A_386 = arith.cmpi sge, %parallel_loop3A_383, %parallel_loop3A_385 : vector<16xi32>
      %parallel_loop3A_387 = arith.constant 64 : i32
      %parallel_loop3A_388 = vector.broadcast %parallel_loop3A_387 : i32 to vector<16xi32>
      %parallel_loop3A_389 = arith.cmpi slt, %parallel_loop3A_383, %parallel_loop3A_388 : vector<16xi32>
      %parallel_loop3A_390 = arith.andi %parallel_loop3A_386, %parallel_loop3A_389 : vector<16xi1>
      %parallel_loop3A_391 = arith.constant 0 : i32
      %parallel_loop3A_392 = vector.broadcast %parallel_loop3A_391 : i32 to vector<16xi32>
      %parallel_loop3A_393 = arith.select %parallel_loop3A_390, %parallel_loop3A_383, %parallel_loop3A_392 : vector<16xi1>, vector<16xi32>
      tpu.vector_store_idx %arg4[%parallel_loop3A_393, %parallel_loop3A_379], %broadcast_in_dim3A_3 masked %parallel_loop3A_390 {add = true} : memref<64x1024xf32, #tpu.memory_space<vmem>>[vector<16xi32>, vector<16xi32>], vector<16xf32>, vector<16xi1>
    } {sc.loop_unroll_factor = 4 : i64, sc.parallel_access}
    %dma_wait3A_114 = tpu.memref_slice %arg2[%add3A_104] : memref<262144xi32, #tpu.memory_space<hbm>> -> memref<4096xi32, #tpu.memory_space<hbm>>
    %dma_wait3A_115 = tpu.memref_slice %arg2[%add3A_104] : memref<262144xi32, #tpu.memory_space<hbm>> -> memref<4096xi32, #tpu.memory_space<hbm>>
    tpu.wait_dma2 semaphore(%arg9 : memref<!tpu.dma_semaphore, #tpu.memory_space<semaphore_mem>>) src(%dma_wait3A_115 : memref<4096xi32, #tpu.memory_space<hbm>>) dst(%arg5 : memref<4096xi32, #tpu.memory_space<vmem>>)
    %dma_wait3A_116 = tpu.memref_slice %arg2[%add3A_108] : memref<262144xi32, #tpu.memory_space<hbm>> -> memref<4096xi32, #tpu.memory_space<hbm>>
    %dma_wait3A_117 = tpu.memref_slice %arg2[%add3A_108] : memref<262144xi32, #tpu.memory_space<hbm>> -> memref<4096xi32, #tpu.memory_space<hbm>>
    tpu.wait_dma2 semaphore(%arg9 : memref<!tpu.dma_semaphore, #tpu.memory_space<semaphore_mem>>) src(%dma_wait3A_117 : memref<4096xi32, #tpu.memory_space<hbm>>) dst(%arg7 : memref<4096xi32, #tpu.memory_space<vmem>>)
    %add3A_118 = arith.constant 20480 : i32
    %add3A_119 = arith.addi %mul3A_43, %add3A_118 : i32
    %dma_start3A_120 = tpu.memref_slice %arg2[%add3A_119] : memref<262144xi32, #tpu.memory_space<hbm>> -> memref<4096xi32, #tpu.memory_space<hbm>>
    %dma_start3A_121 = tpu.memref_slice %arg2[%add3A_119] : memref<262144xi32, #tpu.memory_space<hbm>> -> memref<4096xi32, #tpu.memory_space<hbm>>
    tpu.enqueue_dma source(%dma_start3A_121 : memref<4096xi32, #tpu.memory_space<hbm>>) target(%arg6 : memref<4096xi32, #tpu.memory_space<vmem>>) target_semaphore(%arg10 : memref<!tpu.dma_semaphore, #tpu.memory_space<semaphore_mem>>)
    %add3A_122 = arith.constant 20480 : i32
    %add3A_123 = arith.addi %add3A_49, %add3A_122 : i32
    %dma_start3A_124 = tpu.memref_slice %arg2[%add3A_123] : memref<262144xi32, #tpu.memory_space<hbm>> -> memref<4096xi32, #tpu.memory_space<hbm>>
    %dma_start3A_125 = tpu.memref_slice %arg2[%add3A_123] : memref<262144xi32, #tpu.memory_space<hbm>> -> memref<4096xi32, #tpu.memory_space<hbm>>
    tpu.enqueue_dma source(%dma_start3A_125 : memref<4096xi32, #tpu.memory_space<hbm>>) target(%arg8 : memref<4096xi32, #tpu.memory_space<vmem>>) target_semaphore(%arg10 : memref<!tpu.dma_semaphore, #tpu.memory_space<semaphore_mem>>)
    %parallel_loop3A_126 = arith.constant 0 : i32
    %parallel_loop3A_127 = arith.constant 4096 : i32
    %parallel_loop3A_128 = arith.constant 16 : i32
    scf.for %parallel_loop3A_377 = %parallel_loop3A_126 to %parallel_loop3A_127 step %parallel_loop3A_128  : i32 {
      %parallel_loop3A_378 = arith.index_cast %parallel_loop3A_377 : i32 to index
      %parallel_loop3A_379 = tpu.vector_load %arg5[%parallel_loop3A_378] {strides = array<i32>} : memref<4096xi32, #tpu.memory_space<vmem>>, vector<16xi32>,
      %parallel_loop3A_380 = arith.index_cast %parallel_loop3A_377 : i32 to index
      %parallel_loop3A_381 = tpu.vector_load %arg7[%parallel_loop3A_380] {strides = array<i32>} : memref<4096xi32, #tpu.memory_space<vmem>>, vector<16xi32>,
      %parallel_loop3A_382 = vector.broadcast %mul3A_39 : i32 to vector<16xi32>
      %parallel_loop3A_383 = arith.subi %parallel_loop3A_381, %parallel_loop3A_382 : vector<16xi32>
      %parallel_loop3A_384 = arith.constant 0 : i32
      %parallel_loop3A_385 = vector.broadcast %parallel_loop3A_384 : i32 to vector<16xi32>
      %parallel_loop3A_386 = arith.cmpi sge, %parallel_loop3A_383, %parallel_loop3A_385 : vector<16xi32>
      %parallel_loop3A_387 = arith.constant 64 : i32
      %parallel_loop3A_388 = vector.broadcast %parallel_loop3A_387 : i32 to vector<16xi32>
      %parallel_loop3A_389 = arith.cmpi slt, %parallel_loop3A_383, %parallel_loop3A_388 : vector<16xi32>
      %parallel_loop3A_390 = arith.andi %parallel_loop3A_386, %parallel_loop3A_389 : vector<16xi1>
      %parallel_loop3A_391 = arith.constant 0 : i32
      %parallel_loop3A_392 = vector.broadcast %parallel_loop3A_391 : i32 to vector<16xi32>
      %parallel_loop3A_393 = arith.select %parallel_loop3A_390, %parallel_loop3A_383, %parallel_loop3A_392 : vector<16xi1>, vector<16xi32>
      tpu.vector_store_idx %arg4[%parallel_loop3A_393, %parallel_loop3A_379], %broadcast_in_dim3A_3 masked %parallel_loop3A_390 {add = true} : memref<64x1024xf32, #tpu.memory_space<vmem>>[vector<16xi32>, vector<16xi32>], vector<16xf32>, vector<16xi1>
    } {sc.loop_unroll_factor = 4 : i64, sc.parallel_access}
    %dma_wait3A_129 = tpu.memref_slice %arg2[%add3A_119] : memref<262144xi32, #tpu.memory_space<hbm>> -> memref<4096xi32, #tpu.memory_space<hbm>>
    %dma_wait3A_130 = tpu.memref_slice %arg2[%add3A_119] : memref<262144xi32, #tpu.memory_space<hbm>> -> memref<4096xi32, #tpu.memory_space<hbm>>
    tpu.wait_dma2 semaphore(%arg10 : memref<!tpu.dma_semaphore, #tpu.memory_space<semaphore_mem>>) src(%dma_wait3A_130 : memref<4096xi32, #tpu.memory_space<hbm>>) dst(%arg6 : memref<4096xi32, #tpu.memory_space<vmem>>)
    %dma_wait3A_131 = tpu.memref_slice %arg2[%add3A_123] : memref<262144xi32, #tpu.memory_space<hbm>> -> memref<4096xi32, #tpu.memory_space<hbm>>
    %dma_wait3A_132 = tpu.memref_slice %arg2[%add3A_123] : memref<262144xi32, #tpu.memory_space<hbm>> -> memref<4096xi32, #tpu.memory_space<hbm>>
    tpu.wait_dma2 semaphore(%arg10 : memref<!tpu.dma_semaphore, #tpu.memory_space<semaphore_mem>>) src(%dma_wait3A_132 : memref<4096xi32, #tpu.memory_space<hbm>>) dst(%arg8 : memref<4096xi32, #tpu.memory_space<vmem>>)
    %add3A_133 = arith.constant 24576 : i32
    %add3A_134 = arith.addi %mul3A_43, %add3A_133 : i32
    %dma_start3A_135 = tpu.memref_slice %arg2[%add3A_134] : memref<262144xi32, #tpu.memory_space<hbm>> -> memref<4096xi32, #tpu.memory_space<hbm>>
    %dma_start3A_136 = tpu.memref_slice %arg2[%add3A_134] : memref<262144xi32, #tpu.memory_space<hbm>> -> memref<4096xi32, #tpu.memory_space<hbm>>
    tpu.enqueue_dma source(%dma_start3A_136 : memref<4096xi32, #tpu.memory_space<hbm>>) target(%arg5 : memref<4096xi32, #tpu.memory_space<vmem>>) target_semaphore(%arg9 : memref<!tpu.dma_semaphore, #tpu.memory_space<semaphore_mem>>)
    %add3A_137 = arith.constant 24576 : i32
    %add3A_138 = arith.addi %add3A_49, %add3A_137 : i32
    %dma_start3A_139 = tpu.memref_slice %arg2[%add3A_138] : memref<262144xi32, #tpu.memory_space<hbm>> -> memref<4096xi32, #tpu.memory_space<hbm>>
    %dma_start3A_140 = tpu.memref_slice %arg2[%add3A_138] : memref<262144xi32, #tpu.memory_space<hbm>> -> memref<4096xi32, #tpu.memory_space<hbm>>
    tpu.enqueue_dma source(%dma_start3A_140 : memref<4096xi32, #tpu.memory_space<hbm>>) target(%arg7 : memref<4096xi32, #tpu.memory_space<vmem>>) target_semaphore(%arg9 : memref<!tpu.dma_semaphore, #tpu.memory_space<semaphore_mem>>)
    %parallel_loop3A_141 = arith.constant 0 : i32
    %parallel_loop3A_142 = arith.constant 4096 : i32
    %parallel_loop3A_143 = arith.constant 16 : i32
    scf.for %parallel_loop3A_377 = %parallel_loop3A_141 to %parallel_loop3A_142 step %parallel_loop3A_143  : i32 {
      %parallel_loop3A_378 = arith.index_cast %parallel_loop3A_377 : i32 to index
      %parallel_loop3A_379 = tpu.vector_load %arg6[%parallel_loop3A_378] {strides = array<i32>} : memref<4096xi32, #tpu.memory_space<vmem>>, vector<16xi32>,
      %parallel_loop3A_380 = arith.index_cast %parallel_loop3A_377 : i32 to index
      %parallel_loop3A_381 = tpu.vector_load %arg8[%parallel_loop3A_380] {strides = array<i32>} : memref<4096xi32, #tpu.memory_space<vmem>>, vector<16xi32>,
      %parallel_loop3A_382 = vector.broadcast %mul3A_39 : i32 to vector<16xi32>
      %parallel_loop3A_383 = arith.subi %parallel_loop3A_381, %parallel_loop3A_382 : vector<16xi32>
      %parallel_loop3A_384 = arith.constant 0 : i32
      %parallel_loop3A_385 = vector.broadcast %parallel_loop3A_384 : i32 to vector<16xi32>
      %parallel_loop3A_386 = arith.cmpi sge, %parallel_loop3A_383, %parallel_loop3A_385 : vector<16xi32>
      %parallel_loop3A_387 = arith.constant 64 : i32
      %parallel_loop3A_388 = vector.broadcast %parallel_loop3A_387 : i32 to vector<16xi32>
      %parallel_loop3A_389 = arith.cmpi slt, %parallel_loop3A_383, %parallel_loop3A_388 : vector<16xi32>
      %parallel_loop3A_390 = arith.andi %parallel_loop3A_386, %parallel_loop3A_389 : vector<16xi1>
      %parallel_loop3A_391 = arith.constant 0 : i32
      %parallel_loop3A_392 = vector.broadcast %parallel_loop3A_391 : i32 to vector<16xi32>
      %parallel_loop3A_393 = arith.select %parallel_loop3A_390, %parallel_loop3A_383, %parallel_loop3A_392 : vector<16xi1>, vector<16xi32>
      tpu.vector_store_idx %arg4[%parallel_loop3A_393, %parallel_loop3A_379], %broadcast_in_dim3A_3 masked %parallel_loop3A_390 {add = true} : memref<64x1024xf32, #tpu.memory_space<vmem>>[vector<16xi32>, vector<16xi32>], vector<16xf32>, vector<16xi1>
    } {sc.loop_unroll_factor = 4 : i64, sc.parallel_access}
    %dma_wait3A_144 = tpu.memref_slice %arg2[%add3A_134] : memref<262144xi32, #tpu.memory_space<hbm>> -> memref<4096xi32, #tpu.memory_space<hbm>>
    %dma_wait3A_145 = tpu.memref_slice %arg2[%add3A_134] : memref<262144xi32, #tpu.memory_space<hbm>> -> memref<4096xi32, #tpu.memory_space<hbm>>
    tpu.wait_dma2 semaphore(%arg9 : memref<!tpu.dma_semaphore, #tpu.memory_space<semaphore_mem>>) src(%dma_wait3A_145 : memref<4096xi32, #tpu.memory_space<hbm>>) dst(%arg5 : memref<4096xi32, #tpu.memory_space<vmem>>)
    %dma_wait3A_146 = tpu.memref_slice %arg2[%add3A_138] : memref<262144xi32, #tpu.memory_space<hbm>> -> memref<4096xi32, #tpu.memory_space<hbm>>
    %dma_wait3A_147 = tpu.memref_slice %arg2[%add3A_138] : memref<262144xi32, #tpu.memory_space<hbm>> -> memref<4096xi32, #tpu.memory_space<hbm>>
    tpu.wait_dma2 semaphore(%arg9 : memref<!tpu.dma_semaphore, #tpu.memory_space<semaphore_mem>>) src(%dma_wait3A_147 : memref<4096xi32, #tpu.memory_space<hbm>>) dst(%arg7 : memref<4096xi32, #tpu.memory_space<vmem>>)
    %add3A_148 = arith.constant 28672 : i32
    %add3A_149 = arith.addi %mul3A_43, %add3A_148 : i32
    %dma_start3A_150 = tpu.memref_slice %arg2[%add3A_149] : memref<262144xi32, #tpu.memory_space<hbm>> -> memref<4096xi32, #tpu.memory_space<hbm>>
    %dma_start3A_151 = tpu.memref_slice %arg2[%add3A_149] : memref<262144xi32, #tpu.memory_space<hbm>> -> memref<4096xi32, #tpu.memory_space<hbm>>
    tpu.enqueue_dma source(%dma_start3A_151 : memref<4096xi32, #tpu.memory_space<hbm>>) target(%arg6 : memref<4096xi32, #tpu.memory_space<vmem>>) target_semaphore(%arg10 : memref<!tpu.dma_semaphore, #tpu.memory_space<semaphore_mem>>)
    %add3A_152 = arith.constant 28672 : i32
    %add3A_153 = arith.addi %add3A_49, %add3A_152 : i32
    %dma_start3A_154 = tpu.memref_slice %arg2[%add3A_153] : memref<262144xi32, #tpu.memory_space<hbm>> -> memref<4096xi32, #tpu.memory_space<hbm>>
    %dma_start3A_155 = tpu.memref_slice %arg2[%add3A_153] : memref<262144xi32, #tpu.memory_space<hbm>> -> memref<4096xi32, #tpu.memory_space<hbm>>
    tpu.enqueue_dma source(%dma_start3A_155 : memref<4096xi32, #tpu.memory_space<hbm>>) target(%arg8 : memref<4096xi32, #tpu.memory_space<vmem>>) target_semaphore(%arg10 : memref<!tpu.dma_semaphore, #tpu.memory_space<semaphore_mem>>)
    %parallel_loop3A_156 = arith.constant 0 : i32
    %parallel_loop3A_157 = arith.constant 4096 : i32
    %parallel_loop3A_158 = arith.constant 16 : i32
    scf.for %parallel_loop3A_377 = %parallel_loop3A_156 to %parallel_loop3A_157 step %parallel_loop3A_158  : i32 {
      %parallel_loop3A_378 = arith.index_cast %parallel_loop3A_377 : i32 to index
      %parallel_loop3A_379 = tpu.vector_load %arg5[%parallel_loop3A_378] {strides = array<i32>} : memref<4096xi32, #tpu.memory_space<vmem>>, vector<16xi32>,
      %parallel_loop3A_380 = arith.index_cast %parallel_loop3A_377 : i32 to index
      %parallel_loop3A_381 = tpu.vector_load %arg7[%parallel_loop3A_380] {strides = array<i32>} : memref<4096xi32, #tpu.memory_space<vmem>>, vector<16xi32>,
      %parallel_loop3A_382 = vector.broadcast %mul3A_39 : i32 to vector<16xi32>
      %parallel_loop3A_383 = arith.subi %parallel_loop3A_381, %parallel_loop3A_382 : vector<16xi32>
      %parallel_loop3A_384 = arith.constant 0 : i32
      %parallel_loop3A_385 = vector.broadcast %parallel_loop3A_384 : i32 to vector<16xi32>
      %parallel_loop3A_386 = arith.cmpi sge, %parallel_loop3A_383, %parallel_loop3A_385 : vector<16xi32>
      %parallel_loop3A_387 = arith.constant 64 : i32
      %parallel_loop3A_388 = vector.broadcast %parallel_loop3A_387 : i32 to vector<16xi32>
      %parallel_loop3A_389 = arith.cmpi slt, %parallel_loop3A_383, %parallel_loop3A_388 : vector<16xi32>
      %parallel_loop3A_390 = arith.andi %parallel_loop3A_386, %parallel_loop3A_389 : vector<16xi1>
      %parallel_loop3A_391 = arith.constant 0 : i32
      %parallel_loop3A_392 = vector.broadcast %parallel_loop3A_391 : i32 to vector<16xi32>
      %parallel_loop3A_393 = arith.select %parallel_loop3A_390, %parallel_loop3A_383, %parallel_loop3A_392 : vector<16xi1>, vector<16xi32>
      tpu.vector_store_idx %arg4[%parallel_loop3A_393, %parallel_loop3A_379], %broadcast_in_dim3A_3 masked %parallel_loop3A_390 {add = true} : memref<64x1024xf32, #tpu.memory_space<vmem>>[vector<16xi32>, vector<16xi32>], vector<16xf32>, vector<16xi1>
    } {sc.loop_unroll_factor = 4 : i64, sc.parallel_access}
    %dma_wait3A_159 = tpu.memref_slice %arg2[%add3A_149] : memref<262144xi32, #tpu.memory_space<hbm>> -> memref<4096xi32, #tpu.memory_space<hbm>>
    %dma_wait3A_160 = tpu.memref_slice %arg2[%add3A_149] : memref<262144xi32, #tpu.memory_space<hbm>> -> memref<4096xi32, #tpu.memory_space<hbm>>
    tpu.wait_dma2 semaphore(%arg10 : memref<!tpu.dma_semaphore, #tpu.memory_space<semaphore_mem>>) src(%dma_wait3A_160 : memref<4096xi32, #tpu.memory_space<hbm>>) dst(%arg6 : memref<4096xi32, #tpu.memory_space<vmem>>)
    %dma_wait3A_161 = tpu.memref_slice %arg2[%add3A_153] : memref<262144xi32, #tpu.memory_space<hbm>> -> memref<4096xi32, #tpu.memory_space<hbm>>
    %dma_wait3A_162 = tpu.memref_slice %arg2[%add3A_153] : memref<262144xi32, #tpu.memory_space<hbm>> -> memref<4096xi32, #tpu.memory_space<hbm>>
    tpu.wait_dma2 semaphore(%arg10 : memref<!tpu.dma_semaphore, #tpu.memory_space<semaphore_mem>>) src(%dma_wait3A_162 : memref<4096xi32, #tpu.memory_space<hbm>>) dst(%arg8 : memref<4096xi32, #tpu.memory_space<vmem>>)
    %parallel_loop3A_163 = arith.constant 0 : i32
    %parallel_loop3A_164 = arith.constant 4096 : i32
    %parallel_loop3A_165 = arith.constant 16 : i32
    scf.for %parallel_loop3A_377 = %parallel_loop3A_163 to %parallel_loop3A_164 step %parallel_loop3A_165  : i32 {
      %parallel_loop3A_378 = arith.index_cast %parallel_loop3A_377 : i32 to index
      %parallel_loop3A_379 = tpu.vector_load %arg6[%parallel_loop3A_378] {strides = array<i32>} : memref<4096xi32, #tpu.memory_space<vmem>>, vector<16xi32>,
      %parallel_loop3A_380 = arith.index_cast %parallel_loop3A_377 : i32 to index
      %parallel_loop3A_381 = tpu.vector_load %arg8[%parallel_loop3A_380] {strides = array<i32>} : memref<4096xi32, #tpu.memory_space<vmem>>, vector<16xi32>,
      %parallel_loop3A_382 = vector.broadcast %mul3A_39 : i32 to vector<16xi32>
      %parallel_loop3A_383 = arith.subi %parallel_loop3A_381, %parallel_loop3A_382 : vector<16xi32>
      %parallel_loop3A_384 = arith.constant 0 : i32
      %parallel_loop3A_385 = vector.broadcast %parallel_loop3A_384 : i32 to vector<16xi32>
      %parallel_loop3A_386 = arith.cmpi sge, %parallel_loop3A_383, %parallel_loop3A_385 : vector<16xi32>
      %parallel_loop3A_387 = arith.constant 64 : i32
      %parallel_loop3A_388 = vector.broadcast %parallel_loop3A_387 : i32 to vector<16xi32>
      %parallel_loop3A_389 = arith.cmpi slt, %parallel_loop3A_383, %parallel_loop3A_388 : vector<16xi32>
      %parallel_loop3A_390 = arith.andi %parallel_loop3A_386, %parallel_loop3A_389 : vector<16xi1>
      %parallel_loop3A_391 = arith.constant 0 : i32
      %parallel_loop3A_392 = vector.broadcast %parallel_loop3A_391 : i32 to vector<16xi32>
      %parallel_loop3A_393 = arith.select %parallel_loop3A_390, %parallel_loop3A_383, %parallel_loop3A_392 : vector<16xi1>, vector<16xi32>
      tpu.vector_store_idx %arg4[%parallel_loop3A_393, %parallel_loop3A_379], %broadcast_in_dim3A_3 masked %parallel_loop3A_390 {add = true} : memref<64x1024xf32, #tpu.memory_space<vmem>>[vector<16xi32>, vector<16xi32>], vector<16xf32>, vector<16xi1>
    } {sc.loop_unroll_factor = 4 : i64, sc.parallel_access}
    %jit3A_166 = arith.constant 16 : i32
    %eq3A_167 = arith.constant 0 : i32
    %eq3A_168 = arith.cmpi eq, %jit3A_166, %eq3A_167 : i32
    %jit3A_169 = arith.constant 1 : i32
    %select_n3A_170 = arith.select %eq3A_168, %jit3A_169, %jit3A_166 : i32
    %rem3A_171 = arith.remsi %add3A_7, %select_n3A_170 : i32
    %ne3A_172 = arith.constant 0 : i32
    %ne3A_173 = arith.cmpi ne, %rem3A_171, %ne3A_172 : i32
    %lt3A_174 = arith.constant 0 : i32
    %lt3A_175 = arith.cmpi slt, %rem3A_171, %lt3A_174 : i32
    %lt3A_176 = arith.constant 0 : i32
    %lt3A_177 = arith.cmpi slt, %select_n3A_170, %lt3A_176 : i32
    %ne3A_178 = arith.xori %lt3A_175, %lt3A_177 : i1
    %and3A_179 = arith.andi %ne3A_178, %ne3A_173 : i1
    %add3A_180 = arith.addi %rem3A_171, %select_n3A_170 : i32
    %select_n3A_181 = arith.select %and3A_179, %add3A_180, %rem3A_171 : i32
    %mul3A_182 = arith.constant 64 : i32
    %mul3A_183 = arith.muli %select_n3A_181, %mul3A_182 : i32
    "tpu.region"() ({
      %run_scoped3A = tpu.sem_alloc : memref<!tpu.dma_semaphore, #tpu.memory_space<semaphore_mem>>
      %dma_start3A_377 = arith.constant 0 : i32
      %dma_start3A_378 = tpu.memref_slice %arg3[%select_n3A, %mul3A_183, %dma_start3A_377] : memref<4x1024x1024xf32, #tpu.memory_space<hbm>> -> memref<1x64x1024xf32, #tpu.memory_space<hbm>>
      %dma_start3A_379 = tpu.memref_squeeze %dma_start3A_378 : memref<1x64x1024xf32, #tpu.memory_space<hbm>> -> memref<64x1024xf32, #tpu.memory_space<hbm>>
      %dma_start3A_380 = arith.constant 0 : i32
      %dma_start3A_381 = tpu.memref_slice %arg3[%select_n3A, %mul3A_183, %dma_start3A_380] : memref<4x1024x1024xf32, #tpu.memory_space<hbm>> -> memref<1x64x1024xf32, #tpu.memory_space<hbm>>
      %dma_start3A_382 = tpu.memref_squeeze %dma_start3A_381 : memref<1x64x1024xf32, #tpu.memory_space<hbm>> -> memref<64x1024xf32, #tpu.memory_space<hbm>>
      tpu.enqueue_dma source(%arg4 : memref<64x1024xf32, #tpu.memory_space<vmem>>) target(%dma_start3A_382 : memref<64x1024xf32, #tpu.memory_space<hbm>>) target_semaphore(%run_scoped3A : memref<!tpu.dma_semaphore, #tpu.memory_space<semaphore_mem>>)
      %dma_wait3A_383 = arith.constant 0 : i32
      %dma_wait3A_384 = tpu.memref_slice %arg3[%select_n3A, %mul3A_183, %dma_wait3A_383] : memref<4x1024x1024xf32, #tpu.memory_space<hbm>> -> memref<1x64x1024xf32, #tpu.memory_space<hbm>>
      %dma_wait3A_385 = tpu.memref_squeeze %dma_wait3A_384 : memref<1x64x1024xf32, #tpu.memory_space<hbm>> -> memref<64x1024xf32, #tpu.memory_space<hbm>>
      %dma_wait3A_386 = arith.constant 0 : i32
      %dma_wait3A_387 = tpu.memref_slice %arg3[%select_n3A, %mul3A_183, %dma_wait3A_386] : memref<4x1024x1024xf32, #tpu.memory_space<hbm>> -> memref<1x64x1024xf32, #tpu.memory_space<hbm>>
      %dma_wait3A_388 = tpu.memref_squeeze %dma_wait3A_387 : memref<1x64x1024xf32, #tpu.memory_space<hbm>> -> memref<64x1024xf32, #tpu.memory_space<hbm>>
      tpu.wait_dma2 semaphore(%run_scoped3A : memref<!tpu.dma_semaphore, #tpu.memory_space<semaphore_mem>>) src(%arg4 : memref<64x1024xf32, #tpu.memory_space<vmem>>) dst(%dma_wait3A_388 : memref<64x1024xf32, #tpu.memory_space<hbm>>)
      tpu.yield
    }) : () -> ()
    %mul3A_184 = arith.constant 2 : i32
    %mul3A_185 = arith.muli %add3A, %mul3A_184 : i32
    %add3A_186 = arith.constant 1 : i32
    %add3A_187 = arith.addi %mul3A_185, %add3A_186 : i32
    %jit3A_188 = arith.constant 16 : i32
    %div3A_189 = arith.divsi %add3A_187, %jit3A_188 : i32
    %sign3A_190 = arith.constant 0 : i32
    %sign3A_191 = arith.cmpi sgt, %add3A_187, %sign3A_190 : i32
    %sign3A_192 = arith.extui %sign3A_191 : i1 to i32
    %sign3A_193 = arith.constant 0 : i32
    %sign3A_194 = arith.cmpi slt, %add3A_187, %sign3A_193 : i32
    %sign3A_195 = arith.extui %sign3A_194 : i1 to i32
    %sign3A_196 = arith.subi %sign3A_192, %sign3A_195 : i32
    %sign3A_197 = arith.constant 0 : i32
    %sign3A_198 = arith.cmpi sgt, %jit3A_188, %sign3A_197 : i32
    %sign3A_199 = arith.extui %sign3A_198 : i1 to i32
    %sign3A_200 = arith.constant 0 : i32
    %sign3A_201 = arith.cmpi slt, %jit3A_188, %sign3A_200 : i32
    %sign3A_202 = arith.extui %sign3A_201 : i1 to i32
    %sign3A_203 = arith.subi %sign3A_199, %sign3A_202 : i32
    %ne3A_204 = arith.cmpi ne, %sign3A_196, %sign3A_203 : i32
    %rem3A_205 = arith.remsi %add3A_187, %jit3A_188 : i32
    %ne3A_206 = arith.constant 0 : i32
    %ne3A_207 = arith.cmpi ne, %rem3A_205, %ne3A_206 : i32
    %and3A_208 = arith.andi %ne3A_204, %ne3A_207 : i1
    %sub3A_209 = arith.constant 1 : i32
    %sub3A_210 = arith.subi %div3A_189, %sub3A_209 : i32
    %select_n3A_211 = arith.select %and3A_208, %sub3A_210, %div3A_189 : i32
    %jit3A_212 = arith.constant 16 : i32
    %eq3A_213 = arith.constant 0 : i32
    %eq3A_214 = arith.cmpi eq, %jit3A_212, %eq3A_213 : i32
    %jit3A_215 = arith.constant 1 : i32
    %select_n3A_216 = arith.select %eq3A_214, %jit3A_215, %jit3A_212 : i32
    %rem3A_217 = arith.remsi %add3A_187, %select_n3A_216 : i32
    %ne3A_218 = arith.constant 0 : i32
    %ne3A_219 = arith.cmpi ne, %rem3A_217, %ne3A_218 : i32
    %lt3A_220 = arith.constant 0 : i32
    %lt3A_221 = arith.cmpi slt, %rem3A_217, %lt3A_220 : i32
    %lt3A_222 = arith.constant 0 : i32
    %lt3A_223 = arith.cmpi slt, %select_n3A_216, %lt3A_222 : i32
    %ne3A_224 = arith.xori %lt3A_221, %lt3A_223 : i1
    %and3A_225 = arith.andi %ne3A_224, %ne3A_219 : i1
    %add3A_226 = arith.addi %rem3A_217, %select_n3A_216 : i32
    %select_n3A_227 = arith.select %and3A_225, %add3A_226, %rem3A_217 : i32
    %mul3A_228 = arith.constant 64 : i32
    %mul3A_229 = arith.muli %select_n3A_227, %mul3A_228 : i32
    %mul3A_230 = arith.constant 2 : i32
    %mul3A_231 = arith.muli %select_n3A_211, %mul3A_230 : i32
    %mul3A_232 = arith.constant 32768 : i32
    %mul3A_233 = arith.muli %mul3A_231, %mul3A_232 : i32
    %mul3A_234 = arith.constant 2 : i32
    %mul3A_235 = arith.muli %select_n3A_211, %mul3A_234 : i32
    %mul3A_236 = arith.constant 32768 : i32
    %mul3A_237 = arith.muli %mul3A_235, %mul3A_236 : i32
    %add3A_238 = arith.constant 32768 : i32
    %add3A_239 = arith.addi %mul3A_237, %add3A_238 : i32
    %dma_start3A_240 = tpu.memref_slice %arg2[%mul3A_233] : memref<262144xi32, #tpu.memory_space<hbm>> -> memref<4096xi32, #tpu.memory_space<hbm>>
    %dma_start3A_241 = tpu.memref_slice %arg2[%mul3A_233] : memref<262144xi32, #tpu.memory_space<hbm>> -> memref<4096xi32, #tpu.memory_space<hbm>>
    tpu.enqueue_dma source(%dma_start3A_241 : memref<4096xi32, #tpu.memory_space<hbm>>) target(%arg5 : memref<4096xi32, #tpu.memory_space<vmem>>) target_semaphore(%arg9 : memref<!tpu.dma_semaphore, #tpu.memory_space<semaphore_mem>>)
    %dma_start3A_242 = tpu.memref_slice %arg2[%add3A_239] : memref<262144xi32, #tpu.memory_space<hbm>> -> memref<4096xi32, #tpu.memory_space<hbm>>
    %dma_start3A_243 = tpu.memref_slice %arg2[%add3A_239] : memref<262144xi32, #tpu.memory_space<hbm>> -> memref<4096xi32, #tpu.memory_space<hbm>>
    tpu.enqueue_dma source(%dma_start3A_243 : memref<4096xi32, #tpu.memory_space<hbm>>) target(%arg7 : memref<4096xi32, #tpu.memory_space<vmem>>) target_semaphore(%arg9 : memref<!tpu.dma_semaphore, #tpu.memory_space<semaphore_mem>>)
    %parallel_loop3A_244 = arith.constant 0 : i32
    %parallel_loop3A_245 = arith.constant 65536 : i32
    %parallel_loop3A_246 = arith.constant 16 : i32
    scf.for %parallel_loop3A_377 = %parallel_loop3A_244 to %parallel_loop3A_245 step %parallel_loop3A_246  : i32 {
      %parallel_loop3A_378 = arith.constant 10 : i32
      %parallel_loop3A_379 = arith.shrsi %parallel_loop3A_377, %parallel_loop3A_378 : i32
      %parallel_loop3A_380 = arith.constant 1023 : i32
      %parallel_loop3A_381 = arith.andi %parallel_loop3A_377, %parallel_loop3A_380 : i32
      %parallel_loop3A_382 = arith.index_cast %parallel_loop3A_379 : i32 to index
      %parallel_loop3A_383 = arith.index_cast %parallel_loop3A_381 : i32 to index
      %parallel_loop3A_384 = tpu.vector_load %arg4[%parallel_loop3A_382, %parallel_loop3A_383] {strides = array<i32>} : memref<64x1024xf32, #tpu.memory_space<vmem>>, vector<16xf32>,
      tpu.vector_store %arg4[%parallel_loop3A_382, %parallel_loop3A_383], %broadcast_in_dim3A_1 {strides = array<i32>} : memref<64x1024xf32, #tpu.memory_space<vmem>>, vector<16xf32>,
    } {sc.loop_unroll_factor = 8 : i64, sc.parallel_access}
    %dma_wait3A_247 = tpu.memref_slice %arg2[%mul3A_233] : memref<262144xi32, #tpu.memory_space<hbm>> -> memref<4096xi32, #tpu.memory_space<hbm>>
    %dma_wait3A_248 = tpu.memref_slice %arg2[%mul3A_233] : memref<262144xi32, #tpu.memory_space<hbm>> -> memref<4096xi32, #tpu.memory_space<hbm>>
    tpu.wait_dma2 semaphore(%arg9 : memref<!tpu.dma_semaphore, #tpu.memory_space<semaphore_mem>>) src(%dma_wait3A_248 : memref<4096xi32, #tpu.memory_space<hbm>>) dst(%arg5 : memref<4096xi32, #tpu.memory_space<vmem>>)
    %dma_wait3A_249 = tpu.memref_slice %arg2[%add3A_239] : memref<262144xi32, #tpu.memory_space<hbm>> -> memref<4096xi32, #tpu.memory_space<hbm>>
    %dma_wait3A_250 = tpu.memref_slice %arg2[%add3A_239] : memref<262144xi32, #tpu.memory_space<hbm>> -> memref<4096xi32, #tpu.memory_space<hbm>>
    tpu.wait_dma2 semaphore(%arg9 : memref<!tpu.dma_semaphore, #tpu.memory_space<semaphore_mem>>) src(%dma_wait3A_250 : memref<4096xi32, #tpu.memory_space<hbm>>) dst(%arg7 : memref<4096xi32, #tpu.memory_space<vmem>>)
    %add3A_251 = arith.constant 4096 : i32
    %add3A_252 = arith.addi %mul3A_233, %add3A_251 : i32
    %dma_start3A_253 = tpu.memref_slice %arg2[%add3A_252] : memref<262144xi32, #tpu.memory_space<hbm>> -> memref<4096xi32, #tpu.memory_space<hbm>>
    %dma_start3A_254 = tpu.memref_slice %arg2[%add3A_252] : memref<262144xi32, #tpu.memory_space<hbm>> -> memref<4096xi32, #tpu.memory_space<hbm>>
    tpu.enqueue_dma source(%dma_start3A_254 : memref<4096xi32, #tpu.memory_space<hbm>>) target(%arg6 : memref<4096xi32, #tpu.memory_space<vmem>>) target_semaphore(%arg10 : memref<!tpu.dma_semaphore, #tpu.memory_space<semaphore_mem>>)
    %add3A_255 = arith.constant 4096 : i32
    %add3A_256 = arith.addi %add3A_239, %add3A_255 : i32
    %dma_start3A_257 = tpu.memref_slice %arg2[%add3A_256] : memref<262144xi32, #tpu.memory_space<hbm>> -> memref<4096xi32, #tpu.memory_space<hbm>>
    %dma_start3A_258 = tpu.memref_slice %arg2[%add3A_256] : memref<262144xi32, #tpu.memory_space<hbm>> -> memref<4096xi32, #tpu.memory_space<hbm>>
    tpu.enqueue_dma source(%dma_start3A_258 : memref<4096xi32, #tpu.memory_space<hbm>>) target(%arg8 : memref<4096xi32, #tpu.memory_space<vmem>>) target_semaphore(%arg10 : memref<!tpu.dma_semaphore, #tpu.memory_space<semaphore_mem>>)
    %parallel_loop3A_259 = arith.constant 0 : i32
    %parallel_loop3A_260 = arith.constant 4096 : i32
    %parallel_loop3A_261 = arith.constant 16 : i32
    scf.for %parallel_loop3A_377 = %parallel_loop3A_259 to %parallel_loop3A_260 step %parallel_loop3A_261  : i32 {
      %parallel_loop3A_378 = arith.index_cast %parallel_loop3A_377 : i32 to index
      %parallel_loop3A_379 = tpu.vector_load %arg5[%parallel_loop3A_378] {strides = array<i32>} : memref<4096xi32, #tpu.memory_space<vmem>>, vector<16xi32>,
      %parallel_loop3A_380 = arith.index_cast %parallel_loop3A_377 : i32 to index
      %parallel_loop3A_381 = tpu.vector_load %arg7[%parallel_loop3A_380] {strides = array<i32>} : memref<4096xi32, #tpu.memory_space<vmem>>, vector<16xi32>,
      %parallel_loop3A_382 = vector.broadcast %mul3A_229 : i32 to vector<16xi32>
      %parallel_loop3A_383 = arith.subi %parallel_loop3A_381, %parallel_loop3A_382 : vector<16xi32>
      %parallel_loop3A_384 = arith.constant 0 : i32
      %parallel_loop3A_385 = vector.broadcast %parallel_loop3A_384 : i32 to vector<16xi32>
      %parallel_loop3A_386 = arith.cmpi sge, %parallel_loop3A_383, %parallel_loop3A_385 : vector<16xi32>
      %parallel_loop3A_387 = arith.constant 64 : i32
      %parallel_loop3A_388 = vector.broadcast %parallel_loop3A_387 : i32 to vector<16xi32>
      %parallel_loop3A_389 = arith.cmpi slt, %parallel_loop3A_383, %parallel_loop3A_388 : vector<16xi32>
      %parallel_loop3A_390 = arith.andi %parallel_loop3A_386, %parallel_loop3A_389 : vector<16xi1>
      %parallel_loop3A_391 = arith.constant 0 : i32
      %parallel_loop3A_392 = vector.broadcast %parallel_loop3A_391 : i32 to vector<16xi32>
      %parallel_loop3A_393 = arith.select %parallel_loop3A_390, %parallel_loop3A_383, %parallel_loop3A_392 : vector<16xi1>, vector<16xi32>
      tpu.vector_store_idx %arg4[%parallel_loop3A_393, %parallel_loop3A_379], %broadcast_in_dim3A_3 masked %parallel_loop3A_390 {add = true} : memref<64x1024xf32, #tpu.memory_space<vmem>>[vector<16xi32>, vector<16xi32>], vector<16xf32>, vector<16xi1>
    } {sc.loop_unroll_factor = 4 : i64, sc.parallel_access}
    %dma_wait3A_262 = tpu.memref_slice %arg2[%add3A_252] : memref<262144xi32, #tpu.memory_space<hbm>> -> memref<4096xi32, #tpu.memory_space<hbm>>
    %dma_wait3A_263 = tpu.memref_slice %arg2[%add3A_252] : memref<262144xi32, #tpu.memory_space<hbm>> -> memref<4096xi32, #tpu.memory_space<hbm>>
    tpu.wait_dma2 semaphore(%arg10 : memref<!tpu.dma_semaphore, #tpu.memory_space<semaphore_mem>>) src(%dma_wait3A_263 : memref<4096xi32, #tpu.memory_space<hbm>>) dst(%arg6 : memref<4096xi32, #tpu.memory_space<vmem>>)
    %dma_wait3A_264 = tpu.memref_slice %arg2[%add3A_256] : memref<262144xi32, #tpu.memory_space<hbm>> -> memref<4096xi32, #tpu.memory_space<hbm>>
    %dma_wait3A_265 = tpu.memref_slice %arg2[%add3A_256] : memref<262144xi32, #tpu.memory_space<hbm>> -> memref<4096xi32, #tpu.memory_space<hbm>>
    tpu.wait_dma2 semaphore(%arg10 : memref<!tpu.dma_semaphore, #tpu.memory_space<semaphore_mem>>) src(%dma_wait3A_265 : memref<4096xi32, #tpu.memory_space<hbm>>) dst(%arg8 : memref<4096xi32, #tpu.memory_space<vmem>>)
    %add3A_266 = arith.constant 8192 : i32
    %add3A_267 = arith.addi %mul3A_233, %add3A_266 : i32
    %dma_start3A_268 = tpu.memref_slice %arg2[%add3A_267] : memref<262144xi32, #tpu.memory_space<hbm>> -> memref<4096xi32, #tpu.memory_space<hbm>>
    %dma_start3A_269 = tpu.memref_slice %arg2[%add3A_267] : memref<262144xi32, #tpu.memory_space<hbm>> -> memref<4096xi32, #tpu.memory_space<hbm>>
    tpu.enqueue_dma source(%dma_start3A_269 : memref<4096xi32, #tpu.memory_space<hbm>>) target(%arg5 : memref<4096xi32, #tpu.memory_space<vmem>>) target_semaphore(%arg9 : memref<!tpu.dma_semaphore, #tpu.memory_space<semaphore_mem>>)
    %add3A_270 = arith.constant 8192 : i32
    %add3A_271 = arith.addi %add3A_239, %add3A_270 : i32
    %dma_start3A_272 = tpu.memref_slice %arg2[%add3A_271] : memref<262144xi32, #tpu.memory_space<hbm>> -> memref<4096xi32, #tpu.memory_space<hbm>>
    %dma_start3A_273 = tpu.memref_slice %arg2[%add3A_271] : memref<262144xi32, #tpu.memory_space<hbm>> -> memref<4096xi32, #tpu.memory_space<hbm>>
    tpu.enqueue_dma source(%dma_start3A_273 : memref<4096xi32, #tpu.memory_space<hbm>>) target(%arg7 : memref<4096xi32, #tpu.memory_space<vmem>>) target_semaphore(%arg9 : memref<!tpu.dma_semaphore, #tpu.memory_space<semaphore_mem>>)
    %parallel_loop3A_274 = arith.constant 0 : i32
    %parallel_loop3A_275 = arith.constant 4096 : i32
    %parallel_loop3A_276 = arith.constant 16 : i32
    scf.for %parallel_loop3A_377 = %parallel_loop3A_274 to %parallel_loop3A_275 step %parallel_loop3A_276  : i32 {
      %parallel_loop3A_378 = arith.index_cast %parallel_loop3A_377 : i32 to index
      %parallel_loop3A_379 = tpu.vector_load %arg6[%parallel_loop3A_378] {strides = array<i32>} : memref<4096xi32, #tpu.memory_space<vmem>>, vector<16xi32>,
      %parallel_loop3A_380 = arith.index_cast %parallel_loop3A_377 : i32 to index
      %parallel_loop3A_381 = tpu.vector_load %arg8[%parallel_loop3A_380] {strides = array<i32>} : memref<4096xi32, #tpu.memory_space<vmem>>, vector<16xi32>,
      %parallel_loop3A_382 = vector.broadcast %mul3A_229 : i32 to vector<16xi32>
      %parallel_loop3A_383 = arith.subi %parallel_loop3A_381, %parallel_loop3A_382 : vector<16xi32>
      %parallel_loop3A_384 = arith.constant 0 : i32
      %parallel_loop3A_385 = vector.broadcast %parallel_loop3A_384 : i32 to vector<16xi32>
      %parallel_loop3A_386 = arith.cmpi sge, %parallel_loop3A_383, %parallel_loop3A_385 : vector<16xi32>
      %parallel_loop3A_387 = arith.constant 64 : i32
      %parallel_loop3A_388 = vector.broadcast %parallel_loop3A_387 : i32 to vector<16xi32>
      %parallel_loop3A_389 = arith.cmpi slt, %parallel_loop3A_383, %parallel_loop3A_388 : vector<16xi32>
      %parallel_loop3A_390 = arith.andi %parallel_loop3A_386, %parallel_loop3A_389 : vector<16xi1>
      %parallel_loop3A_391 = arith.constant 0 : i32
      %parallel_loop3A_392 = vector.broadcast %parallel_loop3A_391 : i32 to vector<16xi32>
      %parallel_loop3A_393 = arith.select %parallel_loop3A_390, %parallel_loop3A_383, %parallel_loop3A_392 : vector<16xi1>, vector<16xi32>
      tpu.vector_store_idx %arg4[%parallel_loop3A_393, %parallel_loop3A_379], %broadcast_in_dim3A_3 masked %parallel_loop3A_390 {add = true} : memref<64x1024xf32, #tpu.memory_space<vmem>>[vector<16xi32>, vector<16xi32>], vector<16xf32>, vector<16xi1>
    } {sc.loop_unroll_factor = 4 : i64, sc.parallel_access}
    %dma_wait3A_277 = tpu.memref_slice %arg2[%add3A_267] : memref<262144xi32, #tpu.memory_space<hbm>> -> memref<4096xi32, #tpu.memory_space<hbm>>
    %dma_wait3A_278 = tpu.memref_slice %arg2[%add3A_267] : memref<262144xi32, #tpu.memory_space<hbm>> -> memref<4096xi32, #tpu.memory_space<hbm>>
    tpu.wait_dma2 semaphore(%arg9 : memref<!tpu.dma_semaphore, #tpu.memory_space<semaphore_mem>>) src(%dma_wait3A_278 : memref<4096xi32, #tpu.memory_space<hbm>>) dst(%arg5 : memref<4096xi32, #tpu.memory_space<vmem>>)
    %dma_wait3A_279 = tpu.memref_slice %arg2[%add3A_271] : memref<262144xi32, #tpu.memory_space<hbm>> -> memref<4096xi32, #tpu.memory_space<hbm>>
    %dma_wait3A_280 = tpu.memref_slice %arg2[%add3A_271] : memref<262144xi32, #tpu.memory_space<hbm>> -> memref<4096xi32, #tpu.memory_space<hbm>>
    tpu.wait_dma2 semaphore(%arg9 : memref<!tpu.dma_semaphore, #tpu.memory_space<semaphore_mem>>) src(%dma_wait3A_280 : memref<4096xi32, #tpu.memory_space<hbm>>) dst(%arg7 : memref<4096xi32, #tpu.memory_space<vmem>>)
    %add3A_281 = arith.constant 12288 : i32
    %add3A_282 = arith.addi %mul3A_233, %add3A_281 : i32
    %dma_start3A_283 = tpu.memref_slice %arg2[%add3A_282] : memref<262144xi32, #tpu.memory_space<hbm>> -> memref<4096xi32, #tpu.memory_space<hbm>>
    %dma_start3A_284 = tpu.memref_slice %arg2[%add3A_282] : memref<262144xi32, #tpu.memory_space<hbm>> -> memref<4096xi32, #tpu.memory_space<hbm>>
    tpu.enqueue_dma source(%dma_start3A_284 : memref<4096xi32, #tpu.memory_space<hbm>>) target(%arg6 : memref<4096xi32, #tpu.memory_space<vmem>>) target_semaphore(%arg10 : memref<!tpu.dma_semaphore, #tpu.memory_space<semaphore_mem>>)
    %add3A_285 = arith.constant 12288 : i32
    %add3A_286 = arith.addi %add3A_239, %add3A_285 : i32
    %dma_start3A_287 = tpu.memref_slice %arg2[%add3A_286] : memref<262144xi32, #tpu.memory_space<hbm>> -> memref<4096xi32, #tpu.memory_space<hbm>>
    %dma_start3A_288 = tpu.memref_slice %arg2[%add3A_286] : memref<262144xi32, #tpu.memory_space<hbm>> -> memref<4096xi32, #tpu.memory_space<hbm>>
    tpu.enqueue_dma source(%dma_start3A_288 : memref<4096xi32, #tpu.memory_space<hbm>>) target(%arg8 : memref<4096xi32, #tpu.memory_space<vmem>>) target_semaphore(%arg10 : memref<!tpu.dma_semaphore, #tpu.memory_space<semaphore_mem>>)
    %parallel_loop3A_289 = arith.constant 0 : i32
    %parallel_loop3A_290 = arith.constant 4096 : i32
    %parallel_loop3A_291 = arith.constant 16 : i32
    scf.for %parallel_loop3A_377 = %parallel_loop3A_289 to %parallel_loop3A_290 step %parallel_loop3A_291  : i32 {
      %parallel_loop3A_378 = arith.index_cast %parallel_loop3A_377 : i32 to index
      %parallel_loop3A_379 = tpu.vector_load %arg5[%parallel_loop3A_378] {strides = array<i32>} : memref<4096xi32, #tpu.memory_space<vmem>>, vector<16xi32>,
      %parallel_loop3A_380 = arith.index_cast %parallel_loop3A_377 : i32 to index
      %parallel_loop3A_381 = tpu.vector_load %arg7[%parallel_loop3A_380] {strides = array<i32>} : memref<4096xi32, #tpu.memory_space<vmem>>, vector<16xi32>,
      %parallel_loop3A_382 = vector.broadcast %mul3A_229 : i32 to vector<16xi32>
      %parallel_loop3A_383 = arith.subi %parallel_loop3A_381, %parallel_loop3A_382 : vector<16xi32>
      %parallel_loop3A_384 = arith.constant 0 : i32
      %parallel_loop3A_385 = vector.broadcast %parallel_loop3A_384 : i32 to vector<16xi32>
      %parallel_loop3A_386 = arith.cmpi sge, %parallel_loop3A_383, %parallel_loop3A_385 : vector<16xi32>
      %parallel_loop3A_387 = arith.constant 64 : i32
      %parallel_loop3A_388 = vector.broadcast %parallel_loop3A_387 : i32 to vector<16xi32>
      %parallel_loop3A_389 = arith.cmpi slt, %parallel_loop3A_383, %parallel_loop3A_388 : vector<16xi32>
      %parallel_loop3A_390 = arith.andi %parallel_loop3A_386, %parallel_loop3A_389 : vector<16xi1>
      %parallel_loop3A_391 = arith.constant 0 : i32
      %parallel_loop3A_392 = vector.broadcast %parallel_loop3A_391 : i32 to vector<16xi32>
      %parallel_loop3A_393 = arith.select %parallel_loop3A_390, %parallel_loop3A_383, %parallel_loop3A_392 : vector<16xi1>, vector<16xi32>
      tpu.vector_store_idx %arg4[%parallel_loop3A_393, %parallel_loop3A_379], %broadcast_in_dim3A_3 masked %parallel_loop3A_390 {add = true} : memref<64x1024xf32, #tpu.memory_space<vmem>>[vector<16xi32>, vector<16xi32>], vector<16xf32>, vector<16xi1>
    } {sc.loop_unroll_factor = 4 : i64, sc.parallel_access}
    %dma_wait3A_292 = tpu.memref_slice %arg2[%add3A_282] : memref<262144xi32, #tpu.memory_space<hbm>> -> memref<4096xi32, #tpu.memory_space<hbm>>
    %dma_wait3A_293 = tpu.memref_slice %arg2[%add3A_282] : memref<262144xi32, #tpu.memory_space<hbm>> -> memref<4096xi32, #tpu.memory_space<hbm>>
    tpu.wait_dma2 semaphore(%arg10 : memref<!tpu.dma_semaphore, #tpu.memory_space<semaphore_mem>>) src(%dma_wait3A_293 : memref<4096xi32, #tpu.memory_space<hbm>>) dst(%arg6 : memref<4096xi32, #tpu.memory_space<vmem>>)
    %dma_wait3A_294 = tpu.memref_slice %arg2[%add3A_286] : memref<262144xi32, #tpu.memory_space<hbm>> -> memref<4096xi32, #tpu.memory_space<hbm>>
    %dma_wait3A_295 = tpu.memref_slice %arg2[%add3A_286] : memref<262144xi32, #tpu.memory_space<hbm>> -> memref<4096xi32, #tpu.memory_space<hbm>>
    tpu.wait_dma2 semaphore(%arg10 : memref<!tpu.dma_semaphore, #tpu.memory_space<semaphore_mem>>) src(%dma_wait3A_295 : memref<4096xi32, #tpu.memory_space<hbm>>) dst(%arg8 : memref<4096xi32, #tpu.memory_space<vmem>>)
    %add3A_296 = arith.constant 16384 : i32
    %add3A_297 = arith.addi %mul3A_233, %add3A_296 : i32
    %dma_start3A_298 = tpu.memref_slice %arg2[%add3A_297] : memref<262144xi32, #tpu.memory_space<hbm>> -> memref<4096xi32, #tpu.memory_space<hbm>>
    %dma_start3A_299 = tpu.memref_slice %arg2[%add3A_297] : memref<262144xi32, #tpu.memory_space<hbm>> -> memref<4096xi32, #tpu.memory_space<hbm>>
    tpu.enqueue_dma source(%dma_start3A_299 : memref<4096xi32, #tpu.memory_space<hbm>>) target(%arg5 : memref<4096xi32, #tpu.memory_space<vmem>>) target_semaphore(%arg9 : memref<!tpu.dma_semaphore, #tpu.memory_space<semaphore_mem>>)
    %add3A_300 = arith.constant 16384 : i32
    %add3A_301 = arith.addi %add3A_239, %add3A_300 : i32
    %dma_start3A_302 = tpu.memref_slice %arg2[%add3A_301] : memref<262144xi32, #tpu.memory_space<hbm>> -> memref<4096xi32, #tpu.memory_space<hbm>>
    %dma_start3A_303 = tpu.memref_slice %arg2[%add3A_301] : memref<262144xi32, #tpu.memory_space<hbm>> -> memref<4096xi32, #tpu.memory_space<hbm>>
    tpu.enqueue_dma source(%dma_start3A_303 : memref<4096xi32, #tpu.memory_space<hbm>>) target(%arg7 : memref<4096xi32, #tpu.memory_space<vmem>>) target_semaphore(%arg9 : memref<!tpu.dma_semaphore, #tpu.memory_space<semaphore_mem>>)
    %parallel_loop3A_304 = arith.constant 0 : i32
    %parallel_loop3A_305 = arith.constant 4096 : i32
    %parallel_loop3A_306 = arith.constant 16 : i32
    scf.for %parallel_loop3A_377 = %parallel_loop3A_304 to %parallel_loop3A_305 step %parallel_loop3A_306  : i32 {
      %parallel_loop3A_378 = arith.index_cast %parallel_loop3A_377 : i32 to index
      %parallel_loop3A_379 = tpu.vector_load %arg6[%parallel_loop3A_378] {strides = array<i32>} : memref<4096xi32, #tpu.memory_space<vmem>>, vector<16xi32>,
      %parallel_loop3A_380 = arith.index_cast %parallel_loop3A_377 : i32 to index
      %parallel_loop3A_381 = tpu.vector_load %arg8[%parallel_loop3A_380] {strides = array<i32>} : memref<4096xi32, #tpu.memory_space<vmem>>, vector<16xi32>,
      %parallel_loop3A_382 = vector.broadcast %mul3A_229 : i32 to vector<16xi32>
      %parallel_loop3A_383 = arith.subi %parallel_loop3A_381, %parallel_loop3A_382 : vector<16xi32>
      %parallel_loop3A_384 = arith.constant 0 : i32
      %parallel_loop3A_385 = vector.broadcast %parallel_loop3A_384 : i32 to vector<16xi32>
      %parallel_loop3A_386 = arith.cmpi sge, %parallel_loop3A_383, %parallel_loop3A_385 : vector<16xi32>
      %parallel_loop3A_387 = arith.constant 64 : i32
      %parallel_loop3A_388 = vector.broadcast %parallel_loop3A_387 : i32 to vector<16xi32>
      %parallel_loop3A_389 = arith.cmpi slt, %parallel_loop3A_383, %parallel_loop3A_388 : vector<16xi32>
      %parallel_loop3A_390 = arith.andi %parallel_loop3A_386, %parallel_loop3A_389 : vector<16xi1>
      %parallel_loop3A_391 = arith.constant 0 : i32
      %parallel_loop3A_392 = vector.broadcast %parallel_loop3A_391 : i32 to vector<16xi32>
      %parallel_loop3A_393 = arith.select %parallel_loop3A_390, %parallel_loop3A_383, %parallel_loop3A_392 : vector<16xi1>, vector<16xi32>
      tpu.vector_store_idx %arg4[%parallel_loop3A_393, %parallel_loop3A_379], %broadcast_in_dim3A_3 masked %parallel_loop3A_390 {add = true} : memref<64x1024xf32, #tpu.memory_space<vmem>>[vector<16xi32>, vector<16xi32>], vector<16xf32>, vector<16xi1>
    } {sc.loop_unroll_factor = 4 : i64, sc.parallel_access}
    %dma_wait3A_307 = tpu.memref_slice %arg2[%add3A_297] : memref<262144xi32, #tpu.memory_space<hbm>> -> memref<4096xi32, #tpu.memory_space<hbm>>
    %dma_wait3A_308 = tpu.memref_slice %arg2[%add3A_297] : memref<262144xi32, #tpu.memory_space<hbm>> -> memref<4096xi32, #tpu.memory_space<hbm>>
    tpu.wait_dma2 semaphore(%arg9 : memref<!tpu.dma_semaphore, #tpu.memory_space<semaphore_mem>>) src(%dma_wait3A_308 : memref<4096xi32, #tpu.memory_space<hbm>>) dst(%arg5 : memref<4096xi32, #tpu.memory_space<vmem>>)
    %dma_wait3A_309 = tpu.memref_slice %arg2[%add3A_301] : memref<262144xi32, #tpu.memory_space<hbm>> -> memref<4096xi32, #tpu.memory_space<hbm>>
    %dma_wait3A_310 = tpu.memref_slice %arg2[%add3A_301] : memref<262144xi32, #tpu.memory_space<hbm>> -> memref<4096xi32, #tpu.memory_space<hbm>>
    tpu.wait_dma2 semaphore(%arg9 : memref<!tpu.dma_semaphore, #tpu.memory_space<semaphore_mem>>) src(%dma_wait3A_310 : memref<4096xi32, #tpu.memory_space<hbm>>) dst(%arg7 : memref<4096xi32, #tpu.memory_space<vmem>>)
    %add3A_311 = arith.constant 20480 : i32
    %add3A_312 = arith.addi %mul3A_233, %add3A_311 : i32
    %dma_start3A_313 = tpu.memref_slice %arg2[%add3A_312] : memref<262144xi32, #tpu.memory_space<hbm>> -> memref<4096xi32, #tpu.memory_space<hbm>>
    %dma_start3A_314 = tpu.memref_slice %arg2[%add3A_312] : memref<262144xi32, #tpu.memory_space<hbm>> -> memref<4096xi32, #tpu.memory_space<hbm>>
    tpu.enqueue_dma source(%dma_start3A_314 : memref<4096xi32, #tpu.memory_space<hbm>>) target(%arg6 : memref<4096xi32, #tpu.memory_space<vmem>>) target_semaphore(%arg10 : memref<!tpu.dma_semaphore, #tpu.memory_space<semaphore_mem>>)
    %add3A_315 = arith.constant 20480 : i32
    %add3A_316 = arith.addi %add3A_239, %add3A_315 : i32
    %dma_start3A_317 = tpu.memref_slice %arg2[%add3A_316] : memref<262144xi32, #tpu.memory_space<hbm>> -> memref<4096xi32, #tpu.memory_space<hbm>>
    %dma_start3A_318 = tpu.memref_slice %arg2[%add3A_316] : memref<262144xi32, #tpu.memory_space<hbm>> -> memref<4096xi32, #tpu.memory_space<hbm>>
    tpu.enqueue_dma source(%dma_start3A_318 : memref<4096xi32, #tpu.memory_space<hbm>>) target(%arg8 : memref<4096xi32, #tpu.memory_space<vmem>>) target_semaphore(%arg10 : memref<!tpu.dma_semaphore, #tpu.memory_space<semaphore_mem>>)
    %parallel_loop3A_319 = arith.constant 0 : i32
    %parallel_loop3A_320 = arith.constant 4096 : i32
    %parallel_loop3A_321 = arith.constant 16 : i32
    scf.for %parallel_loop3A_377 = %parallel_loop3A_319 to %parallel_loop3A_320 step %parallel_loop3A_321  : i32 {
      %parallel_loop3A_378 = arith.index_cast %parallel_loop3A_377 : i32 to index
      %parallel_loop3A_379 = tpu.vector_load %arg5[%parallel_loop3A_378] {strides = array<i32>} : memref<4096xi32, #tpu.memory_space<vmem>>, vector<16xi32>,
      %parallel_loop3A_380 = arith.index_cast %parallel_loop3A_377 : i32 to index
      %parallel_loop3A_381 = tpu.vector_load %arg7[%parallel_loop3A_380] {strides = array<i32>} : memref<4096xi32, #tpu.memory_space<vmem>>, vector<16xi32>,
      %parallel_loop3A_382 = vector.broadcast %mul3A_229 : i32 to vector<16xi32>
      %parallel_loop3A_383 = arith.subi %parallel_loop3A_381, %parallel_loop3A_382 : vector<16xi32>
      %parallel_loop3A_384 = arith.constant 0 : i32
      %parallel_loop3A_385 = vector.broadcast %parallel_loop3A_384 : i32 to vector<16xi32>
      %parallel_loop3A_386 = arith.cmpi sge, %parallel_loop3A_383, %parallel_loop3A_385 : vector<16xi32>
      %parallel_loop3A_387 = arith.constant 64 : i32
      %parallel_loop3A_388 = vector.broadcast %parallel_loop3A_387 : i32 to vector<16xi32>
      %parallel_loop3A_389 = arith.cmpi slt, %parallel_loop3A_383, %parallel_loop3A_388 : vector<16xi32>
      %parallel_loop3A_390 = arith.andi %parallel_loop3A_386, %parallel_loop3A_389 : vector<16xi1>
      %parallel_loop3A_391 = arith.constant 0 : i32
      %parallel_loop3A_392 = vector.broadcast %parallel_loop3A_391 : i32 to vector<16xi32>
      %parallel_loop3A_393 = arith.select %parallel_loop3A_390, %parallel_loop3A_383, %parallel_loop3A_392 : vector<16xi1>, vector<16xi32>
      tpu.vector_store_idx %arg4[%parallel_loop3A_393, %parallel_loop3A_379], %broadcast_in_dim3A_3 masked %parallel_loop3A_390 {add = true} : memref<64x1024xf32, #tpu.memory_space<vmem>>[vector<16xi32>, vector<16xi32>], vector<16xf32>, vector<16xi1>
    } {sc.loop_unroll_factor = 4 : i64, sc.parallel_access}
    %dma_wait3A_322 = tpu.memref_slice %arg2[%add3A_312] : memref<262144xi32, #tpu.memory_space<hbm>> -> memref<4096xi32, #tpu.memory_space<hbm>>
    %dma_wait3A_323 = tpu.memref_slice %arg2[%add3A_312] : memref<262144xi32, #tpu.memory_space<hbm>> -> memref<4096xi32, #tpu.memory_space<hbm>>
    tpu.wait_dma2 semaphore(%arg10 : memref<!tpu.dma_semaphore, #tpu.memory_space<semaphore_mem>>) src(%dma_wait3A_323 : memref<4096xi32, #tpu.memory_space<hbm>>) dst(%arg6 : memref<4096xi32, #tpu.memory_space<vmem>>)
    %dma_wait3A_324 = tpu.memref_slice %arg2[%add3A_316] : memref<262144xi32, #tpu.memory_space<hbm>> -> memref<4096xi32, #tpu.memory_space<hbm>>
    %dma_wait3A_325 = tpu.memref_slice %arg2[%add3A_316] : memref<262144xi32, #tpu.memory_space<hbm>> -> memref<4096xi32, #tpu.memory_space<hbm>>
    tpu.wait_dma2 semaphore(%arg10 : memref<!tpu.dma_semaphore, #tpu.memory_space<semaphore_mem>>) src(%dma_wait3A_325 : memref<4096xi32, #tpu.memory_space<hbm>>) dst(%arg8 : memref<4096xi32, #tpu.memory_space<vmem>>)
    %add3A_326 = arith.constant 24576 : i32
    %add3A_327 = arith.addi %mul3A_233, %add3A_326 : i32
    %dma_start3A_328 = tpu.memref_slice %arg2[%add3A_327] : memref<262144xi32, #tpu.memory_space<hbm>> -> memref<4096xi32, #tpu.memory_space<hbm>>
    %dma_start3A_329 = tpu.memref_slice %arg2[%add3A_327] : memref<262144xi32, #tpu.memory_space<hbm>> -> memref<4096xi32, #tpu.memory_space<hbm>>
    tpu.enqueue_dma source(%dma_start3A_329 : memref<4096xi32, #tpu.memory_space<hbm>>) target(%arg5 : memref<4096xi32, #tpu.memory_space<vmem>>) target_semaphore(%arg9 : memref<!tpu.dma_semaphore, #tpu.memory_space<semaphore_mem>>)
    %add3A_330 = arith.constant 24576 : i32
    %add3A_331 = arith.addi %add3A_239, %add3A_330 : i32
    %dma_start3A_332 = tpu.memref_slice %arg2[%add3A_331] : memref<262144xi32, #tpu.memory_space<hbm>> -> memref<4096xi32, #tpu.memory_space<hbm>>
    %dma_start3A_333 = tpu.memref_slice %arg2[%add3A_331] : memref<262144xi32, #tpu.memory_space<hbm>> -> memref<4096xi32, #tpu.memory_space<hbm>>
    tpu.enqueue_dma source(%dma_start3A_333 : memref<4096xi32, #tpu.memory_space<hbm>>) target(%arg7 : memref<4096xi32, #tpu.memory_space<vmem>>) target_semaphore(%arg9 : memref<!tpu.dma_semaphore, #tpu.memory_space<semaphore_mem>>)
    %parallel_loop3A_334 = arith.constant 0 : i32
    %parallel_loop3A_335 = arith.constant 4096 : i32
    %parallel_loop3A_336 = arith.constant 16 : i32
    scf.for %parallel_loop3A_377 = %parallel_loop3A_334 to %parallel_loop3A_335 step %parallel_loop3A_336  : i32 {
      %parallel_loop3A_378 = arith.index_cast %parallel_loop3A_377 : i32 to index
      %parallel_loop3A_379 = tpu.vector_load %arg6[%parallel_loop3A_378] {strides = array<i32>} : memref<4096xi32, #tpu.memory_space<vmem>>, vector<16xi32>,
      %parallel_loop3A_380 = arith.index_cast %parallel_loop3A_377 : i32 to index
      %parallel_loop3A_381 = tpu.vector_load %arg8[%parallel_loop3A_380] {strides = array<i32>} : memref<4096xi32, #tpu.memory_space<vmem>>, vector<16xi32>,
      %parallel_loop3A_382 = vector.broadcast %mul3A_229 : i32 to vector<16xi32>
      %parallel_loop3A_383 = arith.subi %parallel_loop3A_381, %parallel_loop3A_382 : vector<16xi32>
      %parallel_loop3A_384 = arith.constant 0 : i32
      %parallel_loop3A_385 = vector.broadcast %parallel_loop3A_384 : i32 to vector<16xi32>
      %parallel_loop3A_386 = arith.cmpi sge, %parallel_loop3A_383, %parallel_loop3A_385 : vector<16xi32>
      %parallel_loop3A_387 = arith.constant 64 : i32
      %parallel_loop3A_388 = vector.broadcast %parallel_loop3A_387 : i32 to vector<16xi32>
      %parallel_loop3A_389 = arith.cmpi slt, %parallel_loop3A_383, %parallel_loop3A_388 : vector<16xi32>
      %parallel_loop3A_390 = arith.andi %parallel_loop3A_386, %parallel_loop3A_389 : vector<16xi1>
      %parallel_loop3A_391 = arith.constant 0 : i32
      %parallel_loop3A_392 = vector.broadcast %parallel_loop3A_391 : i32 to vector<16xi32>
      %parallel_loop3A_393 = arith.select %parallel_loop3A_390, %parallel_loop3A_383, %parallel_loop3A_392 : vector<16xi1>, vector<16xi32>
      tpu.vector_store_idx %arg4[%parallel_loop3A_393, %parallel_loop3A_379], %broadcast_in_dim3A_3 masked %parallel_loop3A_390 {add = true} : memref<64x1024xf32, #tpu.memory_space<vmem>>[vector<16xi32>, vector<16xi32>], vector<16xf32>, vector<16xi1>
    } {sc.loop_unroll_factor = 4 : i64, sc.parallel_access}
    %dma_wait3A_337 = tpu.memref_slice %arg2[%add3A_327] : memref<262144xi32, #tpu.memory_space<hbm>> -> memref<4096xi32, #tpu.memory_space<hbm>>
    %dma_wait3A_338 = tpu.memref_slice %arg2[%add3A_327] : memref<262144xi32, #tpu.memory_space<hbm>> -> memref<4096xi32, #tpu.memory_space<hbm>>
    tpu.wait_dma2 semaphore(%arg9 : memref<!tpu.dma_semaphore, #tpu.memory_space<semaphore_mem>>) src(%dma_wait3A_338 : memref<4096xi32, #tpu.memory_space<hbm>>) dst(%arg5 : memref<4096xi32, #tpu.memory_space<vmem>>)
    %dma_wait3A_339 = tpu.memref_slice %arg2[%add3A_331] : memref<262144xi32, #tpu.memory_space<hbm>> -> memref<4096xi32, #tpu.memory_space<hbm>>
    %dma_wait3A_340 = tpu.memref_slice %arg2[%add3A_331] : memref<262144xi32, #tpu.memory_space<hbm>> -> memref<4096xi32, #tpu.memory_space<hbm>>
    tpu.wait_dma2 semaphore(%arg9 : memref<!tpu.dma_semaphore, #tpu.memory_space<semaphore_mem>>) src(%dma_wait3A_340 : memref<4096xi32, #tpu.memory_space<hbm>>) dst(%arg7 : memref<4096xi32, #tpu.memory_space<vmem>>)
    %add3A_341 = arith.constant 28672 : i32
    %add3A_342 = arith.addi %mul3A_233, %add3A_341 : i32
    %dma_start3A_343 = tpu.memref_slice %arg2[%add3A_342] : memref<262144xi32, #tpu.memory_space<hbm>> -> memref<4096xi32, #tpu.memory_space<hbm>>
    %dma_start3A_344 = tpu.memref_slice %arg2[%add3A_342] : memref<262144xi32, #tpu.memory_space<hbm>> -> memref<4096xi32, #tpu.memory_space<hbm>>
    tpu.enqueue_dma source(%dma_start3A_344 : memref<4096xi32, #tpu.memory_space<hbm>>) target(%arg6 : memref<4096xi32, #tpu.memory_space<vmem>>) target_semaphore(%arg10 : memref<!tpu.dma_semaphore, #tpu.memory_space<semaphore_mem>>)
    %add3A_345 = arith.constant 28672 : i32
    %add3A_346 = arith.addi %add3A_239, %add3A_345 : i32
    %dma_start3A_347 = tpu.memref_slice %arg2[%add3A_346] : memref<262144xi32, #tpu.memory_space<hbm>> -> memref<4096xi32, #tpu.memory_space<hbm>>
    %dma_start3A_348 = tpu.memref_slice %arg2[%add3A_346] : memref<262144xi32, #tpu.memory_space<hbm>> -> memref<4096xi32, #tpu.memory_space<hbm>>
    tpu.enqueue_dma source(%dma_start3A_348 : memref<4096xi32, #tpu.memory_space<hbm>>) target(%arg8 : memref<4096xi32, #tpu.memory_space<vmem>>) target_semaphore(%arg10 : memref<!tpu.dma_semaphore, #tpu.memory_space<semaphore_mem>>)
    %parallel_loop3A_349 = arith.constant 0 : i32
    %parallel_loop3A_350 = arith.constant 4096 : i32
    %parallel_loop3A_351 = arith.constant 16 : i32
    scf.for %parallel_loop3A_377 = %parallel_loop3A_349 to %parallel_loop3A_350 step %parallel_loop3A_351  : i32 {
      %parallel_loop3A_378 = arith.index_cast %parallel_loop3A_377 : i32 to index
      %parallel_loop3A_379 = tpu.vector_load %arg5[%parallel_loop3A_378] {strides = array<i32>} : memref<4096xi32, #tpu.memory_space<vmem>>, vector<16xi32>,
      %parallel_loop3A_380 = arith.index_cast %parallel_loop3A_377 : i32 to index
      %parallel_loop3A_381 = tpu.vector_load %arg7[%parallel_loop3A_380] {strides = array<i32>} : memref<4096xi32, #tpu.memory_space<vmem>>, vector<16xi32>,
      %parallel_loop3A_382 = vector.broadcast %mul3A_229 : i32 to vector<16xi32>
      %parallel_loop3A_383 = arith.subi %parallel_loop3A_381, %parallel_loop3A_382 : vector<16xi32>
      %parallel_loop3A_384 = arith.constant 0 : i32
      %parallel_loop3A_385 = vector.broadcast %parallel_loop3A_384 : i32 to vector<16xi32>
      %parallel_loop3A_386 = arith.cmpi sge, %parallel_loop3A_383, %parallel_loop3A_385 : vector<16xi32>
      %parallel_loop3A_387 = arith.constant 64 : i32
      %parallel_loop3A_388 = vector.broadcast %parallel_loop3A_387 : i32 to vector<16xi32>
      %parallel_loop3A_389 = arith.cmpi slt, %parallel_loop3A_383, %parallel_loop3A_388 : vector<16xi32>
      %parallel_loop3A_390 = arith.andi %parallel_loop3A_386, %parallel_loop3A_389 : vector<16xi1>
      %parallel_loop3A_391 = arith.constant 0 : i32
      %parallel_loop3A_392 = vector.broadcast %parallel_loop3A_391 : i32 to vector<16xi32>
      %parallel_loop3A_393 = arith.select %parallel_loop3A_390, %parallel_loop3A_383, %parallel_loop3A_392 : vector<16xi1>, vector<16xi32>
      tpu.vector_store_idx %arg4[%parallel_loop3A_393, %parallel_loop3A_379], %broadcast_in_dim3A_3 masked %parallel_loop3A_390 {add = true} : memref<64x1024xf32, #tpu.memory_space<vmem>>[vector<16xi32>, vector<16xi32>], vector<16xf32>, vector<16xi1>
    } {sc.loop_unroll_factor = 4 : i64, sc.parallel_access}
    %dma_wait3A_352 = tpu.memref_slice %arg2[%add3A_342] : memref<262144xi32, #tpu.memory_space<hbm>> -> memref<4096xi32, #tpu.memory_space<hbm>>
    %dma_wait3A_353 = tpu.memref_slice %arg2[%add3A_342] : memref<262144xi32, #tpu.memory_space<hbm>> -> memref<4096xi32, #tpu.memory_space<hbm>>
    tpu.wait_dma2 semaphore(%arg10 : memref<!tpu.dma_semaphore, #tpu.memory_space<semaphore_mem>>) src(%dma_wait3A_353 : memref<4096xi32, #tpu.memory_space<hbm>>) dst(%arg6 : memref<4096xi32, #tpu.memory_space<vmem>>)
    %dma_wait3A_354 = tpu.memref_slice %arg2[%add3A_346] : memref<262144xi32, #tpu.memory_space<hbm>> -> memref<4096xi32, #tpu.memory_space<hbm>>
    %dma_wait3A_355 = tpu.memref_slice %arg2[%add3A_346] : memref<262144xi32, #tpu.memory_space<hbm>> -> memref<4096xi32, #tpu.memory_space<hbm>>
    tpu.wait_dma2 semaphore(%arg10 : memref<!tpu.dma_semaphore, #tpu.memory_space<semaphore_mem>>) src(%dma_wait3A_355 : memref<4096xi32, #tpu.memory_space<hbm>>) dst(%arg8 : memref<4096xi32, #tpu.memory_space<vmem>>)
    %parallel_loop3A_356 = arith.constant 0 : i32
    %parallel_loop3A_357 = arith.constant 4096 : i32
    %parallel_loop3A_358 = arith.constant 16 : i32
    scf.for %parallel_loop3A_377 = %parallel_loop3A_356 to %parallel_loop3A_357 step %parallel_loop3A_358  : i32 {
      %parallel_loop3A_378 = arith.index_cast %parallel_loop3A_377 : i32 to index
      %parallel_loop3A_379 = tpu.vector_load %arg6[%parallel_loop3A_378] {strides = array<i32>} : memref<4096xi32, #tpu.memory_space<vmem>>, vector<16xi32>,
      %parallel_loop3A_380 = arith.index_cast %parallel_loop3A_377 : i32 to index
      %parallel_loop3A_381 = tpu.vector_load %arg8[%parallel_loop3A_380] {strides = array<i32>} : memref<4096xi32, #tpu.memory_space<vmem>>, vector<16xi32>,
      %parallel_loop3A_382 = vector.broadcast %mul3A_229 : i32 to vector<16xi32>
      %parallel_loop3A_383 = arith.subi %parallel_loop3A_381, %parallel_loop3A_382 : vector<16xi32>
      %parallel_loop3A_384 = arith.constant 0 : i32
      %parallel_loop3A_385 = vector.broadcast %parallel_loop3A_384 : i32 to vector<16xi32>
      %parallel_loop3A_386 = arith.cmpi sge, %parallel_loop3A_383, %parallel_loop3A_385 : vector<16xi32>
      %parallel_loop3A_387 = arith.constant 64 : i32
      %parallel_loop3A_388 = vector.broadcast %parallel_loop3A_387 : i32 to vector<16xi32>
      %parallel_loop3A_389 = arith.cmpi slt, %parallel_loop3A_383, %parallel_loop3A_388 : vector<16xi32>
      %parallel_loop3A_390 = arith.andi %parallel_loop3A_386, %parallel_loop3A_389 : vector<16xi1>
      %parallel_loop3A_391 = arith.constant 0 : i32
      %parallel_loop3A_392 = vector.broadcast %parallel_loop3A_391 : i32 to vector<16xi32>
      %parallel_loop3A_393 = arith.select %parallel_loop3A_390, %parallel_loop3A_383, %parallel_loop3A_392 : vector<16xi1>, vector<16xi32>
      tpu.vector_store_idx %arg4[%parallel_loop3A_393, %parallel_loop3A_379], %broadcast_in_dim3A_3 masked %parallel_loop3A_390 {add = true} : memref<64x1024xf32, #tpu.memory_space<vmem>>[vector<16xi32>, vector<16xi32>], vector<16xf32>, vector<16xi1>
    } {sc.loop_unroll_factor = 4 : i64, sc.parallel_access}
    %jit3A_359 = arith.constant 16 : i32
    %eq3A_360 = arith.constant 0 : i32
    %eq3A_361 = arith.cmpi eq, %jit3A_359, %eq3A_360 : i32
    %jit3A_362 = arith.constant 1 : i32
    %select_n3A_363 = arith.select %eq3A_361, %jit3A_362, %jit3A_359 : i32
    %rem3A_364 = arith.remsi %add3A_187, %select_n3A_363 : i32
    %ne3A_365 = arith.constant 0 : i32
    %ne3A_366 = arith.cmpi ne, %rem3A_364, %ne3A_365 : i32
    %lt3A_367 = arith.constant 0 : i32
    %lt3A_368 = arith.cmpi slt, %rem3A_364, %lt3A_367 : i32
    %lt3A_369 = arith.constant 0 : i32
    %lt3A_370 = arith.cmpi slt, %select_n3A_363, %lt3A_369 : i32
    %ne3A_371 = arith.xori %lt3A_368, %lt3A_370 : i1
    %and3A_372 = arith.andi %ne3A_371, %ne3A_366 : i1
    %add3A_373 = arith.addi %rem3A_364, %select_n3A_363 : i32
    %select_n3A_374 = arith.select %and3A_372, %add3A_373, %rem3A_364 : i32
    %mul3A_375 = arith.constant 64 : i32
    %mul3A_376 = arith.muli %select_n3A_374, %mul3A_375 : i32
    "tpu.region"() ({
      %run_scoped3A = tpu.sem_alloc : memref<!tpu.dma_semaphore, #tpu.memory_space<semaphore_mem>>
      %dma_start3A_377 = arith.constant 0 : i32
      %dma_start3A_378 = tpu.memref_slice %arg3[%select_n3A_211, %mul3A_376, %dma_start3A_377] : memref<4x1024x1024xf32, #tpu.memory_space<hbm>> -> memref<1x64x1024xf32, #tpu.memory_space<hbm>>
      %dma_start3A_379 = tpu.memref_squeeze %dma_start3A_378 : memref<1x64x1024xf32, #tpu.memory_space<hbm>> -> memref<64x1024xf32, #tpu.memory_space<hbm>>
      %dma_start3A_380 = arith.constant 0 : i32
      %dma_start3A_381 = tpu.memref_slice %arg3[%select_n3A_211, %mul3A_376, %dma_start3A_380] : memref<4x1024x1024xf32, #tpu.memory_space<hbm>> -> memref<1x64x1024xf32, #tpu.memory_space<hbm>>
      %dma_start3A_382 = tpu.memref_squeeze %dma_start3A_381 : memref<1x64x1024xf32, #tpu.memory_space<hbm>> -> memref<64x1024xf32, #tpu.memory_space<hbm>>
      tpu.enqueue_dma source(%arg4 : memref<64x1024xf32, #tpu.memory_space<vmem>>) target(%dma_start3A_382 : memref<64x1024xf32, #tpu.memory_space<hbm>>) target_semaphore(%run_scoped3A : memref<!tpu.dma_semaphore, #tpu.memory_space<semaphore_mem>>)
      %dma_wait3A_383 = arith.constant 0 : i32
      %dma_wait3A_384 = tpu.memref_slice %arg3[%select_n3A_211, %mul3A_376, %dma_wait3A_383] : memref<4x1024x1024xf32, #tpu.memory_space<hbm>> -> memref<1x64x1024xf32, #tpu.memory_space<hbm>>
      %dma_wait3A_385 = tpu.memref_squeeze %dma_wait3A_384 : memref<1x64x1024xf32, #tpu.memory_space<hbm>> -> memref<64x1024xf32, #tpu.memory_space<hbm>>
      %dma_wait3A_386 = arith.constant 0 : i32
      %dma_wait3A_387 = tpu.memref_slice %arg3[%select_n3A_211, %mul3A_376, %dma_wait3A_386] : memref<4x1024x1024xf32, #tpu.memory_space<hbm>> -> memref<1x64x1024xf32, #tpu.memory_space<hbm>>
      %dma_wait3A_388 = tpu.memref_squeeze %dma_wait3A_387 : memref<1x64x1024xf32, #tpu.memory_space<hbm>> -> memref<64x1024xf32, #tpu.memory_space<hbm>>
      tpu.wait_dma2 semaphore(%run_scoped3A : memref<!tpu.dma_semaphore, #tpu.memory_space<semaphore_mem>>) src(%arg4 : memref<64x1024xf32, #tpu.memory_space<vmem>>) dst(%dma_wait3A_388 : memref<64x1024xf32, #tpu.memory_space<hbm>>)
      tpu.yield
    }) : () -> ()
    return
  }
}

module attributes {stable_mosaic.version = 14 : i64} {
  func.func @_gnn_body(%arg0: i32, %arg1: memref<4096x128xf32, #tpu.memory_space<vmem>>, %arg2: memref<1x1024x1024xf32, #tpu.memory_space<vmem>>, %arg3: memref<4x128x128xf32, #tpu.memory_space<vmem>>, %arg4: memref<4x128x128xf32, #tpu.memory_space<vmem>>, %arg5: memref<4x1x128xf32, #tpu.memory_space<vmem>>, %arg6: memref<1x1024x128xf32, #tpu.memory_space<vmem>>, %arg7: memref<1x1024x256xf32, #tpu.memory_space<vmem>>) attributes {dimension_semantics = [#tpu.dimension_semantics<arbitrary>], iteration_bounds = array<i64: 4>, scalar_prefetch = 0 : i64, scratch_operands = 0 : i64, tpu.core_type = #tpu.core_type<tc>, window_params = [{pipeline_mode = #tpu.pipeline_mode<synchronous>, transform_indices = @transform_0, window_bounds = array<i64: 4096, 128>}, {transform_indices = @transform_1, window_bounds = array<i64: 1, 1024, 1024>}, {pipeline_mode = #tpu.pipeline_mode<synchronous>, transform_indices = @transform_2, window_bounds = array<i64: 4, 128, 128>}, {pipeline_mode = #tpu.pipeline_mode<synchronous>, transform_indices = @transform_3, window_bounds = array<i64: 4, 128, 128>}, {pipeline_mode = #tpu.pipeline_mode<synchronous>, transform_indices = @transform_4, window_bounds = array<i64: 4, 1, 128>}, {transform_indices = @transform_5, window_bounds = array<i64: 1, 1024, 128>}, {transform_indices = @transform_6, window_bounds = array<i64: 1, 1024, 256>}]} {
    %mul3A = arith.constant 1024 : i32
    %mul3A_0 = arith.muli %arg0, %mul3A : i32
    %get3A = arith.index_cast %mul3A_0 : i32 to index
    %get3A_1 = arith.constant 0 : index
    %get3A_2 = vector.load %arg1[%get3A, %get3A_1] : memref<4096x128xf32, #tpu.memory_space<vmem>>, vector<1024x128xf32>
    %get3A_3 = arith.constant 0 : index
    %get3A_4 = arith.constant 0 : index
    %get3A_5 = arith.constant 0 : index
    %get3A_6 = vector.load %arg2[%get3A_3, %get3A_4, %get3A_5] : memref<1x1024x1024xf32, #tpu.memory_space<vmem>>, vector<1x1024x1024xf32>
    %get3A_7 = vector.shape_cast %get3A_6 : vector<1x1024x1024xf32> to vector<1024x1024xf32>
    %reduce_sum3A = arith.constant dense<0.000000e+00> : vector<1024xf32>
    %reduce_sum3A_8 = vector.multi_reduction <add>, %get3A_7, %reduce_sum3A [1] : vector<1024x1024xf32> to vector<1024xf32>
    %broadcast_in_dim3A = vector.shape_cast %reduce_sum3A_8 : vector<1024xf32> to vector<1024x1xf32>
    %max3A = arith.constant 1.000000e+00 : f32
    %max3A_9 = vector.broadcast %max3A : f32 to vector<1024x1xf32>
    %max3A_10 = arith.maximumf %broadcast_in_dim3A, %max3A_9 : vector<1024x1xf32>
    %div3A = arith.constant 1.000000e+00 : f32
    %div3A_11 = vector.broadcast %div3A : f32 to vector<1024x1xf32>
    %div3A_12 = arith.divf %div3A_11, %max3A_10 : vector<1024x1xf32>
    %convert_element_type3A = arith.truncf %get3A_7 : vector<1024x1024xf32> to vector<1024x1024xbf16>
    %convert_element_type3A_13 = arith.truncf %get3A_2 : vector<1024x128xf32> to vector<1024x128xbf16>
    %dot_general3A = arith.constant dense<0.000000e+00> : vector<1024x128xf32>
    %dot_general3A_14 = tpu.matmul %convert_element_type3A, %convert_element_type3A_13, %dot_general3A {dimension_numbers = #tpu.dot_dimension_numbers<[1], [0], [0], [1], [0, 0, 1, 1], [], []>, transpose_lhs_hint = false} : vector<1024x1024xbf16>, vector<1024x128xbf16>, vector<1024x128xf32> -> vector<1024x128xf32>
    %mul3A_15 = vector.broadcast %div3A_12 : vector<1024x1xf32> to vector<1024x128xf32>
    %mul3A_16 = arith.mulf %dot_general3A_14, %mul3A_15 : vector<1024x128xf32>
    %get3A_17 = arith.constant 0 : index
    %get3A_18 = arith.constant 0 : index
    %get3A_19 = arith.constant 0 : index
    %get3A_20 = vector.load %arg3[%get3A_17, %get3A_18, %get3A_19] : memref<4x128x128xf32, #tpu.memory_space<vmem>>, vector<1x128x128xf32>
    %get3A_21 = vector.shape_cast %get3A_20 : vector<1x128x128xf32> to vector<128x128xf32>
    %dot_general3A_22 = arith.constant dense<0.000000e+00> : vector<1024x128xf32>
    %dot_general3A_23 = tpu.matmul %get3A_2, %get3A_21, %dot_general3A_22 {dimension_numbers = #tpu.dot_dimension_numbers<[1], [0], [0], [1], [0, 0, 1, 1], [], []>, transpose_lhs_hint = false} : vector<1024x128xf32>, vector<128x128xf32>, vector<1024x128xf32> -> vector<1024x128xf32>
    %get3A_24 = arith.constant 0 : index
    %get3A_25 = arith.constant 0 : index
    %get3A_26 = arith.constant 0 : index
    %get3A_27 = vector.load %arg4[%get3A_24, %get3A_25, %get3A_26] : memref<4x128x128xf32, #tpu.memory_space<vmem>>, vector<1x128x128xf32>
    %get3A_28 = vector.shape_cast %get3A_27 : vector<1x128x128xf32> to vector<128x128xf32>
    %dot_general3A_29 = arith.constant dense<0.000000e+00> : vector<1024x128xf32>
    %dot_general3A_30 = tpu.matmul %mul3A_16, %get3A_28, %dot_general3A_29 {dimension_numbers = #tpu.dot_dimension_numbers<[1], [0], [0], [1], [0, 0, 1, 1], [], []>, transpose_lhs_hint = false} : vector<1024x128xf32>, vector<128x128xf32>, vector<1024x128xf32> -> vector<1024x128xf32>
    %add3A = arith.addf %dot_general3A_23, %dot_general3A_30 : vector<1024x128xf32>
    %get3A_31 = arith.constant 0 : index
    %get3A_32 = arith.constant 0 : index
    %get3A_33 = arith.constant 0 : index
    %get3A_34 = vector.load %arg5[%get3A_31, %get3A_32, %get3A_33] : memref<4x1x128xf32, #tpu.memory_space<vmem>>, vector<1x1x128xf32>
    %get3A_35 = vector.shape_cast %get3A_34 : vector<1x1x128xf32> to vector<1x128xf32>
    %add3A_36 = vector.broadcast %get3A_35 : vector<1x128xf32> to vector<1024x128xf32>
    %add3A_37 = arith.addf %add3A, %add3A_36 : vector<1024x128xf32>
    %tanh3A = math.tanh %add3A_37 : vector<1024x128xf32>
    %convert_element_type3A_38 = arith.truncf %tanh3A : vector<1024x128xf32> to vector<1024x128xbf16>
    %dot_general3A_39 = arith.constant dense<0.000000e+00> : vector<1024x128xf32>
    %dot_general3A_40 = tpu.matmul %convert_element_type3A, %convert_element_type3A_38, %dot_general3A_39 {dimension_numbers = #tpu.dot_dimension_numbers<[1], [0], [0], [1], [0, 0, 1, 1], [], []>, transpose_lhs_hint = false} : vector<1024x1024xbf16>, vector<1024x128xbf16>, vector<1024x128xf32> -> vector<1024x128xf32>
    %mul3A_41 = vector.broadcast %div3A_12 : vector<1024x1xf32> to vector<1024x128xf32>
    %mul3A_42 = arith.mulf %dot_general3A_40, %mul3A_41 : vector<1024x128xf32>
    %get3A_43 = arith.constant 1 : index
    %get3A_44 = arith.constant 0 : index
    %get3A_45 = arith.constant 0 : index
    %get3A_46 = vector.load %arg3[%get3A_43, %get3A_44, %get3A_45] : memref<4x128x128xf32, #tpu.memory_space<vmem>>, vector<1x128x128xf32>
    %get3A_47 = vector.shape_cast %get3A_46 : vector<1x128x128xf32> to vector<128x128xf32>
    %dot_general3A_48 = arith.constant dense<0.000000e+00> : vector<1024x128xf32>
    %dot_general3A_49 = tpu.matmul %tanh3A, %get3A_47, %dot_general3A_48 {dimension_numbers = #tpu.dot_dimension_numbers<[1], [0], [0], [1], [0, 0, 1, 1], [], []>, transpose_lhs_hint = false} : vector<1024x128xf32>, vector<128x128xf32>, vector<1024x128xf32> -> vector<1024x128xf32>
    %get3A_50 = arith.constant 1 : index
    %get3A_51 = arith.constant 0 : index
    %get3A_52 = arith.constant 0 : index
    %get3A_53 = vector.load %arg4[%get3A_50, %get3A_51, %get3A_52] : memref<4x128x128xf32, #tpu.memory_space<vmem>>, vector<1x128x128xf32>
    %get3A_54 = vector.shape_cast %get3A_53 : vector<1x128x128xf32> to vector<128x128xf32>
    %dot_general3A_55 = arith.constant dense<0.000000e+00> : vector<1024x128xf32>
    %dot_general3A_56 = tpu.matmul %mul3A_42, %get3A_54, %dot_general3A_55 {dimension_numbers = #tpu.dot_dimension_numbers<[1], [0], [0], [1], [0, 0, 1, 1], [], []>, transpose_lhs_hint = false} : vector<1024x128xf32>, vector<128x128xf32>, vector<1024x128xf32> -> vector<1024x128xf32>
    %add3A_57 = arith.addf %dot_general3A_49, %dot_general3A_56 : vector<1024x128xf32>
    %get3A_58 = arith.constant 1 : index
    %get3A_59 = arith.constant 0 : index
    %get3A_60 = arith.constant 0 : index
    %get3A_61 = vector.load %arg5[%get3A_58, %get3A_59, %get3A_60] : memref<4x1x128xf32, #tpu.memory_space<vmem>>, vector<1x1x128xf32>
    %get3A_62 = vector.shape_cast %get3A_61 : vector<1x1x128xf32> to vector<1x128xf32>
    %add3A_63 = vector.broadcast %get3A_62 : vector<1x128xf32> to vector<1024x128xf32>
    %add3A_64 = arith.addf %add3A_57, %add3A_63 : vector<1024x128xf32>
    %tanh3A_65 = math.tanh %add3A_64 : vector<1024x128xf32>
    %convert_element_type3A_66 = arith.truncf %tanh3A_65 : vector<1024x128xf32> to vector<1024x128xbf16>
    %dot_general3A_67 = arith.constant dense<0.000000e+00> : vector<1024x128xf32>
    %dot_general3A_68 = tpu.matmul %convert_element_type3A, %convert_element_type3A_66, %dot_general3A_67 {dimension_numbers = #tpu.dot_dimension_numbers<[1], [0], [0], [1], [0, 0, 1, 1], [], []>, transpose_lhs_hint = false} : vector<1024x1024xbf16>, vector<1024x128xbf16>, vector<1024x128xf32> -> vector<1024x128xf32>
    %mul3A_69 = vector.broadcast %div3A_12 : vector<1024x1xf32> to vector<1024x128xf32>
    %mul3A_70 = arith.mulf %dot_general3A_68, %mul3A_69 : vector<1024x128xf32>
    %get3A_71 = arith.constant 2 : index
    %get3A_72 = arith.constant 0 : index
    %get3A_73 = arith.constant 0 : index
    %get3A_74 = vector.load %arg3[%get3A_71, %get3A_72, %get3A_73] : memref<4x128x128xf32, #tpu.memory_space<vmem>>, vector<1x128x128xf32>
    %get3A_75 = vector.shape_cast %get3A_74 : vector<1x128x128xf32> to vector<128x128xf32>
    %dot_general3A_76 = arith.constant dense<0.000000e+00> : vector<1024x128xf32>
    %dot_general3A_77 = tpu.matmul %tanh3A_65, %get3A_75, %dot_general3A_76 {dimension_numbers = #tpu.dot_dimension_numbers<[1], [0], [0], [1], [0, 0, 1, 1], [], []>, transpose_lhs_hint = false} : vector<1024x128xf32>, vector<128x128xf32>, vector<1024x128xf32> -> vector<1024x128xf32>
    %get3A_78 = arith.constant 2 : index
    %get3A_79 = arith.constant 0 : index
    %get3A_80 = arith.constant 0 : index
    %get3A_81 = vector.load %arg4[%get3A_78, %get3A_79, %get3A_80] : memref<4x128x128xf32, #tpu.memory_space<vmem>>, vector<1x128x128xf32>
    %get3A_82 = vector.shape_cast %get3A_81 : vector<1x128x128xf32> to vector<128x128xf32>
    %dot_general3A_83 = arith.constant dense<0.000000e+00> : vector<1024x128xf32>
    %dot_general3A_84 = tpu.matmul %mul3A_70, %get3A_82, %dot_general3A_83 {dimension_numbers = #tpu.dot_dimension_numbers<[1], [0], [0], [1], [0, 0, 1, 1], [], []>, transpose_lhs_hint = false} : vector<1024x128xf32>, vector<128x128xf32>, vector<1024x128xf32> -> vector<1024x128xf32>
    %add3A_85 = arith.addf %dot_general3A_77, %dot_general3A_84 : vector<1024x128xf32>
    %get3A_86 = arith.constant 2 : index
    %get3A_87 = arith.constant 0 : index
    %get3A_88 = arith.constant 0 : index
    %get3A_89 = vector.load %arg5[%get3A_86, %get3A_87, %get3A_88] : memref<4x1x128xf32, #tpu.memory_space<vmem>>, vector<1x1x128xf32>
    %get3A_90 = vector.shape_cast %get3A_89 : vector<1x1x128xf32> to vector<1x128xf32>
    %add3A_91 = vector.broadcast %get3A_90 : vector<1x128xf32> to vector<1024x128xf32>
    %add3A_92 = arith.addf %add3A_85, %add3A_91 : vector<1024x128xf32>
    %tanh3A_93 = math.tanh %add3A_92 : vector<1024x128xf32>
    %convert_element_type3A_94 = arith.truncf %tanh3A_93 : vector<1024x128xf32> to vector<1024x128xbf16>
    %dot_general3A_95 = arith.constant dense<0.000000e+00> : vector<1024x128xf32>
    %dot_general3A_96 = tpu.matmul %convert_element_type3A, %convert_element_type3A_94, %dot_general3A_95 {dimension_numbers = #tpu.dot_dimension_numbers<[1], [0], [0], [1], [0, 0, 1, 1], [], []>, transpose_lhs_hint = false} : vector<1024x1024xbf16>, vector<1024x128xbf16>, vector<1024x128xf32> -> vector<1024x128xf32>
    %mul3A_97 = vector.broadcast %div3A_12 : vector<1024x1xf32> to vector<1024x128xf32>
    %mul3A_98 = arith.mulf %dot_general3A_96, %mul3A_97 : vector<1024x128xf32>
    %get3A_99 = arith.constant 3 : index
    %get3A_100 = arith.constant 0 : index
    %get3A_101 = arith.constant 0 : index
    %get3A_102 = vector.load %arg3[%get3A_99, %get3A_100, %get3A_101] : memref<4x128x128xf32, #tpu.memory_space<vmem>>, vector<1x128x128xf32>
    %get3A_103 = vector.shape_cast %get3A_102 : vector<1x128x128xf32> to vector<128x128xf32>
    %dot_general3A_104 = arith.constant dense<0.000000e+00> : vector<1024x128xf32>
    %dot_general3A_105 = tpu.matmul %tanh3A_93, %get3A_103, %dot_general3A_104 {dimension_numbers = #tpu.dot_dimension_numbers<[1], [0], [0], [1], [0, 0, 1, 1], [], []>, transpose_lhs_hint = false} : vector<1024x128xf32>, vector<128x128xf32>, vector<1024x128xf32> -> vector<1024x128xf32>
    %get3A_106 = arith.constant 3 : index
    %get3A_107 = arith.constant 0 : index
    %get3A_108 = arith.constant 0 : index
    %get3A_109 = vector.load %arg4[%get3A_106, %get3A_107, %get3A_108] : memref<4x128x128xf32, #tpu.memory_space<vmem>>, vector<1x128x128xf32>
    %get3A_110 = vector.shape_cast %get3A_109 : vector<1x128x128xf32> to vector<128x128xf32>
    %dot_general3A_111 = arith.constant dense<0.000000e+00> : vector<1024x128xf32>
    %dot_general3A_112 = tpu.matmul %mul3A_98, %get3A_110, %dot_general3A_111 {dimension_numbers = #tpu.dot_dimension_numbers<[1], [0], [0], [1], [0, 0, 1, 1], [], []>, transpose_lhs_hint = false} : vector<1024x128xf32>, vector<128x128xf32>, vector<1024x128xf32> -> vector<1024x128xf32>
    %add3A_113 = arith.addf %dot_general3A_105, %dot_general3A_112 : vector<1024x128xf32>
    %get3A_114 = arith.constant 3 : index
    %get3A_115 = arith.constant 0 : index
    %get3A_116 = arith.constant 0 : index
    %get3A_117 = vector.load %arg5[%get3A_114, %get3A_115, %get3A_116] : memref<4x1x128xf32, #tpu.memory_space<vmem>>, vector<1x1x128xf32>
    %get3A_118 = vector.shape_cast %get3A_117 : vector<1x1x128xf32> to vector<1x128xf32>
    %add3A_119 = vector.broadcast %get3A_118 : vector<1x128xf32> to vector<1024x128xf32>
    %add3A_120 = arith.addf %add3A_113, %add3A_119 : vector<1024x128xf32>
    %tanh3A_121 = math.tanh %add3A_120 : vector<1024x128xf32>
    %swap3A = arith.constant 0 : index
    %swap3A_122 = arith.constant 0 : index
    %swap3A_123 = arith.constant 0 : index
    %swap3A_124 = vector.load %arg7[%swap3A, %swap3A_122, %swap3A_123] : memref<1x1024x256xf32, #tpu.memory_space<vmem>>, vector<1x1024x128xf32>
    %swap3A_125 = vector.shape_cast %swap3A_124 : vector<1x1024x128xf32> to vector<1024x128xf32>
    %swap3A_126 = vector.shape_cast %tanh3A_121 : vector<1024x128xf32> to vector<1x1024x128xf32>
    tpu.vector_store %arg7[%swap3A, %swap3A_122, %swap3A_123], %swap3A_126 {strides = array<i32>} : memref<1x1024x256xf32, #tpu.memory_space<vmem>>, vector<1x1024x128xf32>,
    %get3A_127 = arith.constant 0 : index
    %get3A_128 = arith.constant 0 : index
    %get3A_129 = arith.constant 0 : index
    %get3A_130 = vector.load %arg6[%get3A_127, %get3A_128, %get3A_129] : memref<1x1024x128xf32, #tpu.memory_space<vmem>>, vector<1x1024x128xf32>
    %get3A_131 = vector.shape_cast %get3A_130 : vector<1x1024x128xf32> to vector<1024x128xf32>
    %swap3A_132 = arith.constant 0 : index
    %swap3A_133 = arith.constant 0 : index
    %swap3A_134 = arith.constant 128 : index
    %swap3A_135 = vector.load %arg7[%swap3A_132, %swap3A_133, %swap3A_134] : memref<1x1024x256xf32, #tpu.memory_space<vmem>>, vector<1x1024x128xf32>
    %swap3A_136 = vector.shape_cast %swap3A_135 : vector<1x1024x128xf32> to vector<1024x128xf32>
    %swap3A_137 = vector.shape_cast %get3A_131 : vector<1024x128xf32> to vector<1x1024x128xf32>
    tpu.vector_store %arg7[%swap3A_132, %swap3A_133, %swap3A_134], %swap3A_137 {strides = array<i32>} : memref<1x1024x256xf32, #tpu.memory_space<vmem>>, vector<1x1024x128xf32>,
    return
  }
  func.func @transform_0(%arg0: i32) -> (i32, i32) {
    %c0_i32 = arith.constant 0 : i32
    %c0_i32_0 = arith.constant 0 : i32
    %c0_i32_1 = arith.constant 0 : i32
    return %c0_i32, %c0_i32_0 : i32, i32
  }
  func.func @transform_1(%arg0: i32) -> (i32, i32, i32) {
    %c0_i32 = arith.constant 0 : i32
    %c0_i32_0 = arith.constant 0 : i32
    %c0_i32_1 = arith.constant 0 : i32
    return %arg0, %c0_i32, %c0_i32_0 : i32, i32, i32
  }
  func.func @transform_2(%arg0: i32) -> (i32, i32, i32) {
    %c0_i32 = arith.constant 0 : i32
    %c0_i32_0 = arith.constant 0 : i32
    %c0_i32_1 = arith.constant 0 : i32
    %c0_i32_2 = arith.constant 0 : i32
    return %c0_i32, %c0_i32_0, %c0_i32_1 : i32, i32, i32
  }
  func.func @transform_3(%arg0: i32) -> (i32, i32, i32) {
    %c0_i32 = arith.constant 0 : i32
    %c0_i32_0 = arith.constant 0 : i32
    %c0_i32_1 = arith.constant 0 : i32
    %c0_i32_2 = arith.constant 0 : i32
    return %c0_i32, %c0_i32_0, %c0_i32_1 : i32, i32, i32
  }
  func.func @transform_4(%arg0: i32) -> (i32, i32, i32) {
    %c0_i32 = arith.constant 0 : i32
    %c0_i32_0 = arith.constant 0 : i32
    %c0_i32_1 = arith.constant 0 : i32
    %c0_i32_2 = arith.constant 0 : i32
    return %c0_i32, %c0_i32_0, %c0_i32_1 : i32, i32, i32
  }
  func.func @transform_5(%arg0: i32) -> (i32, i32, i32) {
    %c0_i32 = arith.constant 0 : i32
    %c0_i32_0 = arith.constant 0 : i32
    %c0_i32_1 = arith.constant 0 : i32
    return %arg0, %c0_i32, %c0_i32_0 : i32, i32, i32
  }
  func.func @transform_6(%arg0: i32) -> (i32, i32, i32) {
    %c0_i32 = arith.constant 0 : i32
    %c0_i32_0 = arith.constant 0 : i32
    %c0_i32_1 = arith.constant 0 : i32
    return %arg0, %c0_i32, %c0_i32_0 : i32, i32, i32
  }
}

module attributes {stable_mosaic.version = 14 : i64} {
  func.func @_attention_body(%arg0: i32, %arg1: memref<4096x128xf32, #tpu.memory_space<vmem>>, %arg2: memref<128x128xf32, #tpu.memory_space<vmem>>, %arg3: memref<1x128xf32, #tpu.memory_space<vmem>>, %arg4: memref<128x128xf32, #tpu.memory_space<vmem>>, %arg5: memref<1x128xf32, #tpu.memory_space<vmem>>, %arg6: memref<128x128xf32, #tpu.memory_space<vmem>>, %arg7: memref<1x128xf32, #tpu.memory_space<vmem>>, %arg8: memref<128x128xf32, #tpu.memory_space<vmem>>, %arg9: memref<1x128xf32, #tpu.memory_space<vmem>>, %arg10: memref<256x128xf32, #tpu.memory_space<vmem>>, %arg11: memref<1x128xf32, #tpu.memory_space<vmem>>, %arg12: memref<1x1024x128xf32, #tpu.memory_space<vmem>>, %arg13: memref<4096x128xf32, #tpu.memory_space<vmem>>, %arg14: memref<4096x128xf32, #tpu.memory_space<vmem>>, %arg15: memref<128x128xf32, #tpu.memory_space<vmem>>, %arg16: memref<1x128xf32, #tpu.memory_space<vmem>>) attributes {dimension_semantics = [#tpu.dimension_semantics<arbitrary>], iteration_bounds = array<i64: 4>, scalar_prefetch = 0 : i64, scratch_operands = 4 : i64, tpu.core_type = #tpu.core_type<tc>, window_params = [{pipeline_mode = #tpu.pipeline_mode<synchronous>, transform_indices = @transform_0, window_bounds = array<i64: 4096, 128>}, {pipeline_mode = #tpu.pipeline_mode<synchronous>, transform_indices = @transform_1, window_bounds = array<i64: 128, 128>}, {pipeline_mode = #tpu.pipeline_mode<synchronous>, transform_indices = @transform_2, window_bounds = array<i64: 1, 128>}, {pipeline_mode = #tpu.pipeline_mode<synchronous>, transform_indices = @transform_3, window_bounds = array<i64: 128, 128>}, {pipeline_mode = #tpu.pipeline_mode<synchronous>, transform_indices = @transform_4, window_bounds = array<i64: 1, 128>}, {pipeline_mode = #tpu.pipeline_mode<synchronous>, transform_indices = @transform_5, window_bounds = array<i64: 128, 128>}, {pipeline_mode = #tpu.pipeline_mode<synchronous>, transform_indices = @transform_6, window_bounds = array<i64: 1, 128>}, {pipeline_mode = #tpu.pipeline_mode<synchronous>, transform_indices = @transform_7, window_bounds = array<i64: 128, 128>}, {pipeline_mode = #tpu.pipeline_mode<synchronous>, transform_indices = @transform_8, window_bounds = array<i64: 1, 128>}, {pipeline_mode = #tpu.pipeline_mode<synchronous>, transform_indices = @transform_9, window_bounds = array<i64: 256, 128>}, {pipeline_mode = #tpu.pipeline_mode<synchronous>, transform_indices = @transform_10, window_bounds = array<i64: 1, 128>}, {transform_indices = @transform_11, window_bounds = array<i64: 1, 1024, 128>}]} {
    %eq3A = arith.constant 0 : i32
    %eq3A_0 = arith.cmpi eq, %arg0, %eq3A : i32
    %convert_element_type3A = arith.extui %eq3A_0 : i1 to i32
    %cond3A = arith.constant 0 : i32
    %cond3A_1 = arith.cmpi ne, %convert_element_type3A, %cond3A : i32
    scf.if %cond3A_1 {
      %get3A_115 = arith.constant 0 : index
      %get3A_116 = arith.constant 0 : index
      %get3A_117 = vector.load %arg1[%get3A_115, %get3A_116] : memref<4096x128xf32, #tpu.memory_space<vmem>>, vector<4096x128xf32>
      %get3A_118 = arith.constant 0 : index
      %get3A_119 = arith.constant 0 : index
      %get3A_120 = vector.load %arg4[%get3A_118, %get3A_119] : memref<128x128xf32, #tpu.memory_space<vmem>>, vector<128x128xf32>
      %dot_general3A_121 = arith.constant dense<0.000000e+00> : vector<4096x128xf32>
      %dot_general3A_122 = tpu.matmul %get3A_117, %get3A_120, %dot_general3A_121 {dimension_numbers = #tpu.dot_dimension_numbers<[1], [0], [0], [1], [0, 0, 1, 1], [], []>, transpose_lhs_hint = false} : vector<4096x128xf32>, vector<128x128xf32>, vector<4096x128xf32> -> vector<4096x128xf32>
      %get3A_123 = arith.constant 0 : index
      %get3A_124 = arith.constant 0 : index
      %get3A_125 = vector.load %arg5[%get3A_123, %get3A_124] : memref<1x128xf32, #tpu.memory_space<vmem>>, vector<1x128xf32>
      %add3A_126 = vector.broadcast %get3A_125 : vector<1x128xf32> to vector<4096x128xf32>
      %add3A_127 = arith.addf %dot_general3A_122, %add3A_126 : vector<4096x128xf32>
      %swap3A_128 = arith.constant 0 : index
      %swap3A_129 = arith.constant 0 : index
      %swap3A_130 = vector.load %arg13[%swap3A_128, %swap3A_129] : memref<4096x128xf32, #tpu.memory_space<vmem>>, vector<4096x128xf32>
      tpu.vector_store %arg13[%swap3A_128, %swap3A_129], %add3A_127 {strides = array<i32>} : memref<4096x128xf32, #tpu.memory_space<vmem>>, vector<4096x128xf32>,
      %get3A_131 = arith.constant 0 : index
      %get3A_132 = arith.constant 0 : index
      %get3A_133 = vector.load %arg6[%get3A_131, %get3A_132] : memref<128x128xf32, #tpu.memory_space<vmem>>, vector<128x128xf32>
      %dot_general3A_134 = arith.constant dense<0.000000e+00> : vector<4096x128xf32>
      %dot_general3A_135 = tpu.matmul %get3A_117, %get3A_133, %dot_general3A_134 {dimension_numbers = #tpu.dot_dimension_numbers<[1], [0], [0], [1], [0, 0, 1, 1], [], []>, transpose_lhs_hint = false} : vector<4096x128xf32>, vector<128x128xf32>, vector<4096x128xf32> -> vector<4096x128xf32>
      %get3A_136 = arith.constant 0 : index
      %get3A_137 = arith.constant 0 : index
      %get3A_138 = vector.load %arg7[%get3A_136, %get3A_137] : memref<1x128xf32, #tpu.memory_space<vmem>>, vector<1x128xf32>
      %add3A_139 = vector.broadcast %get3A_138 : vector<1x128xf32> to vector<4096x128xf32>
      %add3A_140 = arith.addf %dot_general3A_135, %add3A_139 : vector<4096x128xf32>
      %swap3A_141 = arith.constant 0 : index
      %swap3A_142 = arith.constant 0 : index
      %swap3A_143 = vector.load %arg14[%swap3A_141, %swap3A_142] : memref<4096x128xf32, #tpu.memory_space<vmem>>, vector<4096x128xf32>
      tpu.vector_store %arg14[%swap3A_141, %swap3A_142], %add3A_140 {strides = array<i32>} : memref<4096x128xf32, #tpu.memory_space<vmem>>, vector<4096x128xf32>,
      %get3A_144 = arith.constant 0 : index
      %get3A_145 = arith.constant 0 : index
      %get3A_146 = vector.load %arg10[%get3A_144, %get3A_145] : memref<256x128xf32, #tpu.memory_space<vmem>>, vector<128x128xf32>
      %get3A_147 = arith.constant 128 : index
      %get3A_148 = arith.constant 0 : index
      %get3A_149 = vector.load %arg10[%get3A_147, %get3A_148] : memref<256x128xf32, #tpu.memory_space<vmem>>, vector<128x128xf32>
      %add3A_150 = arith.addf %get3A_146, %get3A_149 : vector<128x128xf32>
      %get3A_151 = arith.constant 0 : index
      %get3A_152 = arith.constant 0 : index
      %get3A_153 = vector.load %arg8[%get3A_151, %get3A_152] : memref<128x128xf32, #tpu.memory_space<vmem>>, vector<128x128xf32>
      %dot_general3A_154 = arith.constant dense<0.000000e+00> : vector<128x128xf32>
      %dot_general3A_155 = tpu.matmul %get3A_153, %add3A_150, %dot_general3A_154 {dimension_numbers = #tpu.dot_dimension_numbers<[1], [0], [0], [1], [0, 0, 1, 1], [], []>, transpose_lhs_hint = false} : vector<128x128xf32>, vector<128x128xf32>, vector<128x128xf32> -> vector<128x128xf32>
      %swap3A_156 = arith.constant 0 : index
      %swap3A_157 = arith.constant 0 : index
      %swap3A_158 = vector.load %arg15[%swap3A_156, %swap3A_157] : memref<128x128xf32, #tpu.memory_space<vmem>>, vector<128x128xf32>
      tpu.vector_store %arg15[%swap3A_156, %swap3A_157], %dot_general3A_155 {strides = array<i32>} : memref<128x128xf32, #tpu.memory_space<vmem>>, vector<128x128xf32>,
      %get3A_159 = arith.constant 0 : index
      %get3A_160 = arith.constant 0 : index
      %get3A_161 = vector.load %arg9[%get3A_159, %get3A_160] : memref<1x128xf32, #tpu.memory_space<vmem>>, vector<1x128xf32>
      %dot_general3A_162 = arith.constant dense<0.000000e+00> : vector<1x128xf32>
      %dot_general3A_163 = tpu.matmul %get3A_161, %add3A_150, %dot_general3A_162 {dimension_numbers = #tpu.dot_dimension_numbers<[1], [0], [0], [1], [0, 0, 1, 1], [], []>, transpose_lhs_hint = false} : vector<1x128xf32>, vector<128x128xf32>, vector<1x128xf32> -> vector<1x128xf32>
      %get3A_164 = arith.constant 0 : index
      %get3A_165 = arith.constant 0 : index
      %get3A_166 = vector.load %arg11[%get3A_164, %get3A_165] : memref<1x128xf32, #tpu.memory_space<vmem>>, vector<1x128xf32>
      %add3A_167 = arith.addf %dot_general3A_163, %get3A_166 : vector<1x128xf32>
      %swap3A_168 = arith.constant 0 : index
      %swap3A_169 = arith.constant 0 : index
      %swap3A_170 = vector.load %arg16[%swap3A_168, %swap3A_169] : memref<1x128xf32, #tpu.memory_space<vmem>>, vector<1x128xf32>
      tpu.vector_store %arg16[%swap3A_168, %swap3A_169], %add3A_167 {strides = array<i32>} : memref<1x128xf32, #tpu.memory_space<vmem>>, vector<1x128xf32>,
    } else {
    }
    %mul3A = arith.constant 1024 : i32
    %mul3A_2 = arith.muli %arg0, %mul3A : i32
    %get3A = arith.index_cast %mul3A_2 : i32 to index
    %get3A_3 = arith.constant 0 : index
    %get3A_4 = vector.load %arg1[%get3A, %get3A_3] : memref<4096x128xf32, #tpu.memory_space<vmem>>, vector<1024x128xf32>
    %get3A_5 = arith.constant 0 : index
    %get3A_6 = arith.constant 0 : index
    %get3A_7 = vector.load %arg2[%get3A_5, %get3A_6] : memref<128x128xf32, #tpu.memory_space<vmem>>, vector<128x128xf32>
    %dot_general3A = arith.constant dense<0.000000e+00> : vector<1024x128xf32>
    %dot_general3A_8 = tpu.matmul %get3A_4, %get3A_7, %dot_general3A {dimension_numbers = #tpu.dot_dimension_numbers<[1], [0], [0], [1], [0, 0, 1, 1], [], []>, transpose_lhs_hint = false} : vector<1024x128xf32>, vector<128x128xf32>, vector<1024x128xf32> -> vector<1024x128xf32>
    %get3A_9 = arith.constant 0 : index
    %get3A_10 = arith.constant 0 : index
    %get3A_11 = vector.load %arg3[%get3A_9, %get3A_10] : memref<1x128xf32, #tpu.memory_space<vmem>>, vector<1x128xf32>
    %add3A = vector.broadcast %get3A_11 : vector<1x128xf32> to vector<1024x128xf32>
    %add3A_12 = arith.addf %dot_general3A_8, %add3A : vector<1024x128xf32>
    %get3A_13 = arith.constant 0 : index
    %get3A_14 = arith.constant 0 : index
    %get3A_15 = vector.load %arg13[%get3A_13, %get3A_14] : memref<4096x128xf32, #tpu.memory_space<vmem>>, vector<4096x128xf32>
    %get3A_16 = arith.constant 0 : index
    %get3A_17 = arith.constant 0 : index
    %get3A_18 = vector.load %arg14[%get3A_16, %get3A_17] : memref<4096x128xf32, #tpu.memory_space<vmem>>, vector<4096x128xf32>
    %get3A_19 = arith.constant 0 : index
    %get3A_20 = arith.constant 0 : index
    %get3A_21 = vector.load %arg15[%get3A_19, %get3A_20] : memref<128x128xf32, #tpu.memory_space<vmem>>, vector<128x128xf32>
    %get3A_22 = arith.constant 0 : index
    %get3A_23 = arith.constant 0 : index
    %get3A_24 = vector.load %arg16[%get3A_22, %get3A_23] : memref<1x128xf32, #tpu.memory_space<vmem>>, vector<1x128xf32>
    %slice3A = vector.extract_strided_slice %add3A_12 {offsets = [0, 0], sizes = [256, 128], strides = [1, 1]} : vector<1024x128xf32> to vector<256x128xf32>
    %dot_general3A_25 = arith.constant dense<0.000000e+00> : vector<256x4096xf32>
    %dot_general3A_26 = tpu.matmul %slice3A, %get3A_15, %dot_general3A_25 {dimension_numbers = #tpu.dot_dimension_numbers<[1], [1], [0], [0], [0, 0, 1, 0], [], []>, transpose_lhs_hint = false} : vector<256x128xf32>, vector<4096x128xf32>, vector<256x4096xf32> -> vector<256x4096xf32>
    %exp3A = math.exp %dot_general3A_26 : vector<256x4096xf32>
    %reduce_sum3A = arith.constant dense<0.000000e+00> : vector<256xf32>
    %reduce_sum3A_27 = vector.multi_reduction <add>, %exp3A, %reduce_sum3A [1] : vector<256x4096xf32> to vector<256xf32>
    %broadcast_in_dim3A = vector.shape_cast %reduce_sum3A_27 : vector<256xf32> to vector<256x1xf32>
    %div3A = arith.constant 1.000000e+00 : f32
    %div3A_28 = vector.broadcast %div3A : f32 to vector<256x1xf32>
    %div3A_29 = arith.divf %div3A_28, %broadcast_in_dim3A : vector<256x1xf32>
    %dot_general3A_30 = arith.constant dense<0.000000e+00> : vector<256x128xf32>
    %dot_general3A_31 = tpu.matmul %exp3A, %get3A_18, %dot_general3A_30 {dimension_numbers = #tpu.dot_dimension_numbers<[1], [0], [0], [1], [0, 0, 1, 1], [], []>, transpose_lhs_hint = false} : vector<256x4096xf32>, vector<4096x128xf32>, vector<256x128xf32> -> vector<256x128xf32>
    %mul3A_32 = vector.broadcast %div3A_29 : vector<256x1xf32> to vector<256x128xf32>
    %mul3A_33 = arith.mulf %dot_general3A_31, %mul3A_32 : vector<256x128xf32>
    %dot_general3A_34 = arith.constant dense<0.000000e+00> : vector<256x128xf32>
    %dot_general3A_35 = tpu.matmul %mul3A_33, %get3A_21, %dot_general3A_34 {dimension_numbers = #tpu.dot_dimension_numbers<[1], [0], [0], [1], [0, 0, 1, 1], [], []>, transpose_lhs_hint = false} : vector<256x128xf32>, vector<128x128xf32>, vector<256x128xf32> -> vector<256x128xf32>
    %add3A_36 = vector.broadcast %get3A_24 : vector<1x128xf32> to vector<256x128xf32>
    %add3A_37 = arith.addf %dot_general3A_35, %add3A_36 : vector<256x128xf32>
    %swap3A = arith.constant 0 : index
    %swap3A_38 = arith.constant 0 : index
    %swap3A_39 = arith.constant 0 : index
    %swap3A_40 = vector.load %arg12[%swap3A, %swap3A_38, %swap3A_39] : memref<1x1024x128xf32, #tpu.memory_space<vmem>>, vector<1x256x128xf32>
    %swap3A_41 = vector.shape_cast %swap3A_40 : vector<1x256x128xf32> to vector<256x128xf32>
    %swap3A_42 = vector.shape_cast %add3A_37 : vector<256x128xf32> to vector<1x256x128xf32>
    tpu.vector_store %arg12[%swap3A, %swap3A_38, %swap3A_39], %swap3A_42 {strides = array<i32>} : memref<1x1024x128xf32, #tpu.memory_space<vmem>>, vector<1x256x128xf32>,
    %slice3A_43 = vector.extract_strided_slice %add3A_12 {offsets = [256, 0], sizes = [256, 128], strides = [1, 1]} : vector<1024x128xf32> to vector<256x128xf32>
    %dot_general3A_44 = arith.constant dense<0.000000e+00> : vector<256x4096xf32>
    %dot_general3A_45 = tpu.matmul %slice3A_43, %get3A_15, %dot_general3A_44 {dimension_numbers = #tpu.dot_dimension_numbers<[1], [1], [0], [0], [0, 0, 1, 0], [], []>, transpose_lhs_hint = false} : vector<256x128xf32>, vector<4096x128xf32>, vector<256x4096xf32> -> vector<256x4096xf32>
    %exp3A_46 = math.exp %dot_general3A_45 : vector<256x4096xf32>
    %reduce_sum3A_47 = arith.constant dense<0.000000e+00> : vector<256xf32>
    %reduce_sum3A_48 = vector.multi_reduction <add>, %exp3A_46, %reduce_sum3A_47 [1] : vector<256x4096xf32> to vector<256xf32>
    %broadcast_in_dim3A_49 = vector.shape_cast %reduce_sum3A_48 : vector<256xf32> to vector<256x1xf32>
    %div3A_50 = arith.constant 1.000000e+00 : f32
    %div3A_51 = vector.broadcast %div3A_50 : f32 to vector<256x1xf32>
    %div3A_52 = arith.divf %div3A_51, %broadcast_in_dim3A_49 : vector<256x1xf32>
    %dot_general3A_53 = arith.constant dense<0.000000e+00> : vector<256x128xf32>
    %dot_general3A_54 = tpu.matmul %exp3A_46, %get3A_18, %dot_general3A_53 {dimension_numbers = #tpu.dot_dimension_numbers<[1], [0], [0], [1], [0, 0, 1, 1], [], []>, transpose_lhs_hint = false} : vector<256x4096xf32>, vector<4096x128xf32>, vector<256x128xf32> -> vector<256x128xf32>
    %mul3A_55 = vector.broadcast %div3A_52 : vector<256x1xf32> to vector<256x128xf32>
    %mul3A_56 = arith.mulf %dot_general3A_54, %mul3A_55 : vector<256x128xf32>
    %dot_general3A_57 = arith.constant dense<0.000000e+00> : vector<256x128xf32>
    %dot_general3A_58 = tpu.matmul %mul3A_56, %get3A_21, %dot_general3A_57 {dimension_numbers = #tpu.dot_dimension_numbers<[1], [0], [0], [1], [0, 0, 1, 1], [], []>, transpose_lhs_hint = false} : vector<256x128xf32>, vector<128x128xf32>, vector<256x128xf32> -> vector<256x128xf32>
    %add3A_59 = vector.broadcast %get3A_24 : vector<1x128xf32> to vector<256x128xf32>
    %add3A_60 = arith.addf %dot_general3A_58, %add3A_59 : vector<256x128xf32>
    %swap3A_61 = arith.constant 0 : index
    %swap3A_62 = arith.constant 256 : index
    %swap3A_63 = arith.constant 0 : index
    %swap3A_64 = vector.load %arg12[%swap3A_61, %swap3A_62, %swap3A_63] : memref<1x1024x128xf32, #tpu.memory_space<vmem>>, vector<1x256x128xf32>
    %swap3A_65 = vector.shape_cast %swap3A_64 : vector<1x256x128xf32> to vector<256x128xf32>
    %swap3A_66 = vector.shape_cast %add3A_60 : vector<256x128xf32> to vector<1x256x128xf32>
    tpu.vector_store %arg12[%swap3A_61, %swap3A_62, %swap3A_63], %swap3A_66 {strides = array<i32>} : memref<1x1024x128xf32, #tpu.memory_space<vmem>>, vector<1x256x128xf32>,
    %slice3A_67 = vector.extract_strided_slice %add3A_12 {offsets = [512, 0], sizes = [256, 128], strides = [1, 1]} : vector<1024x128xf32> to vector<256x128xf32>
    %dot_general3A_68 = arith.constant dense<0.000000e+00> : vector<256x4096xf32>
    %dot_general3A_69 = tpu.matmul %slice3A_67, %get3A_15, %dot_general3A_68 {dimension_numbers = #tpu.dot_dimension_numbers<[1], [1], [0], [0], [0, 0, 1, 0], [], []>, transpose_lhs_hint = false} : vector<256x128xf32>, vector<4096x128xf32>, vector<256x4096xf32> -> vector<256x4096xf32>
    %exp3A_70 = math.exp %dot_general3A_69 : vector<256x4096xf32>
    %reduce_sum3A_71 = arith.constant dense<0.000000e+00> : vector<256xf32>
    %reduce_sum3A_72 = vector.multi_reduction <add>, %exp3A_70, %reduce_sum3A_71 [1] : vector<256x4096xf32> to vector<256xf32>
    %broadcast_in_dim3A_73 = vector.shape_cast %reduce_sum3A_72 : vector<256xf32> to vector<256x1xf32>
    %div3A_74 = arith.constant 1.000000e+00 : f32
    %div3A_75 = vector.broadcast %div3A_74 : f32 to vector<256x1xf32>
    %div3A_76 = arith.divf %div3A_75, %broadcast_in_dim3A_73 : vector<256x1xf32>
    %dot_general3A_77 = arith.constant dense<0.000000e+00> : vector<256x128xf32>
    %dot_general3A_78 = tpu.matmul %exp3A_70, %get3A_18, %dot_general3A_77 {dimension_numbers = #tpu.dot_dimension_numbers<[1], [0], [0], [1], [0, 0, 1, 1], [], []>, transpose_lhs_hint = false} : vector<256x4096xf32>, vector<4096x128xf32>, vector<256x128xf32> -> vector<256x128xf32>
    %mul3A_79 = vector.broadcast %div3A_76 : vector<256x1xf32> to vector<256x128xf32>
    %mul3A_80 = arith.mulf %dot_general3A_78, %mul3A_79 : vector<256x128xf32>
    %dot_general3A_81 = arith.constant dense<0.000000e+00> : vector<256x128xf32>
    %dot_general3A_82 = tpu.matmul %mul3A_80, %get3A_21, %dot_general3A_81 {dimension_numbers = #tpu.dot_dimension_numbers<[1], [0], [0], [1], [0, 0, 1, 1], [], []>, transpose_lhs_hint = false} : vector<256x128xf32>, vector<128x128xf32>, vector<256x128xf32> -> vector<256x128xf32>
    %add3A_83 = vector.broadcast %get3A_24 : vector<1x128xf32> to vector<256x128xf32>
    %add3A_84 = arith.addf %dot_general3A_82, %add3A_83 : vector<256x128xf32>
    %swap3A_85 = arith.constant 0 : index
    %swap3A_86 = arith.constant 512 : index
    %swap3A_87 = arith.constant 0 : index
    %swap3A_88 = vector.load %arg12[%swap3A_85, %swap3A_86, %swap3A_87] : memref<1x1024x128xf32, #tpu.memory_space<vmem>>, vector<1x256x128xf32>
    %swap3A_89 = vector.shape_cast %swap3A_88 : vector<1x256x128xf32> to vector<256x128xf32>
    %swap3A_90 = vector.shape_cast %add3A_84 : vector<256x128xf32> to vector<1x256x128xf32>
    tpu.vector_store %arg12[%swap3A_85, %swap3A_86, %swap3A_87], %swap3A_90 {strides = array<i32>} : memref<1x1024x128xf32, #tpu.memory_space<vmem>>, vector<1x256x128xf32>,
    %slice3A_91 = vector.extract_strided_slice %add3A_12 {offsets = [768, 0], sizes = [256, 128], strides = [1, 1]} : vector<1024x128xf32> to vector<256x128xf32>
    %dot_general3A_92 = arith.constant dense<0.000000e+00> : vector<256x4096xf32>
    %dot_general3A_93 = tpu.matmul %slice3A_91, %get3A_15, %dot_general3A_92 {dimension_numbers = #tpu.dot_dimension_numbers<[1], [1], [0], [0], [0, 0, 1, 0], [], []>, transpose_lhs_hint = false} : vector<256x128xf32>, vector<4096x128xf32>, vector<256x4096xf32> -> vector<256x4096xf32>
    %exp3A_94 = math.exp %dot_general3A_93 : vector<256x4096xf32>
    %reduce_sum3A_95 = arith.constant dense<0.000000e+00> : vector<256xf32>
    %reduce_sum3A_96 = vector.multi_reduction <add>, %exp3A_94, %reduce_sum3A_95 [1] : vector<256x4096xf32> to vector<256xf32>
    %broadcast_in_dim3A_97 = vector.shape_cast %reduce_sum3A_96 : vector<256xf32> to vector<256x1xf32>
    %div3A_98 = arith.constant 1.000000e+00 : f32
    %div3A_99 = vector.broadcast %div3A_98 : f32 to vector<256x1xf32>
    %div3A_100 = arith.divf %div3A_99, %broadcast_in_dim3A_97 : vector<256x1xf32>
    %dot_general3A_101 = arith.constant dense<0.000000e+00> : vector<256x128xf32>
    %dot_general3A_102 = tpu.matmul %exp3A_94, %get3A_18, %dot_general3A_101 {dimension_numbers = #tpu.dot_dimension_numbers<[1], [0], [0], [1], [0, 0, 1, 1], [], []>, transpose_lhs_hint = false} : vector<256x4096xf32>, vector<4096x128xf32>, vector<256x128xf32> -> vector<256x128xf32>
    %mul3A_103 = vector.broadcast %div3A_100 : vector<256x1xf32> to vector<256x128xf32>
    %mul3A_104 = arith.mulf %dot_general3A_102, %mul3A_103 : vector<256x128xf32>
    %dot_general3A_105 = arith.constant dense<0.000000e+00> : vector<256x128xf32>
    %dot_general3A_106 = tpu.matmul %mul3A_104, %get3A_21, %dot_general3A_105 {dimension_numbers = #tpu.dot_dimension_numbers<[1], [0], [0], [1], [0, 0, 1, 1], [], []>, transpose_lhs_hint = false} : vector<256x128xf32>, vector<128x128xf32>, vector<256x128xf32> -> vector<256x128xf32>
    %add3A_107 = vector.broadcast %get3A_24 : vector<1x128xf32> to vector<256x128xf32>
    %add3A_108 = arith.addf %dot_general3A_106, %add3A_107 : vector<256x128xf32>
    %swap3A_109 = arith.constant 0 : index
    %swap3A_110 = arith.constant 768 : index
    %swap3A_111 = arith.constant 0 : index
    %swap3A_112 = vector.load %arg12[%swap3A_109, %swap3A_110, %swap3A_111] : memref<1x1024x128xf32, #tpu.memory_space<vmem>>, vector<1x256x128xf32>
    %swap3A_113 = vector.shape_cast %swap3A_112 : vector<1x256x128xf32> to vector<256x128xf32>
    %swap3A_114 = vector.shape_cast %add3A_108 : vector<256x128xf32> to vector<1x256x128xf32>
    tpu.vector_store %arg12[%swap3A_109, %swap3A_110, %swap3A_111], %swap3A_114 {strides = array<i32>} : memref<1x1024x128xf32, #tpu.memory_space<vmem>>, vector<1x256x128xf32>,
    return
  }
  func.func @transform_0(%arg0: i32) -> (i32, i32) {
    %c0_i32 = arith.constant 0 : i32
    %c0_i32_0 = arith.constant 0 : i32
    %c0_i32_1 = arith.constant 0 : i32
    return %c0_i32, %c0_i32_0 : i32, i32
  }
  func.func @transform_1(%arg0: i32) -> (i32, i32) {
    %c0_i32 = arith.constant 0 : i32
    %c0_i32_0 = arith.constant 0 : i32
    %c0_i32_1 = arith.constant 0 : i32
    return %c0_i32, %c0_i32_0 : i32, i32
  }
  func.func @transform_2(%arg0: i32) -> (i32, i32) {
    %c0_i32 = arith.constant 0 : i32
    %c0_i32_0 = arith.constant 0 : i32
    %c0_i32_1 = arith.constant 0 : i32
    return %c0_i32, %c0_i32_0 : i32, i32
  }
  func.func @transform_3(%arg0: i32) -> (i32, i32) {
    %c0_i32 = arith.constant 0 : i32
    %c0_i32_0 = arith.constant 0 : i32
    %c0_i32_1 = arith.constant 0 : i32
    return %c0_i32, %c0_i32_0 : i32, i32
  }
  func.func @transform_4(%arg0: i32) -> (i32, i32) {
    %c0_i32 = arith.constant 0 : i32
    %c0_i32_0 = arith.constant 0 : i32
    %c0_i32_1 = arith.constant 0 : i32
    return %c0_i32, %c0_i32_0 : i32, i32
  }
  func.func @transform_5(%arg0: i32) -> (i32, i32) {
    %c0_i32 = arith.constant 0 : i32
    %c0_i32_0 = arith.constant 0 : i32
    %c0_i32_1 = arith.constant 0 : i32
    return %c0_i32, %c0_i32_0 : i32, i32
  }
  func.func @transform_6(%arg0: i32) -> (i32, i32) {
    %c0_i32 = arith.constant 0 : i32
    %c0_i32_0 = arith.constant 0 : i32
    %c0_i32_1 = arith.constant 0 : i32
    return %c0_i32, %c0_i32_0 : i32, i32
  }
  func.func @transform_7(%arg0: i32) -> (i32, i32) {
    %c0_i32 = arith.constant 0 : i32
    %c0_i32_0 = arith.constant 0 : i32
    %c0_i32_1 = arith.constant 0 : i32
    return %c0_i32, %c0_i32_0 : i32, i32
  }
  func.func @transform_8(%arg0: i32) -> (i32, i32) {
    %c0_i32 = arith.constant 0 : i32
    %c0_i32_0 = arith.constant 0 : i32
    %c0_i32_1 = arith.constant 0 : i32
    return %c0_i32, %c0_i32_0 : i32, i32
  }
  func.func @transform_9(%arg0: i32) -> (i32, i32) {
    %c0_i32 = arith.constant 0 : i32
    %c0_i32_0 = arith.constant 0 : i32
    %c0_i32_1 = arith.constant 0 : i32
    return %c0_i32, %c0_i32_0 : i32, i32
  }
  func.func @transform_10(%arg0: i32) -> (i32, i32) {
    %c0_i32 = arith.constant 0 : i32
    %c0_i32_0 = arith.constant 0 : i32
    %c0_i32_1 = arith.constant 0 : i32
    return %c0_i32, %c0_i32_0 : i32, i32
  }
  func.func @transform_11(%arg0: i32) -> (i32, i32, i32) {
    %c0_i32 = arith.constant 0 : i32
    %c0_i32_0 = arith.constant 0 : i32
    %c0_i32_1 = arith.constant 0 : i32
    return %arg0, %c0_i32, %c0_i32_0 : i32, i32, i32
  }
}

</mosaic_0001>

<sc_bundles>
// kernel: kernel.5.cloned.1.call-start
scs
__scs_entry_jumppad:
0x0: {  	(pc) =	sbr.rel $0x88, $3  }
0x1: {  	(tag) =	ssettag $0x0;
	lr =	simm.s32 $0x1  }
0x2: {  	[smem:$0x3F92] =	sst lr;
	_ =	strace $0xD0000000  }
0x3: {  	_ = 	snop  }
0x4: {  	_ = 	snop  }
0x5: {  	_ = 	snop  }
0x6: {  	_ = 	snop  }
0x7: {  	_ = 	snop  }
__scs_overlays_trampoline_lowered:
0x8: {  	[smem:$0x3FA1] =	sst s0  }
0x9: {  	[smem:$0x3FA2] =	sst s1  }
0xa: {  	[smem:$0x3FA3] =	sst s2  }
0xb: {  	[smem:$0x3FA4] =	sst s3  }
0xc: {  	[smem:$0x3FA5] =	sst s4  }
0xd: {  	[smem:$0x3FA6] =	sst s5  }
0xe: {  	[smem:$0x3FA7] =	sst s6  }
0xf: {  	[smem:$0x3FA8] =	sst s7  }
0x10: {  	[smem:$0x3FA9] =	sst s8  }
0x11: {  	[smem:$0x3FAA] =	sst s9;
	s0 =	simm.s32 @!p0 $0x0  }
0x12: {  	s1 =	sld [smem:$0x3F90];
	s0 =	simm.s32 @p0 $0x1  }
0x13: {  	[smem:$0x3FAB] =	sst s0;
	s0 =	simm.s32 @!p1 $0x0  }
0x14: {  	s2 =	sld [smem:$0x3F8F];
	s0 =	simm.s32 @p1 $0x1  }
0x15: {  	[smem:$0x3FAC] =	sst s0;
	s0 =	simm.s32 @!p2 $0x0  }
0x16: {  	s3 =	sld [smem:$0x3FDB];
	s0 =	simm.s32 @p2 $0x1  }
0x17: {  	s4 =	simm.s32 $0x1BF5;
	[smem:$0x3FAE] =	sst s0  }
0x18: {  	s0 =	sld [smem:$0x3F91];
	_ =	swait.ge [sflag:s4], $0x0  }
0x19: {  	s7 =	sld [smem:$0x3F92]  }
0x1a: {  	s8 =	sadd.s32 $0xFFFFE003, lr  }
0x1b: {  	s9 =	sadd.s32 $0xFFFFFEF7, lr;
	s5 =	simm.s32 $0xFFFFFFFF;
	p2 =	slt.u32 s8, $0xFFFFF086  }
0x1c: {  	p1 =	slt.u32 s9, $0xF7A;
	s5 =	simm.s32 @!p2 $0x0  }
0x1d: {  	s5 =	simm.s32 @p1 $0x1;
	p0 =	seq.s32 s7, s2  }
0x1e: {  	s7 =	smul.u32 @!p0 $0xF7A, s2;
	p2 =	seq.s32 @!p0 s5, $0x0  }
0x1f: {  	s9 =	smul.u32 $0xF7A, s1;
	s8 =	simm.s32 @!p0 $0x1BF5;
	p2 =	por !p2, p0  }
0x20: {  	[sflag:s8] =	ssyncset.s32 @!p0 $0xFFFFF086;
	s6 =	sadd.s32 @!p0 s3, s7;
	s7 =	simm.s32 @!p0 $0x108  }
0x21: {  	s3 =	sadd.s32 s3, s9;
	s6 =	sadd.s32 @!p0 $0x88, s6;
	s7 =	simm.s32 @p2 $0x1082  }
0x22: {  	[simem:s7], [sflag:s8] =	dma.local @!p0 [hbm:s6], $0xF7A  }
0x23: {  	s9 =	sor.u32 $0xD0000000, s2;
	s6 =	simm.s32 $0x108;
	_ =	swait.ge @!p0 [sflag:s8], $0x0  }
0x24: {  	s3 =	sadd.s32 $0x88, s3;
	s6 =	simm.s32 @!p1 $0x1082;
	[sflag:s4] =	ssyncset.s32 $0xFFFFF086  }
0x25: {  	[simem:s6], [sflag:s4] =	dma.local [hbm:s3], $0xF7A  }
0x26: {  	[smem:$0x3F92] =	sst s1;
	(tag) =	ssettag s2;
	_ =	strace s9  }
0x27: {  	s1 =	sld [smem:$0x3FA2]  }
0x28: {  	s2 =	sld [smem:$0x3FA3]  }
0x29: {  	s4 =	sld [smem:$0x3FA5]  }
0x2a: {  	p0 =	seq.s32 s5, $0x0;
	s5 =	sld [smem:$0x3FA6]  }
0x2b: {  	s6 =	sld [smem:$0x3FA7]  }
0x2c: {  	s7 =	sld [smem:$0x3FA8]  }
0x2d: {  	s3 =	simm.s32 $0x108;
	s8 =	sld [smem:$0x3FA9]  }
0x2e: {  	s3 =	simm.s32 @!p0 $0x1082;
	s9 =	sld [smem:$0x3FAA]  }
0x2f: {  	lr =	sadd.s32 s0, s3;
	s0 =	sld [smem:$0x3FA1]  }
0x30: {  	s3 =	sld [smem:$0x3FA4]  }
0x31: {  	[smem:$0x3FAD] =	sst s10  }
0x32: {  	s10 =	sld [smem:$0x3FAB];
	_ =	sdelay $0x3  }
0x33: {  	p0 =	seq.s32 s10, $0x1;
	s10 =	sld [smem:$0x3FAD];
	_ =	sdelay $0x3  }
0x34: {  	[smem:$0x3FAD] =	sst s10  }
0x35: {  	s10 =	sld [smem:$0x3FAC];
	_ =	sdelay $0x3  }
0x36: {  	p1 =	seq.s32 s10, $0x1;
	s10 =	sld [smem:$0x3FAD];
	_ =	sdelay $0x3  }
0x37: {  	[smem:$0x3FAD] =	sst s10  }
0x38: {  	s10 =	sld [smem:$0x3FAE]  }
0x39: {  	_ = 	snop;
	(pc) =	sbr.ind lr, $3  }
0x3a: {  	_ = 	snop  }
0x3b: {  	_ = 	snop  }
0x3c: {  	p2 =	seq.s32 s10, $0x1;
	s10 =	sld [smem:$0x3FAD]  }
0x3d: {  	_ =	shalt  }
0x3e: {  	_ =	shalt  }
0x3f: {  	_ =	shalt  }
0x40: {  	_ =	shalt  }
0x41: {  	_ =	shalt  }
0x42: {  	_ =	shalt  }
0x43: {  	_ =	shalt  }
0x44: {  	_ =	shalt  }
0x45: {  	_ =	shalt  }
0x46: {  	_ =	shalt  }
0x47: {  	_ =	shalt  }
0x48: {  	_ =	shalt  }
0x49: {  	_ =	shalt  }
0x4a: {  	_ =	shalt  }
0x4b: {  	_ =	shalt  }
0x4c: {  	_ =	shalt  }
0x4d: {  	_ =	shalt  }
0x4e: {  	_ =	shalt  }
0x4f: {  	_ =	shalt  }
0x50: {  	_ =	shalt  }
0x51: {  	_ =	shalt  }
0x52: {  	_ =	shalt  }
0x53: {  	_ =	shalt  }
0x54: {  	_ =	shalt  }
0x55: {  	_ =	shalt  }
0x56: {  	_ =	shalt  }
0x57: {  	_ =	shalt  }
0x58: {  	_ =	shalt  }
0x59: {  	_ =	shalt  }
0x5a: {  	_ =	shalt  }
0x5b: {  	_ =	shalt  }
0x5c: {  	_ =	shalt  }
0x5d: {  	_ =	shalt  }
0x5e: {  	_ =	shalt  }
0x5f: {  	_ =	shalt  }
0x60: {  	_ =	shalt  }
0x61: {  	_ =	shalt  }
0x62: {  	_ =	shalt  }
0x63: {  	_ =	shalt  }
0x64: {  	_ =	shalt  }
0x65: {  	_ =	shalt  }
0x66: {  	_ =	shalt  }
0x67: {  	_ =	shalt  }
0x68: {  	_ =	shalt  }
0x69: {  	_ =	shalt  }
0x6a: {  	_ =	shalt  }
0x6b: {  	_ =	shalt  }
0x6c: {  	_ =	shalt  }
0x6d: {  	_ =	shalt  }
0x6e: {  	_ =	shalt  }
0x6f: {  	_ =	shalt  }
0x70: {  	_ =	shalt  }
0x71: {  	_ =	shalt  }
0x72: {  	_ =	shalt  }
0x73: {  	_ =	shalt  }
0x74: {  	_ =	shalt  }
0x75: {  	_ =	shalt  }
0x76: {  	_ =	shalt  }
0x77: {  	_ =	shalt  }
0x78: {  	_ =	shalt  }
0x79: {  	_ =	shalt  }
0x7a: {  	_ =	shalt  }
0x7b: {  	_ =	shalt  }
0x7c: {  	_ =	shalt  }
0x7d: {  	_ =	shalt  }
0x7e: {  	_ =	shalt  }
0x7f: {  	_ =	shalt  }
0x80: {  	_ =	shalt  }
0x81: {  	_ =	shalt  }
0x82: {  	_ =	shalt  }
0x83: {  	_ =	shalt  }
0x84: {  	_ =	shalt  }
0x85: {  	_ =	shalt  }
0x86: {  	_ =	shalt  }
0x87: {  	_ =	shalt  }
.Lfunc_end0:
.L_simem_size_0:
called_computation_lowered:
.L_overlay_start_0:
0x88: {  	s2 =	sld [smem:$0x3FD9]  }
0x89: {  	s3 =	sld [smem:$0x3FFE];
	_ =	sdelay $0x1  }
0x8a: {  	s1 =	srdreg.scid  }
0x8b: {  	s0 =	sand.u32 $0x1, s1  }
0x8c: {  	s17 =	sshll.u32 s0, $0xA;
	s2 =	sadd.s32 s3, s2  }
0x8d: {  	s2 =	sadd.s32 s2, s17  }
0x8e: {  	[smem:$0x3FB9] =	sst s2  }
0x8f: {  	_ = 	snop  }
0x90: {  	s2 =	sld [smem:$0x3FD0];
	(tm) =	ssettm $0x1  }
0x91: {  	s18 =	sld [smem:$0x3FFB];
	_ =	sdelay $0x3  }
0x92: {  	_ =	strace s18  }
0x93: {  	s3 =	sld [smem:$0x3FFC];
	_ =	sdelay $0x3  }
0x94: {  	_ =	strace s3  }
0x95: {  	s3 =	sld [smem:$0x3FFD];
	_ =	sdelay $0x3  }
0x96: {  	_ =	strace s3  }
0x97: {  	_ =	strace $0x8FFFFFFF  }
0x98: {  	s19 =	sld [smem:$0x3FDB];
	_ =	sdelay $0x1  }
0x99: {  	s4 =	simm.s32 $_scs_section_size  }
0x9a: {  	s5 =	simm.s32 $_size__tile_overlayer_lowered;
	s6 =	simm.s32 $_tile_overlayer_lowered  }
0x9b: {  	s22 =	simm.s32 $0x1BFF;
	s21 =	sshll.u32 s6, $0x1;
	s3 =	sadd.s32 s4, s19  }
0x9c: {  	s7 =	simm.s32 $0x0;
	s20 =	sshll.u32 s5, $0x1;
	s5 =	sadd.s32 s21, s3  }
0x9d: {  	[timem:s7], [sflag:s22] =	dma.local [hbm:s5], s20  }
0x9e: {  	_ =	swait.ge [sflag:s22], s20  }
0x9f: {  	s4 =	ssub.s32 $0x0, s20;
	[sflag:s22] =	ssyncset.done $0x0  }
0xa0: {  	[sflag:s22] =	ssyncadd.s32 s4;
	_ =	sdelay $0x1  }
0xa1: {  	s23 =	simm.s32 $0x1B8B  }
0xa2: {  	_ =	swait.ge [sflag:s23], $0x1  }
0xa3: {  	[sflag:s23] =	ssyncset.done $0x0  }
0xa4: {  	s25 =	simm.s32 $0x1B8E;
	s24 =	sld [smem:$0x3FFE];
	[sflag:s23] =	ssyncadd.s32 $0xFFFFFFFF  }
0xa5: {  	s26 =	simm.s32 $execute0_lowered;
	[smem:$0x3FD2] =	sst s25  }
0xa6: {  	s5 =	sshll.u32 s26, $0x1;
	_ =	strace $0x80000046;
	[dreg:$0x1] =	wrdreg $0xFFFFFFFF  }
0xa7: {  	s28 =	simm.s32 $_size_execute0_lowered;
	s3 =	sadd.s32 s3, s5;
	[dreg:$0x0] =	wrdreg $0x0  }
0xa8: {  	s5 =	sshll.u32 s28, $0x1;
	[dreg:$0x2] =	wrdreg s3  }
0xa9: {  	[dreg:$0x3] =	wrdreg s5  }
0xaa: {  	[dreg:$0x4] =	wrdreg $0xC0  }
0xab: {  	_ =	task [dreg:s7], $0x5FFFF  }
0xac: {  	[dreg:$0x1] =	wrdreg $0xFFFFFFFF  }
0xad: {  	[dreg:$0x0] =	wrdreg $0x60  }
0xae: {  	[dreg:$0x2] =	wrdreg s2  }
0xaf: {  	[dreg:$0x3] =	wrdreg s24  }
0xb0: {  	[dreg:$0x4] =	wrdreg $0x9  }
0xb1: {  	_ =	task.clear_ibuf [dreg:s7], $0x5FFFF;
	_ =	strace $0x90000046  }
0xb2: {  	s29 =	simm.s32 $0x9;
	_ =	strace $0x80000048  }
0xb3: {  	_ =	swait.ge [sflag:s29], $0x1  }
0xb4: {  	[sflag:s29] =	ssyncadd.s32 $0xFFFFFFFF  }
0xb5: {  	_ =	strace $0x90000048  }
0xb6: {  	_ =	sfence  }
0xb7: {  	s30 =	sld [smem:$0x0];
	_ =	sdelay $0x2  }
0xb8: {  	s31 =	sshll.u32 s1, $0xD;
	s1 =	sshrl.u32 s1, $0x2  }
0xb9: {  	s3 =	sand.u32 $0x4000, s31;
	s1 =	sadd.s32 s1, s30  }
0xba: {  	s0 =	sor.u32 s3, s0;
	s1 =	sshll.u32 s1, $0x11  }
0xbb: {  	s0 =	sor.u32 s1, s0  }
0xbc: {  	s0 =	sadd.s32 $0x8F2B, s0  }
0xbd: {  	[sflag:s0] =	ssyncadd.remote.s32 $0x1  }
0xbe: {  	_ =	sfence.sel $0xFFFF  }
0xbf: {  	[dreg:$0x0] =	wrdreg $0xFFFFFFFF;
	(pc) =	sbr.abs _section_cstart, $3  }
0xc0: {  	[dreg:$0x1] =	wrdreg $0xFFFFFFFF  }
0xc1: {  	_ =	task.clear_ibuf [dreg:s7], $0x2FFFF;
	_ =	strace $0x9FFFFFFF  }
0xc2: {  	(tm) =	ssettm $0x7FFFFFFF  }
0xc3: {  	_ =	shalt  }
tec
execute0_lowered:
.L_overlay_start_1:
0x0: {  	(tag) =	ssettag $0x1  }
0x1: {  	s0 =	rddreg [dreg:$0x0]  }
0x2: {  	s1 =	rddreg [dreg:$0x1];
	s2 =	simm.s32 $0x0  }
0x3: {  	s3 =	srdreg.scid;
	s6 =	stileid.u32;
	s22 =	simm.s32 $0x10000  }
0x4: {  	s23 =	simm.s32 $0x12000;
	s24 =	simm.s32 $0x1;
	s29 =	simm.s32 $0x3  }
0x5: {  	s30 =	simm.s32 $0x0;
	[smem:$0x7FF] =	sst s2;
	s3 =	sand.u32 $0x1, s3  }
0x6: {  	s1 =	sadd.s32 $0x2200, s1;
	s16 =	sshrl.u32 s6, $0x2;
	s6 =	sshll.u32 s6, $0x8  }
0x7: {  	_ =	strace $0x80000047;
	s4 =	ssub.s32 $0x2, s3;
	s7 =	sshll.u32 s16, $0xD  }
0x8: {  	s8 =	sshll.u32 s3, $0x7;
	s6 =	sand.u32 $0x300, s6;
	s17 =	sshll.u32 s16, $0x14  }
0x9: {  	s5 =	sshrl.u32 s4, $0x1;
	s3 =	sadd.s32 s0, s7;
	s19 =	sor.u32 s8, s6  }
0xa: {  	s25 =	ssub.s32 s4, s5;
	s26 =	sadd.s32 $0x1000, s3;
	s5 =	sadd.s32 $0x200, s3  }
0xb: {  	s6 =	sadd.s32 $0x1200, s3;
	s7 =	sadd.s32 $0x400, s3;
	s8 =	sadd.s32 $0x1400, s3  }
0xc: {  	s9 =	sadd.s32 $0x600, s3;
	s10 =	sadd.s32 $0x1600, s3;
	s11 =	sadd.s32 $0x800, s3  }
0xd: {  	s12 =	sadd.s32 $0x1800, s3;
	s13 =	sadd.s32 $0xA00, s3;
	s14 =	sadd.s32 $0x1A00, s3  }
0xe: {  	s15 =	sadd.s32 $0xC00, s3;
	s28 =	sor.u32 $0x40, s19;
	s18 =	sshll.u32 s19, $0xA  }
0xf: {  	s16 =	sadd.s32 $0x1C00, s3;
	[dreg:$0x3] =	wrdreg s26;
	s20 =	sshll.u32 s28, $0xA  }
0x10: {  	s18 =	sor.u32 s17, s18;
	s0 =	smax.u32 s25, $0x1;
	s25 =	simm.s32 $0x11000  }
0x11: {  	s26 =	simm.s32 $0x13000;
	s20 =	sor.u32 s17, s20;
	s21 =	sshrl.u32 s18, $0x3  }
0x12: {  	[dreg:$0x6] =	wrdreg s0;
	s20 =	sshrl.u32 s20, $0x3;
	s31 =	sadd.s32 s1, s21  }
0x13: {  	v1 =	vmov s28;
	s28 =	simm.s32 $0x2;
	[dreg:$0x4] =	wrdreg s31;
	s1 =	sadd.s32 s1, s20  }
0x14: {  	v2 =	vimm.f32 $0.0e+00;
	v3 =	vimm.f32 $1.000000000e+00;
	v0 =	vmov s19;
	s17 =	sadd.s32 $0xE00, s3;
	s18 =	sadd.s32 $0x1E00, s3;
	[dreg:$0x5] =	wrdreg s1  }
.LBB2_1:
0x15: {  	[tilespmem:s22], [sflag:$0x1] =	stream.linear.gather [hbm4b:s3+s2], $0x1000, $0x38;
	[tilespmem:$0x14000] =	vst v63  }
0x16: {  	s0 =	rddreg [dreg:$0x3]  }
0x17: {  	[tilespmem:s23], [sflag:$0x1] =	stream.linear.gather [hbm4b:s0+s2], $0x1000, $0x38;
	[tilespmem:$0x14000] =	vst v63  }
0x18: {  	s0 =	simm.s32 $0x0  }
0x19: {  	s19 =	sand.u32 $0x1C00, s2;
	s1 =	sand.u32 $0xE000, s0  }
0x1a: {  	s31 =	sand.u32 $0x380, s2;
	s1 =	sor.u32 s19, s1  }
0x1b: {  	s1 =	sor.u32 s31, s1  }
0x1c: {  	[tilespmem:s1+$0x70] =	vst v2  }
0x1d: {  	[tilespmem:s1+$0x0] =	vst v2  }
0x1e: {  	[tilespmem:s1+$0x10] =	vst v2  }
0x1f: {  	s19 =	simm.s32 $0x0;
	s31 =	simm.s32 $0x0;
	[tilespmem:s1+$0x20] =	vst v2  }
.LBB2_2:
0x20: {  	s0 =	sadd.s32 $0x80, s0;
	[tilespmem:s1+$0x30] =	vst v2;
	s31 =	sadd.s32 $0x400, s31  }
0x21: {  	s19 =	sadd.s32 $0x10, s19;
	s20 =	sand.u32 $0xE000, s0;
	s21 =	sand.u32 $0x1C00, s31;
	[tilespmem:s1+$0x40] =	vst v2  }
0x22: {  	s4 =	sand.u32 $0x380, s19;
	p0 =	slt.u32 s0, $0xFF80;
	s20 =	sor.u32 s21, s20;
	[tilespmem:s1+$0x50] =	vst v2  }
.Ltmp0:
0x23: {  	[tilespmem:s1+$0x60] =	vst v2;
	s1 =	sor.u32 s4, s20;
	(pc) =	sbr.rel @p0 .LBB2_2-.Ltmp0, $4  }
0x24: {  	[tilespmem:s1+$0x70] =	vst v2  }
0x25: {  	[tilespmem:s1+$0x0] =	vst v2  }
0x26: {  	[tilespmem:s1+$0x10] =	vst v2  }
0x27: {  	[tilespmem:s1+$0x20] =	vst v2  }
0x28: {  	[tilespmem:s1+$0x30] =	vst v2  }
0x29: {  	[tilespmem:s1+$0x40] =	vst v2  }
0x2a: {  	[tilespmem:s1+$0x50] =	vst v2  }
0x2b: {  	[tilespmem:s1+$0x60] =	vst v2  }
0x2c: {  	_ =	swait.ge [sflag:s24], $0x1000  }
0x2d: {  	[sflag:s24] =	ssyncset.done $0x0  }
0x2e: {  	[sflag:s24] =	ssyncadd.s32 $0xFFFFF000  }
0x2f: {  	_ =	swait.ge [sflag:s24], $0x1000  }
0x30: {  	[sflag:s24] =	ssyncset.done $0x0  }
0x31: {  	[sflag:s24] =	ssyncadd.s32 $0xFFFFF000  }
0x32: {  	[tilespmem:s25], [sflag:$0x2] =	stream.linear.gather [hbm4b:s5+s2], $0x1000, $0x38;
	[tilespmem:$0x14000] =	vst v63  }
0x33: {  	s0 =	simm.s32 $0x12020  }
0x34: {  	[tilespmem:s26], [sflag:$0x2] =	stream.linear.gather [hbm4b:s6+s2], $0x1000, $0x38;
	[tilespmem:$0x14000] =	vst v63  }
0x35: {  	v4 =	vld [tilespmem:s0+$0x10]  }
0x36: {  	v5 =	vld [tilespmem:s0+$0xFFFFFFE0]  }
0x37: {  	s31 =	simm.s32 $0x10020;
	v6 =	vld [tilespmem:s0+$0xFFFFFFF0]  }
0x38: {  	v7 =	vld [tilespmem:s31+$0x10]  }
0x39: {  	v8 =	vld [tilespmem:s0+$0x0];
	_ =	sdelay $0x1  }
0x3a: {  	v4 =	vsub.s32 v4, v0  }
0x3b: {  	v9 =	vsub.s32 v5, v0;
	vm3 =	vlt.u32 v4, $0x40  }
0x3c: {  	v10 =	vsub.s32 v6, v0;
	v12 =	vshll.u32 v7, $0x3;
	v5 =	vnsel vm3, $0x0, v4  }
0x3d: {  	v6 =	vld [tilespmem:s31+$0xFFFFFFE0];
	v8 =	vsub.s32 v8, v0;
	v7 =	vand.u32 $0x7F, v7;
	v11 =	vshll.u32 v5, $0xA  }
0x3e: {  	v12 =	vand.u32 $0xFFFFFC00, v12;
	v13 =	vshll.u32 v5, $0x7;
	v11 =	vand.u32 $0xFFFFE000, v11  }
0x3f: {  	vm1 =	vlt.u32 v9, $0x40;
	v4 =	vld [tilespmem:s31+$0xFFFFFFF0];
	v11 =	vadd.s32 v12, v11;
	v12 =	vand.u32 $0x380, v13  }
0x40: {  	vm2 =	vlt.u32 v10, $0x40;
	vm0 =	vlt.u32 v8, $0x40;
	v11 =	vor.u32 v12, v11  }
0x41: {  	v9 =	vnsel vm1, $0x0, v9;
	v17 =	vnsel vm0, $0x0, v8;
	v5 =	vld [tilespmem:s31+$0x0];
	v16 =	vor.u32 v7, v11  }
0x42: {  	v10 =	vnsel vm2, $0x0, v10;
	v18 =	vshll.u32 v17, $0xA;
	v14 =	vshll.u32 v6, $0x3  }
0x43: {  	v8 =	vshll.u32 v9, $0x7;
	v12 =	vshll.u32 v10, $0xA;
	v14 =	vand.u32 $0xFFFFFC00, v14  }
0x44: {  	v7 =	vshll.u32 v9, $0xA;
	v15 =	vshll.u32 v4, $0x3;
	v12 =	vand.u32 $0xFFFFE000, v12  }
0x45: {  	v9 =	vshll.u32 v10, $0x7;
	v10 =	vand.u32 $0xFFFFE000, v18;
	v11 =	vand.u32 $0xFFFFE000, v7  }
0x46: {  	s1 =	simm.s32 $0x12060;
	s0 =	simm.s32 $0x0;
	v13 =	vshll.u32 v5, $0x3;
	v15 =	vand.u32 $0xFFFFFC00, v15;
	v7 =	vshll.u32 v17, $0x7;
	[tilespmem:v16+s2+$0x0] =	vst.idx.add.f32.msk vm3, v3  }
.LBB2_4:
0x47: {  	v11 =	vadd.s32 v14, v11;
	v12 =	vadd.s32 v15, v12  }
0x48: {  	v16 =	vld [tilespmem:s1+$0x10];
	s0 =	sadd.s32 $0x40, s0;
	v13 =	vand.u32 $0xFFFFFC00, v13;
	vm5 =	vmmov vm1;
	vm3 =	vmmov vm2  }
0x49: {  	v8 =	vand.u32 $0x380, v8;
	v9 =	vand.u32 $0x380, v9;
	v14 =	vld [tilespmem:s1+$0xFFFFFFE0];
	p0 =	slt.u32 s0, $0xFC0;
	v10 =	vadd.s32 v13, v10  }
0x4a: {  	v7 =	vand.u32 $0x380, v7;
	s31 =	sadd.s32 $0x40, s31;
	v8 =	vor.u32 v8, v11;
	v9 =	vor.u32 v9, v12;
	v13 =	vld [tilespmem:s1+$0xFFFFFFF0]  }
0x4b: {  	v6 =	vand.u32 $0x7F, v6;
	v4 =	vand.u32 $0x7F, v4;
	v7 =	vor.u32 v7, v10;
	v11 =	vld [tilespmem:s31+$0x10]  }
0x4c: {  	v5 =	vand.u32 $0x7F, v5;
	v8 =	vor.u32 v6, v8;
	v9 =	vor.u32 v4, v9;
	v10 =	vld [tilespmem:s1+$0x0]  }
0x4d: {  	v7 =	vor.u32 v5, v7;
	v4 =	vld [tilespmem:s31+$0xFFFFFFF0];
	v12 =	vsub.s32 v16, v0  }
0x4e: {  	v14 =	vsub.s32 v14, v0;
	v5 =	vld [tilespmem:s31+$0x0];
	vm4 =	vlt.u32 v12, $0x40  }
0x4f: {  	v6 =	vld [tilespmem:s31+$0xFFFFFFE0];
	vm1 =	vlt.u32 v14, $0x40;
	v13 =	vsub.s32 v13, v0;
	v12 =	vnsel vm4, $0x0, v12  }
0x50: {  	vm2 =	vlt.u32 v13, $0x40;
	v15 =	vshll.u32 v12, $0xA;
	v16 =	vshll.u32 v11, $0x3  }
0x51: {  	v12 =	vshll.u32 v12, $0x7;
	v15 =	vand.u32 $0xFFFFE000, v15;
	v16 =	vand.u32 $0xFFFFFC00, v16;
	[tilespmem:v8+s2+$0x0] =	vst.idx.add.f32.msk vm5, v3  }
0x52: {  	v8 =	vsub.s32 v10, v0;
	v12 =	vand.u32 $0x380, v12;
	v10 =	vadd.s32 v16, v15;
	[tilespmem:v9+s2+$0x0] =	vst.idx.add.f32.msk vm3, v3  }
0x53: {  	v9 =	vand.u32 $0x7F, v11;
	v10 =	vor.u32 v12, v10;
	[tilespmem:v7+s2+$0x0] =	vst.idx.add.f32.msk vm0, v3;
	vm0 =	vlt.u32 v8, $0x40  }
0x54: {  	v7 =	vnsel vm1, $0x0, v14;
	v14 =	vnsel vm2, $0x0, v13;
	v16 =	vor.u32 v9, v10  }
.Ltmp1:
0x55: {  	v9 =	vshll.u32 v7, $0xA;
	v10 =	vshll.u32 v14, $0xA;
	v17 =	vnsel vm0, $0x0, v8;
	(pc) =	sbr.rel @p0 .LBB2_4-.Ltmp1, $4  }
0x56: {  	v18 =	vshll.u32 v4, $0x3;
	v15 =	vshll.u32 v6, $0x3;
	v19 =	vshll.u32 v17, $0xA  }
0x57: {  	v13 =	vshll.u32 v5, $0x3;
	v11 =	vand.u32 $0xFFFFE000, v9;
	v12 =	vand.u32 $0xFFFFE000, v10  }
0x58: {  	v8 =	vshll.u32 v7, $0x7;
	v9 =	vshll.u32 v14, $0x7;
	v10 =	vand.u32 $0xFFFFE000, v19  }
0x59: {  	s1 =	sadd.s32 $0x40, s1;
	v14 =	vand.u32 $0xFFFFFC00, v15;
	v15 =	vand.u32 $0xFFFFFC00, v18;
	v7 =	vshll.u32 v17, $0x7;
	[tilespmem:v16+s2+$0x0] =	vst.idx.add.f32.msk vm4, v3  }
0x5a: {  	v11 =	vadd.s32 v14, v11;
	v12 =	vadd.s32 v15, v12  }
0x5b: {  	v13 =	vand.u32 $0xFFFFFC00, v13;
	vm1 =	vmmov vm1;
	vm2 =	vmmov vm2  }
0x5c: {  	v8 =	vand.u32 $0x380, v8;
	v9 =	vand.u32 $0x380, v9;
	v6 =	vand.u32 $0x7F, v6  }
0x5d: {  	v7 =	vand.u32 $0x380, v7;
	v4 =	vand.u32 $0x7F, v4;
	v8 =	vor.u32 v8, v11  }
0x5e: {  	v10 =	vadd.s32 v13, v10;
	v9 =	vor.u32 v9, v12;
	v6 =	vor.u32 v6, v8  }
0x5f: {  	v5 =	vand.u32 $0x7F, v5;
	v7 =	vor.u32 v7, v10;
	v4 =	vor.u32 v4, v9  }
0x60: {  	v5 =	vor.u32 v5, v7;
	_ =	sdelay $0x2  }
0x61: {  	[tilespmem:v6+s2+$0x0] =	vst.idx.add.f32.msk vm1, v3  }
0x62: {  	[tilespmem:v4+s2+$0x0] =	vst.idx.add.f32.msk vm2, v3  }
0x63: {  	[tilespmem:v5+s2+$0x0] =	vst.idx.add.f32.msk vm0, v3  }
0x64: {  	_ =	swait.ge [sflag:s28], $0x1000  }
0x65: {  	[sflag:s28] =	ssyncset.done $0x0  }
0x66: {  	[sflag:s28] =	ssyncadd.s32 $0xFFFFF000  }
0x67: {  	_ =	swait.ge [sflag:s28], $0x1000  }
0x68: {  	[sflag:s28] =	ssyncset.done $0x0  }
0x69: {  	[sflag:s28] =	ssyncadd.s32 $0xFFFFF000  }
0x6a: {  	[tilespmem:s22], [sflag:$0x1] =	stream.linear.gather [hbm4b:s7+s2], $0x1000, $0x38;
	[tilespmem:$0x14000] =	vst v63  }
0x6b: {  	s0 =	simm.s32 $0x13020  }
0x6c: {  	[tilespmem:s23], [sflag:$0x1] =	stream.linear.gather [hbm4b:s8+s2], $0x1000, $0x38;
	[tilespmem:$0x14000] =	vst v63  }
0x6d: {  	v4 =	vld [tilespmem:s0+$0x10]  }
0x6e: {  	v5 =	vld [tilespmem:s0+$0xFFFFFFE0]  }
0x6f: {  	s31 =	simm.s32 $0x11020;
	v6 =	vld [tilespmem:s0+$0xFFFFFFF0]  }
0x70: {  	v7 =	vld [tilespmem:s31+$0x10]  }
0x71: {  	v8 =	vld [tilespmem:s0+$0x0];
	_ =	sdelay $0x1  }
0x72: {  	v4 =	vsub.s32 v4, v0  }
0x73: {  	v9 =	vsub.s32 v5, v0;
	vm3 =	vlt.u32 v4, $0x40  }
0x74: {  	v10 =	vsub.s32 v6, v0;
	v12 =	vshll.u32 v7, $0x3;
	v5 =	vnsel vm3, $0x0, v4  }
0x75: {  	v6 =	vld [tilespmem:s31+$0xFFFFFFE0];
	v8 =	vsub.s32 v8, v0;
	v7 =	vand.u32 $0x7F, v7;
	v11 =	vshll.u32 v5, $0xA  }
0x76: {  	v12 =	vand.u32 $0xFFFFFC00, v12;
	v13 =	vshll.u32 v5, $0x7;
	v11 =	vand.u32 $0xFFFFE000, v11  }
0x77: {  	vm1 =	vlt.u32 v9, $0x40;
	v4 =	vld [tilespmem:s31+$0xFFFFFFF0];
	v11 =	vadd.s32 v12, v11;
	v12 =	vand.u32 $0x380, v13  }
0x78: {  	vm2 =	vlt.u32 v10, $0x40;
	vm0 =	vlt.u32 v8, $0x40;
	v11 =	vor.u32 v12, v11  }
0x79: {  	v9 =	vnsel vm1, $0x0, v9;
	v17 =	vnsel vm0, $0x0, v8;
	v5 =	vld [tilespmem:s31+$0x0];
	v16 =	vor.u32 v7, v11  }
0x7a: {  	v10 =	vnsel vm2, $0x0, v10;
	v18 =	vshll.u32 v17, $0xA;
	v14 =	vshll.u32 v6, $0x3  }
0x7b: {  	v8 =	vshll.u32 v9, $0x7;
	v12 =	vshll.u32 v10, $0xA;
	v14 =	vand.u32 $0xFFFFFC00, v14  }
0x7c: {  	v7 =	vshll.u32 v9, $0xA;
	v15 =	vshll.u32 v4, $0x3;
	v12 =	vand.u32 $0xFFFFE000, v12  }
0x7d: {  	v9 =	vshll.u32 v10, $0x7;
	v10 =	vand.u32 $0xFFFFE000, v18;
	v11 =	vand.u32 $0xFFFFE000, v7  }
0x7e: {  	s1 =	simm.s32 $0x13060;
	s0 =	simm.s32 $0x0;
	v13 =	vshll.u32 v5, $0x3;
	v15 =	vand.u32 $0xFFFFFC00, v15;
	v7 =	vshll.u32 v17, $0x7;
	[tilespmem:v16+s2+$0x0] =	vst.idx.add.f32.msk vm3, v3  }
.LBB2_6:
0x7f: {  	v11 =	vadd.s32 v14, v11;
	v12 =	vadd.s32 v15, v12  }
0x80: {  	v16 =	vld [tilespmem:s1+$0x10];
	s0 =	sadd.s32 $0x40, s0;
	v13 =	vand.u32 $0xFFFFFC00, v13;
	vm5 =	vmmov vm1;
	vm3 =	vmmov vm2  }
0x81: {  	v8 =	vand.u32 $0x380, v8;
	v9 =	vand.u32 $0x380, v9;
	v14 =	vld [tilespmem:s1+$0xFFFFFFE0];
	p0 =	slt.u32 s0, $0xFC0;
	v10 =	vadd.s32 v13, v10  }
0x82: {  	v7 =	vand.u32 $0x380, v7;
	s31 =	sadd.s32 $0x40, s31;
	v8 =	vor.u32 v8, v11;
	v9 =	vor.u32 v9, v12;
	v13 =	vld [tilespmem:s1+$0xFFFFFFF0]  }
0x83: {  	v6 =	vand.u32 $0x7F, v6;
	v4 =	vand.u32 $0x7F, v4;
	v7 =	vor.u32 v7, v10;
	v11 =	vld [tilespmem:s31+$0x10]  }
0x84: {  	v5 =	vand.u32 $0x7F, v5;
	v8 =	vor.u32 v6, v8;
	v9 =	vor.u32 v4, v9;
	v10 =	vld [tilespmem:s1+$0x0]  }
0x85: {  	v7 =	vor.u32 v5, v7;
	v4 =	vld [tilespmem:s31+$0xFFFFFFF0];
	v12 =	vsub.s32 v16, v0  }
0x86: {  	v14 =	vsub.s32 v14, v0;
	v5 =	vld [tilespmem:s31+$0x0];
	vm4 =	vlt.u32 v12, $0x40  }
0x87: {  	v6 =	vld [tilespmem:s31+$0xFFFFFFE0];
	vm1 =	vlt.u32 v14, $0x40;
	v13 =	vsub.s32 v13, v0;
	v12 =	vnsel vm4, $0x0, v12  }
0x88: {  	vm2 =	vlt.u32 v13, $0x40;
	v15 =	vshll.u32 v12, $0xA;
	v16 =	vshll.u32 v11, $0x3  }
0x89: {  	v12 =	vshll.u32 v12, $0x7;
	v15 =	vand.u32 $0xFFFFE000, v15;
	v16 =	vand.u32 $0xFFFFFC00, v16;
	[tilespmem:v8+s2+$0x0] =	vst.idx.add.f32.msk vm5, v3  }
0x8a: {  	v8 =	vsub.s32 v10, v0;
	v12 =	vand.u32 $0x380, v12;
	v10 =	vadd.s32 v16, v15;
	[tilespmem:v9+s2+$0x0] =	vst.idx.add.f32.msk vm3, v3  }
0x8b: {  	v9 =	vand.u32 $0x7F, v11;
	v10 =	vor.u32 v12, v10;
	[tilespmem:v7+s2+$0x0] =	vst.idx.add.f32.msk vm0, v3;
	vm0 =	vlt.u32 v8, $0x40  }
0x8c: {  	v7 =	vnsel vm1, $0x0, v14;
	v14 =	vnsel vm2, $0x0, v13;
	v16 =	vor.u32 v9, v10  }
.Ltmp2:
0x8d: {  	v9 =	vshll.u32 v7, $0xA;
	v10 =	vshll.u32 v14, $0xA;
	v17 =	vnsel vm0, $0x0, v8;
	(pc) =	sbr.rel @p0 .LBB2_6-.Ltmp2, $4  }
0x8e: {  	v18 =	vshll.u32 v4, $0x3;
	v15 =	vshll.u32 v6, $0x3;
	v19 =	vshll.u32 v17, $0xA  }
0x8f: {  	v13 =	vshll.u32 v5, $0x3;
	v11 =	vand.u32 $0xFFFFE000, v9;
	v12 =	vand.u32 $0xFFFFE000, v10  }
0x90: {  	v8 =	vshll.u32 v7, $0x7;
	v9 =	vshll.u32 v14, $0x7;
	v10 =	vand.u32 $0xFFFFE000, v19  }
0x91: {  	s1 =	sadd.s32 $0x40, s1;
	v14 =	vand.u32 $0xFFFFFC00, v15;
	v15 =	vand.u32 $0xFFFFFC00, v18;
	v7 =	vshll.u32 v17, $0x7;
	[tilespmem:v16+s2+$0x0] =	vst.idx.add.f32.msk vm4, v3  }
0x92: {  	v11 =	vadd.s32 v14, v11;
	v12 =	vadd.s32 v15, v12  }
0x93: {  	v13 =	vand.u32 $0xFFFFFC00, v13;
	vm1 =	vmmov vm1;
	vm2 =	vmmov vm2  }
0x94: {  	v8 =	vand.u32 $0x380, v8;
	v9 =	vand.u32 $0x380, v9;
	v6 =	vand.u32 $0x7F, v6  }
0x95: {  	v7 =	vand.u32 $0x380, v7;
	v4 =	vand.u32 $0x7F, v4;
	v8 =	vor.u32 v8, v11  }
0x96: {  	v10 =	vadd.s32 v13, v10;
	v9 =	vor.u32 v9, v12;
	v6 =	vor.u32 v6, v8  }
0x97: {  	v5 =	vand.u32 $0x7F, v5;
	v7 =	vor.u32 v7, v10;
	v4 =	vor.u32 v4, v9  }
0x98: {  	v5 =	vor.u32 v5, v7;
	_ =	sdelay $0x2  }
0x99: {  	[tilespmem:v6+s2+$0x0] =	vst.idx.add.f32.msk vm1, v3  }
0x9a: {  	[tilespmem:v4+s2+$0x0] =	vst.idx.add.f32.msk vm2, v3  }
0x9b: {  	[tilespmem:v5+s2+$0x0] =	vst.idx.add.f32.msk vm0, v3  }
0x9c: {  	_ =	swait.ge [sflag:s24], $0x1000  }
0x9d: {  	[sflag:s24] =	ssyncset.done $0x0  }
0x9e: {  	[sflag:s24] =	ssyncadd.s32 $0xFFFFF000  }
0x9f: {  	_ =	swait.ge [sflag:s24], $0x1000  }
0xa0: {  	[sflag:s24] =	ssyncset.done $0x0  }
0xa1: {  	[sflag:s24] =	ssyncadd.s32 $0xFFFFF000  }
0xa2: {  	[tilespmem:s25], [sflag:$0x2] =	stream.linear.gather [hbm4b:s9+s2], $0x1000, $0x38;
	[tilespmem:$0x14000] =	vst v63  }
0xa3: {  	s0 =	simm.s32 $0x12020  }
0xa4: {  	[tilespmem:s26], [sflag:$0x2] =	stream.linear.gather [hbm4b:s10+s2], $0x1000, $0x38;
	[tilespmem:$0x14000] =	vst v63  }
0xa5: {  	v4 =	vld [tilespmem:s0+$0x10]  }
0xa6: {  	v5 =	vld [tilespmem:s0+$0xFFFFFFE0]  }
0xa7: {  	s31 =	simm.s32 $0x10020;
	v6 =	vld [tilespmem:s0+$0xFFFFFFF0]  }
0xa8: {  	v7 =	vld [tilespmem:s31+$0x10]  }
0xa9: {  	v8 =	vld [tilespmem:s0+$0x0];
	_ =	sdelay $0x1  }
0xaa: {  	v4 =	vsub.s32 v4, v0  }
0xab: {  	v9 =	vsub.s32 v5, v0;
	vm3 =	vlt.u32 v4, $0x40  }
0xac: {  	v10 =	vsub.s32 v6, v0;
	v12 =	vshll.u32 v7, $0x3;
	v5 =	vnsel vm3, $0x0, v4  }
0xad: {  	v6 =	vld [tilespmem:s31+$0xFFFFFFE0];
	v8 =	vsub.s32 v8, v0;
	v7 =	vand.u32 $0x7F, v7;
	v11 =	vshll.u32 v5, $0xA  }
0xae: {  	v12 =	vand.u32 $0xFFFFFC00, v12;
	v13 =	vshll.u32 v5, $0x7;
	v11 =	vand.u32 $0xFFFFE000, v11  }
0xaf: {  	vm1 =	vlt.u32 v9, $0x40;
	v4 =	vld [tilespmem:s31+$0xFFFFFFF0];
	v11 =	vadd.s32 v12, v11;
	v12 =	vand.u32 $0x380, v13  }
0xb0: {  	vm2 =	vlt.u32 v10, $0x40;
	vm0 =	vlt.u32 v8, $0x40;
	v11 =	vor.u32 v12, v11  }
0xb1: {  	v9 =	vnsel vm1, $0x0, v9;
	v17 =	vnsel vm0, $0x0, v8;
	v5 =	vld [tilespmem:s31+$0x0];
	v16 =	vor.u32 v7, v11  }
0xb2: {  	v10 =	vnsel vm2, $0x0, v10;
	v18 =	vshll.u32 v17, $0xA;
	v14 =	vshll.u32 v6, $0x3  }
0xb3: {  	v8 =	vshll.u32 v9, $0x7;
	v12 =	vshll.u32 v10, $0xA;
	v14 =	vand.u32 $0xFFFFFC00, v14  }
0xb4: {  	v7 =	vshll.u32 v9, $0xA;
	v15 =	vshll.u32 v4, $0x3;
	v12 =	vand.u32 $0xFFFFE000, v12  }
0xb5: {  	v9 =	vshll.u32 v10, $0x7;
	v10 =	vand.u32 $0xFFFFE000, v18;
	v11 =	vand.u32 $0xFFFFE000, v7  }
0xb6: {  	s1 =	simm.s32 $0x12060;
	s0 =	simm.s32 $0x0;
	v13 =	vshll.u32 v5, $0x3;
	v15 =	vand.u32 $0xFFFFFC00, v15;
	v7 =	vshll.u32 v17, $0x7;
	[tilespmem:v16+s2+$0x0] =	vst.idx.add.f32.msk vm3, v3  }
.LBB2_8:
0xb7: {  	v11 =	vadd.s32 v14, v11;
	v12 =	vadd.s32 v15, v12  }
0xb8: {  	v16 =	vld [tilespmem:s1+$0x10];
	s0 =	sadd.s32 $0x40, s0;
	v13 =	vand.u32 $0xFFFFFC00, v13;
	vm5 =	vmmov vm1;
	vm3 =	vmmov vm2  }
0xb9: {  	v8 =	vand.u32 $0x380, v8;
	v9 =	vand.u32 $0x380, v9;
	v14 =	vld [tilespmem:s1+$0xFFFFFFE0];
	p0 =	slt.u32 s0, $0xFC0;
	v10 =	vadd.s32 v13, v10  }
0xba: {  	v7 =	vand.u32 $0x380, v7;
	s31 =	sadd.s32 $0x40, s31;
	v8 =	vor.u32 v8, v11;
	v9 =	vor.u32 v9, v12;
	v13 =	vld [tilespmem:s1+$0xFFFFFFF0]  }
0xbb: {  	v6 =	vand.u32 $0x7F, v6;
	v4 =	vand.u32 $0x7F, v4;
	v7 =	vor.u32 v7, v10;
	v11 =	vld [tilespmem:s31+$0x10]  }
0xbc: {  	v5 =	vand.u32 $0x7F, v5;
	v8 =	vor.u32 v6, v8;
	v9 =	vor.u32 v4, v9;
	v10 =	vld [tilespmem:s1+$0x0]  }
0xbd: {  	v7 =	vor.u32 v5, v7;
	v4 =	vld [tilespmem:s31+$0xFFFFFFF0];
	v12 =	vsub.s32 v16, v0  }
0xbe: {  	v14 =	vsub.s32 v14, v0;
	v5 =	vld [tilespmem:s31+$0x0];
	vm4 =	vlt.u32 v12, $0x40  }
0xbf: {  	v6 =	vld [tilespmem:s31+$0xFFFFFFE0];
	vm1 =	vlt.u32 v14, $0x40;
	v13 =	vsub.s32 v13, v0;
	v12 =	vnsel vm4, $0x0, v12  }
0xc0: {  	vm2 =	vlt.u32 v13, $0x40;
	v15 =	vshll.u32 v12, $0xA;
	v16 =	vshll.u32 v11, $0x3  }
0xc1: {  	v12 =	vshll.u32 v12, $0x7;
	v15 =	vand.u32 $0xFFFFE000, v15;
	v16 =	vand.u32 $0xFFFFFC00, v16;
	[tilespmem:v8+s2+$0x0] =	vst.idx.add.f32.msk vm5, v3  }
0xc2: {  	v8 =	vsub.s32 v10, v0;
	v12 =	vand.u32 $0x380, v12;
	v10 =	vadd.s32 v16, v15;
	[tilespmem:v9+s2+$0x0] =	vst.idx.add.f32.msk vm3, v3  }
0xc3: {  	v9 =	vand.u32 $0x7F, v11;
	v10 =	vor.u32 v12, v10;
	[tilespmem:v7+s2+$0x0] =	vst.idx.add.f32.msk vm0, v3;
	vm0 =	vlt.u32 v8, $0x40  }
0xc4: {  	v7 =	vnsel vm1, $0x0, v14;
	v14 =	vnsel vm2, $0x0, v13;
	v16 =	vor.u32 v9, v10  }
.Ltmp3:
0xc5: {  	v9 =	vshll.u32 v7, $0xA;
	v10 =	vshll.u32 v14, $0xA;
	v17 =	vnsel vm0, $0x0, v8;
	(pc) =	sbr.rel @p0 .LBB2_8-.Ltmp3, $4  }
0xc6: {  	v18 =	vshll.u32 v4, $0x3;
	v15 =	vshll.u32 v6, $0x3;
	v19 =	vshll.u32 v17, $0xA  }
0xc7: {  	v13 =	vshll.u32 v5, $0x3;
	v11 =	vand.u32 $0xFFFFE000, v9;
	v12 =	vand.u32 $0xFFFFE000, v10  }
0xc8: {  	v8 =	vshll.u32 v7, $0x7;
	v9 =	vshll.u32 v14, $0x7;
	v10 =	vand.u32 $0xFFFFE000, v19  }
0xc9: {  	s1 =	sadd.s32 $0x40, s1;
	v14 =	vand.u32 $0xFFFFFC00, v15;
	v15 =	vand.u32 $0xFFFFFC00, v18;
	v7 =	vshll.u32 v17, $0x7;
	[tilespmem:v16+s2+$0x0] =	vst.idx.add.f32.msk vm4, v3  }
0xca: {  	v11 =	vadd.s32 v14, v11;
	v12 =	vadd.s32 v15, v12  }
0xcb: {  	v13 =	vand.u32 $0xFFFFFC00, v13;
	vm1 =	vmmov vm1;
	vm2 =	vmmov vm2  }
0xcc: {  	v8 =	vand.u32 $0x380, v8;
	v9 =	vand.u32 $0x380, v9;
	v6 =	vand.u32 $0x7F, v6  }
0xcd: {  	v7 =	vand.u32 $0x380, v7;
	v4 =	vand.u32 $0x7F, v4;
	v8 =	vor.u32 v8, v11  }
0xce: {  	v10 =	vadd.s32 v13, v10;
	v9 =	vor.u32 v9, v12;
	v6 =	vor.u32 v6, v8  }
0xcf: {  	v5 =	vand.u32 $0x7F, v5;
	v7 =	vor.u32 v7, v10;
	v4 =	vor.u32 v4, v9  }
0xd0: {  	v5 =	vor.u32 v5, v7;
	_ =	sdelay $0x2  }
0xd1: {  	[tilespmem:v6+s2+$0x0] =	vst.idx.add.f32.msk vm1, v3  }
0xd2: {  	[tilespmem:v4+s2+$0x0] =	vst.idx.add.f32.msk vm2, v3  }
0xd3: {  	[tilespmem:v5+s2+$0x0] =	vst.idx.add.f32.msk vm0, v3  }
0xd4: {  	_ =	swait.ge [sflag:s28], $0x1000  }
0xd5: {  	[sflag:s28] =	ssyncset.done $0x0  }
0xd6: {  	[sflag:s28] =	ssyncadd.s32 $0xFFFFF000  }
0xd7: {  	_ =	swait.ge [sflag:s28], $0x1000  }
0xd8: {  	[sflag:s28] =	ssyncset.done $0x0  }
0xd9: {  	[sflag:s28] =	ssyncadd.s32 $0xFFFFF000  }
0xda: {  	[tilespmem:s22], [sflag:$0x1] =	stream.linear.gather [hbm4b:s11+s2], $0x1000, $0x38;
	[tilespmem:$0x14000] =	vst v63  }
0xdb: {  	s0 =	simm.s32 $0x13020  }
0xdc: {  	[tilespmem:s23], [sflag:$0x1] =	stream.linear.gather [hbm4b:s12+s2], $0x1000, $0x38;
	[tilespmem:$0x14000] =	vst v63  }
0xdd: {  	v4 =	vld [tilespmem:s0+$0x10]  }
0xde: {  	v5 =	vld [tilespmem:s0+$0xFFFFFFE0]  }
0xdf: {  	s31 =	simm.s32 $0x11020;
	v6 =	vld [tilespmem:s0+$0xFFFFFFF0]  }
0xe0: {  	v7 =	vld [tilespmem:s31+$0x10]  }
0xe1: {  	v8 =	vld [tilespmem:s0+$0x0];
	_ =	sdelay $0x1  }
0xe2: {  	v4 =	vsub.s32 v4, v0  }
0xe3: {  	v9 =	vsub.s32 v5, v0;
	vm3 =	vlt.u32 v4, $0x40  }
0xe4: {  	v10 =	vsub.s32 v6, v0;
	v12 =	vshll.u32 v7, $0x3;
	v5 =	vnsel vm3, $0x0, v4  }
0xe5: {  	v6 =	vld [tilespmem:s31+$0xFFFFFFE0];
	v8 =	vsub.s32 v8, v0;
	v7 =	vand.u32 $0x7F, v7;
	v11 =	vshll.u32 v5, $0xA  }
0xe6: {  	v12 =	vand.u32 $0xFFFFFC00, v12;
	v13 =	vshll.u32 v5, $0x7;
	v11 =	vand.u32 $0xFFFFE000, v11  }
0xe7: {  	vm1 =	vlt.u32 v9, $0x40;
	v4 =	vld [tilespmem:s31+$0xFFFFFFF0];
	v11 =	vadd.s32 v12, v11;
	v12 =	vand.u32 $0x380, v13  }
0xe8: {  	vm2 =	vlt.u32 v10, $0x40;
	vm0 =	vlt.u32 v8, $0x40;
	v11 =	vor.u32 v12, v11  }
0xe9: {  	v9 =	vnsel vm1, $0x0, v9;
	v17 =	vnsel vm0, $0x0, v8;
	v5 =	vld [tilespmem:s31+$0x0];
	v16 =	vor.u32 v7, v11  }
0xea: {  	v10 =	vnsel vm2, $0x0, v10;
	v18 =	vshll.u32 v17, $0xA;
	v14 =	vshll.u32 v6, $0x3  }
0xeb: {  	v8 =	vshll.u32 v9, $0x7;
	v12 =	vshll.u32 v10, $0xA;
	v14 =	vand.u32 $0xFFFFFC00, v14  }
0xec: {  	v7 =	vshll.u32 v9, $0xA;
	v15 =	vshll.u32 v4, $0x3;
	v12 =	vand.u32 $0xFFFFE000, v12  }
0xed: {  	v9 =	vshll.u32 v10, $0x7;
	v10 =	vand.u32 $0xFFFFE000, v18;
	v11 =	vand.u32 $0xFFFFE000, v7  }
0xee: {  	s1 =	simm.s32 $0x13060;
	s0 =	simm.s32 $0x0;
	v13 =	vshll.u32 v5, $0x3;
	v15 =	vand.u32 $0xFFFFFC00, v15;
	v7 =	vshll.u32 v17, $0x7;
	[tilespmem:v16+s2+$0x0] =	vst.idx.add.f32.msk vm3, v3  }
.LBB2_10:
0xef: {  	v11 =	vadd.s32 v14, v11;
	v12 =	vadd.s32 v15, v12  }
0xf0: {  	v16 =	vld [tilespmem:s1+$0x10];
	s0 =	sadd.s32 $0x40, s0;
	v13 =	vand.u32 $0xFFFFFC00, v13;
	vm5 =	vmmov vm1;
	vm3 =	vmmov vm2  }
0xf1: {  	v8 =	vand.u32 $0x380, v8;
	v9 =	vand.u32 $0x380, v9;
	v14 =	vld [tilespmem:s1+$0xFFFFFFE0];
	p0 =	slt.u32 s0, $0xFC0;
	v10 =	vadd.s32 v13, v10  }
0xf2: {  	v7 =	vand.u32 $0x380, v7;
	s31 =	sadd.s32 $0x40, s31;
	v8 =	vor.u32 v8, v11;
	v9 =	vor.u32 v9, v12;
	v13 =	vld [tilespmem:s1+$0xFFFFFFF0]  }
0xf3: {  	v6 =	vand.u32 $0x7F, v6;
	v4 =	vand.u32 $0x7F, v4;
	v7 =	vor.u32 v7, v10;
	v11 =	vld [tilespmem:s31+$0x10]  }
0xf4: {  	v5 =	vand.u32 $0x7F, v5;
	v8 =	vor.u32 v6, v8;
	v9 =	vor.u32 v4, v9;
	v10 =	vld [tilespmem:s1+$0x0]  }
0xf5: {  	v7 =	vor.u32 v5, v7;
	v4 =	vld [tilespmem:s31+$0xFFFFFFF0];
	v12 =	vsub.s32 v16, v0  }
0xf6: {  	v14 =	vsub.s32 v14, v0;
	v5 =	vld [tilespmem:s31+$0x0];
	vm4 =	vlt.u32 v12, $0x40  }
0xf7: {  	v6 =	vld [tilespmem:s31+$0xFFFFFFE0];
	vm1 =	vlt.u32 v14, $0x40;
	v13 =	vsub.s32 v13, v0;
	v12 =	vnsel vm4, $0x0, v12  }
0xf8: {  	vm2 =	vlt.u32 v13, $0x40;
	v15 =	vshll.u32 v12, $0xA;
	v16 =	vshll.u32 v11, $0x3  }
0xf9: {  	v12 =	vshll.u32 v12, $0x7;
	v15 =	vand.u32 $0xFFFFE000, v15;
	v16 =	vand.u32 $0xFFFFFC00, v16;
	[tilespmem:v8+s2+$0x0] =	vst.idx.add.f32.msk vm5, v3  }
0xfa: {  	v8 =	vsub.s32 v10, v0;
	v12 =	vand.u32 $0x380, v12;
	v10 =	vadd.s32 v16, v15;
	[tilespmem:v9+s2+$0x0] =	vst.idx.add.f32.msk vm3, v3  }
0xfb: {  	v9 =	vand.u32 $0x7F, v11;
	v10 =	vor.u32 v12, v10;
	[tilespmem:v7+s2+$0x0] =	vst.idx.add.f32.msk vm0, v3;
	vm0 =	vlt.u32 v8, $0x40  }
0xfc: {  	v7 =	vnsel vm1, $0x0, v14;
	v14 =	vnsel vm2, $0x0, v13;
	v16 =	vor.u32 v9, v10  }
.Ltmp4:
0xfd: {  	v9 =	vshll.u32 v7, $0xA;
	v10 =	vshll.u32 v14, $0xA;
	v17 =	vnsel vm0, $0x0, v8;
	(pc) =	sbr.rel @p0 .LBB2_10-.Ltmp4, $4  }
0xfe: {  	v18 =	vshll.u32 v4, $0x3;
	v15 =	vshll.u32 v6, $0x3;
	v19 =	vshll.u32 v17, $0xA  }
0xff: {  	v13 =	vshll.u32 v5, $0x3;
	v11 =	vand.u32 $0xFFFFE000, v9;
	v12 =	vand.u32 $0xFFFFE000, v10  }
0x100: {  	v8 =	vshll.u32 v7, $0x7;
	v9 =	vshll.u32 v14, $0x7;
	v10 =	vand.u32 $0xFFFFE000, v19  }
0x101: {  	s1 =	sadd.s32 $0x40, s1;
	v14 =	vand.u32 $0xFFFFFC00, v15;
	v15 =	vand.u32 $0xFFFFFC00, v18;
	v7 =	vshll.u32 v17, $0x7;
	[tilespmem:v16+s2+$0x0] =	vst.idx.add.f32.msk vm4, v3  }
0x102: {  	v11 =	vadd.s32 v14, v11;
	v12 =	vadd.s32 v15, v12  }
0x103: {  	v13 =	vand.u32 $0xFFFFFC00, v13;
	vm1 =	vmmov vm1;
	vm2 =	vmmov vm2  }
0x104: {  	v8 =	vand.u32 $0x380, v8;
	v9 =	vand.u32 $0x380, v9;
	v6 =	vand.u32 $0x7F, v6  }
0x105: {  	v7 =	vand.u32 $0x380, v7;
	v4 =	vand.u32 $0x7F, v4;
	v8 =	vor.u32 v8, v11  }
0x106: {  	v10 =	vadd.s32 v13, v10;
	v9 =	vor.u32 v9, v12;
	v6 =	vor.u32 v6, v8  }
0x107: {  	v5 =	vand.u32 $0x7F, v5;
	v7 =	vor.u32 v7, v10;
	v4 =	vor.u32 v4, v9  }
0x108: {  	v5 =	vor.u32 v5, v7;
	_ =	sdelay $0x2  }
0x109: {  	[tilespmem:v6+s2+$0x0] =	vst.idx.add.f32.msk vm1, v3  }
0x10a: {  	[tilespmem:v4+s2+$0x0] =	vst.idx.add.f32.msk vm2, v3  }
0x10b: {  	[tilespmem:v5+s2+$0x0] =	vst.idx.add.f32.msk vm0, v3  }
0x10c: {  	_ =	swait.ge [sflag:s24], $0x1000  }
0x10d: {  	[sflag:s24] =	ssyncset.done $0x0  }
0x10e: {  	[sflag:s24] =	ssyncadd.s32 $0xFFFFF000  }
0x10f: {  	_ =	swait.ge [sflag:s24], $0x1000  }
0x110: {  	[sflag:s24] =	ssyncset.done $0x0  }
0x111: {  	[sflag:s24] =	ssyncadd.s32 $0xFFFFF000  }
0x112: {  	[tilespmem:s25], [sflag:$0x2] =	stream.linear.gather [hbm4b:s13+s2], $0x1000, $0x38;
	[tilespmem:$0x14000] =	vst v63  }
0x113: {  	s0 =	simm.s32 $0x12020  }
0x114: {  	[tilespmem:s26], [sflag:$0x2] =	stream.linear.gather [hbm4b:s14+s2], $0x1000, $0x38;
	[tilespmem:$0x14000] =	vst v63  }
0x115: {  	v4 =	vld [tilespmem:s0+$0x10]  }
0x116: {  	v5 =	vld [tilespmem:s0+$0xFFFFFFE0]  }
0x117: {  	s31 =	simm.s32 $0x10020;
	v6 =	vld [tilespmem:s0+$0xFFFFFFF0]  }
0x118: {  	v7 =	vld [tilespmem:s31+$0x10]  }
0x119: {  	v8 =	vld [tilespmem:s0+$0x0];
	_ =	sdelay $0x1  }
0x11a: {  	v4 =	vsub.s32 v4, v0  }
0x11b: {  	v9 =	vsub.s32 v5, v0;
	vm3 =	vlt.u32 v4, $0x40  }
0x11c: {  	v10 =	vsub.s32 v6, v0;
	v12 =	vshll.u32 v7, $0x3;
	v5 =	vnsel vm3, $0x0, v4  }
0x11d: {  	v6 =	vld [tilespmem:s31+$0xFFFFFFE0];
	v8 =	vsub.s32 v8, v0;
	v7 =	vand.u32 $0x7F, v7;
	v11 =	vshll.u32 v5, $0xA  }
0x11e: {  	v12 =	vand.u32 $0xFFFFFC00, v12;
	v13 =	vshll.u32 v5, $0x7;
	v11 =	vand.u32 $0xFFFFE000, v11  }
0x11f: {  	vm1 =	vlt.u32 v9, $0x40;
	v4 =	vld [tilespmem:s31+$0xFFFFFFF0];
	v11 =	vadd.s32 v12, v11;
	v12 =	vand.u32 $0x380, v13  }
0x120: {  	vm2 =	vlt.u32 v10, $0x40;
	vm0 =	vlt.u32 v8, $0x40;
	v11 =	vor.u32 v12, v11  }
0x121: {  	v9 =	vnsel vm1, $0x0, v9;
	v17 =	vnsel vm0, $0x0, v8;
	v5 =	vld [tilespmem:s31+$0x0];
	v16 =	vor.u32 v7, v11  }
0x122: {  	v10 =	vnsel vm2, $0x0, v10;
	v18 =	vshll.u32 v17, $0xA;
	v14 =	vshll.u32 v6, $0x3  }
0x123: {  	v8 =	vshll.u32 v9, $0x7;
	v12 =	vshll.u32 v10, $0xA;
	v14 =	vand.u32 $0xFFFFFC00, v14  }
0x124: {  	v7 =	vshll.u32 v9, $0xA;
	v15 =	vshll.u32 v4, $0x3;
	v12 =	vand.u32 $0xFFFFE000, v12  }
0x125: {  	v9 =	vshll.u32 v10, $0x7;
	v10 =	vand.u32 $0xFFFFE000, v18;
	v11 =	vand.u32 $0xFFFFE000, v7  }
0x126: {  	s1 =	simm.s32 $0x12060;
	s0 =	simm.s32 $0x0;
	v13 =	vshll.u32 v5, $0x3;
	v15 =	vand.u32 $0xFFFFFC00, v15;
	v7 =	vshll.u32 v17, $0x7;
	[tilespmem:v16+s2+$0x0] =	vst.idx.add.f32.msk vm3, v3  }
.LBB2_12:
0x127: {  	v11 =	vadd.s32 v14, v11;
	v12 =	vadd.s32 v15, v12  }
0x128: {  	v16 =	vld [tilespmem:s1+$0x10];
	s0 =	sadd.s32 $0x40, s0;
	v13 =	vand.u32 $0xFFFFFC00, v13;
	vm5 =	vmmov vm1;
	vm3 =	vmmov vm2  }
0x129: {  	v8 =	vand.u32 $0x380, v8;
	v9 =	vand.u32 $0x380, v9;
	v14 =	vld [tilespmem:s1+$0xFFFFFFE0];
	p0 =	slt.u32 s0, $0xFC0;
	v10 =	vadd.s32 v13, v10  }
0x12a: {  	v7 =	vand.u32 $0x380, v7;
	s31 =	sadd.s32 $0x40, s31;
	v8 =	vor.u32 v8, v11;
	v9 =	vor.u32 v9, v12;
	v13 =	vld [tilespmem:s1+$0xFFFFFFF0]  }
0x12b: {  	v6 =	vand.u32 $0x7F, v6;
	v4 =	vand.u32 $0x7F, v4;
	v7 =	vor.u32 v7, v10;
	v11 =	vld [tilespmem:s31+$0x10]  }
0x12c: {  	v5 =	vand.u32 $0x7F, v5;
	v8 =	vor.u32 v6, v8;
	v9 =	vor.u32 v4, v9;
	v10 =	vld [tilespmem:s1+$0x0]  }
0x12d: {  	v7 =	vor.u32 v5, v7;
	v4 =	vld [tilespmem:s31+$0xFFFFFFF0];
	v12 =	vsub.s32 v16, v0  }
0x12e: {  	v14 =	vsub.s32 v14, v0;
	v5 =	vld [tilespmem:s31+$0x0];
	vm4 =	vlt.u32 v12, $0x40  }
0x12f: {  	v6 =	vld [tilespmem:s31+$0xFFFFFFE0];
	vm1 =	vlt.u32 v14, $0x40;
	v13 =	vsub.s32 v13, v0;
	v12 =	vnsel vm4, $0x0, v12  }
0x130: {  	vm2 =	vlt.u32 v13, $0x40;
	v15 =	vshll.u32 v12, $0xA;
	v16 =	vshll.u32 v11, $0x3  }
0x131: {  	v12 =	vshll.u32 v12, $0x7;
	v15 =	vand.u32 $0xFFFFE000, v15;
	v16 =	vand.u32 $0xFFFFFC00, v16;
	[tilespmem:v8+s2+$0x0] =	vst.idx.add.f32.msk vm5, v3  }
0x132: {  	v8 =	vsub.s32 v10, v0;
	v12 =	vand.u32 $0x380, v12;
	v10 =	vadd.s32 v16, v15;
	[tilespmem:v9+s2+$0x0] =	vst.idx.add.f32.msk vm3, v3  }
0x133: {  	v9 =	vand.u32 $0x7F, v11;
	v10 =	vor.u32 v12, v10;
	[tilespmem:v7+s2+$0x0] =	vst.idx.add.f32.msk vm0, v3;
	vm0 =	vlt.u32 v8, $0x40  }
0x134: {  	v7 =	vnsel vm1, $0x0, v14;
	v14 =	vnsel vm2, $0x0, v13;
	v16 =	vor.u32 v9, v10  }
.Ltmp5:
0x135: {  	v9 =	vshll.u32 v7, $0xA;
	v10 =	vshll.u32 v14, $0xA;
	v17 =	vnsel vm0, $0x0, v8;
	(pc) =	sbr.rel @p0 .LBB2_12-.Ltmp5, $4  }
0x136: {  	v18 =	vshll.u32 v4, $0x3;
	v15 =	vshll.u32 v6, $0x3;
	v19 =	vshll.u32 v17, $0xA  }
0x137: {  	v13 =	vshll.u32 v5, $0x3;
	v11 =	vand.u32 $0xFFFFE000, v9;
	v12 =	vand.u32 $0xFFFFE000, v10  }
0x138: {  	v8 =	vshll.u32 v7, $0x7;
	v9 =	vshll.u32 v14, $0x7;
	v10 =	vand.u32 $0xFFFFE000, v19  }
0x139: {  	s1 =	sadd.s32 $0x40, s1;
	v14 =	vand.u32 $0xFFFFFC00, v15;
	v15 =	vand.u32 $0xFFFFFC00, v18;
	v7 =	vshll.u32 v17, $0x7;
	[tilespmem:v16+s2+$0x0] =	vst.idx.add.f32.msk vm4, v3  }
0x13a: {  	v11 =	vadd.s32 v14, v11;
	v12 =	vadd.s32 v15, v12  }
0x13b: {  	v13 =	vand.u32 $0xFFFFFC00, v13;
	vm1 =	vmmov vm1;
	vm2 =	vmmov vm2  }
0x13c: {  	v8 =	vand.u32 $0x380, v8;
	v9 =	vand.u32 $0x380, v9;
	v6 =	vand.u32 $0x7F, v6  }
0x13d: {  	v7 =	vand.u32 $0x380, v7;
	v4 =	vand.u32 $0x7F, v4;
	v8 =	vor.u32 v8, v11  }
0x13e: {  	v10 =	vadd.s32 v13, v10;
	v9 =	vor.u32 v9, v12;
	v6 =	vor.u32 v6, v8  }
0x13f: {  	v5 =	vand.u32 $0x7F, v5;
	v7 =	vor.u32 v7, v10;
	v4 =	vor.u32 v4, v9  }
0x140: {  	v5 =	vor.u32 v5, v7;
	_ =	sdelay $0x2  }
0x141: {  	[tilespmem:v6+s2+$0x0] =	vst.idx.add.f32.msk vm1, v3  }
0x142: {  	[tilespmem:v4+s2+$0x0] =	vst.idx.add.f32.msk vm2, v3  }
0x143: {  	[tilespmem:v5+s2+$0x0] =	vst.idx.add.f32.msk vm0, v3  }
0x144: {  	_ =	swait.ge [sflag:s28], $0x1000  }
0x145: {  	[sflag:s28] =	ssyncset.done $0x0  }
0x146: {  	[sflag:s28] =	ssyncadd.s32 $0xFFFFF000  }
0x147: {  	_ =	swait.ge [sflag:s28], $0x1000  }
0x148: {  	[sflag:s28] =	ssyncset.done $0x0  }
0x149: {  	[sflag:s28] =	ssyncadd.s32 $0xFFFFF000  }
0x14a: {  	[tilespmem:s22], [sflag:$0x1] =	stream.linear.gather [hbm4b:s15+s2], $0x1000, $0x38;
	[tilespmem:$0x14000] =	vst v63  }
0x14b: {  	s0 =	simm.s32 $0x13020  }
0x14c: {  	[tilespmem:s23], [sflag:$0x1] =	stream.linear.gather [hbm4b:s16+s2], $0x1000, $0x38;
	[tilespmem:$0x14000] =	vst v63  }
0x14d: {  	v4 =	vld [tilespmem:s0+$0x10]  }
0x14e: {  	v5 =	vld [tilespmem:s0+$0xFFFFFFE0]  }
0x14f: {  	s31 =	simm.s32 $0x11020;
	v6 =	vld [tilespmem:s0+$0xFFFFFFF0]  }
0x150: {  	v7 =	vld [tilespmem:s31+$0x10]  }
0x151: {  	v8 =	vld [tilespmem:s0+$0x0];
	_ =	sdelay $0x1  }
0x152: {  	v4 =	vsub.s32 v4, v0  }
0x153: {  	v9 =	vsub.s32 v5, v0;
	vm3 =	vlt.u32 v4, $0x40  }
0x154: {  	v10 =	vsub.s32 v6, v0;
	v12 =	vshll.u32 v7, $0x3;
	v5 =	vnsel vm3, $0x0, v4  }
0x155: {  	v6 =	vld [tilespmem:s31+$0xFFFFFFE0];
	v8 =	vsub.s32 v8, v0;
	v7 =	vand.u32 $0x7F, v7;
	v11 =	vshll.u32 v5, $0xA  }
0x156: {  	v12 =	vand.u32 $0xFFFFFC00, v12;
	v13 =	vshll.u32 v5, $0x7;
	v11 =	vand.u32 $0xFFFFE000, v11  }
0x157: {  	vm1 =	vlt.u32 v9, $0x40;
	v4 =	vld [tilespmem:s31+$0xFFFFFFF0];
	v11 =	vadd.s32 v12, v11;
	v12 =	vand.u32 $0x380, v13  }
0x158: {  	vm2 =	vlt.u32 v10, $0x40;
	vm0 =	vlt.u32 v8, $0x40;
	v11 =	vor.u32 v12, v11  }
0x159: {  	v9 =	vnsel vm1, $0x0, v9;
	v17 =	vnsel vm0, $0x0, v8;
	v5 =	vld [tilespmem:s31+$0x0];
	v16 =	vor.u32 v7, v11  }
0x15a: {  	v10 =	vnsel vm2, $0x0, v10;
	v18 =	vshll.u32 v17, $0xA;
	v14 =	vshll.u32 v6, $0x3  }
0x15b: {  	v8 =	vshll.u32 v9, $0x7;
	v12 =	vshll.u32 v10, $0xA;
	v14 =	vand.u32 $0xFFFFFC00, v14  }
0x15c: {  	v7 =	vshll.u32 v9, $0xA;
	v15 =	vshll.u32 v4, $0x3;
	v12 =	vand.u32 $0xFFFFE000, v12  }
0x15d: {  	v9 =	vshll.u32 v10, $0x7;
	v10 =	vand.u32 $0xFFFFE000, v18;
	v11 =	vand.u32 $0xFFFFE000, v7  }
0x15e: {  	s1 =	simm.s32 $0x13060;
	s0 =	simm.s32 $0x0;
	v13 =	vshll.u32 v5, $0x3;
	v15 =	vand.u32 $0xFFFFFC00, v15;
	v7 =	vshll.u32 v17, $0x7;
	[tilespmem:v16+s2+$0x0] =	vst.idx.add.f32.msk vm3, v3  }
.LBB2_14:
0x15f: {  	v11 =	vadd.s32 v14, v11;
	v12 =	vadd.s32 v15, v12  }
0x160: {  	v16 =	vld [tilespmem:s1+$0x10];
	s0 =	sadd.s32 $0x40, s0;
	v13 =	vand.u32 $0xFFFFFC00, v13;
	vm5 =	vmmov vm1;
	vm3 =	vmmov vm2  }
0x161: {  	v8 =	vand.u32 $0x380, v8;
	v9 =	vand.u32 $0x380, v9;
	v14 =	vld [tilespmem:s1+$0xFFFFFFE0];
	p0 =	slt.u32 s0, $0xFC0;
	v10 =	vadd.s32 v13, v10  }
0x162: {  	v7 =	vand.u32 $0x380, v7;
	s31 =	sadd.s32 $0x40, s31;
	v8 =	vor.u32 v8, v11;
	v9 =	vor.u32 v9, v12;
	v13 =	vld [tilespmem:s1+$0xFFFFFFF0]  }
0x163: {  	v6 =	vand.u32 $0x7F, v6;
	v4 =	vand.u32 $0x7F, v4;
	v7 =	vor.u32 v7, v10;
	v11 =	vld [tilespmem:s31+$0x10]  }
0x164: {  	v5 =	vand.u32 $0x7F, v5;
	v8 =	vor.u32 v6, v8;
	v9 =	vor.u32 v4, v9;
	v10 =	vld [tilespmem:s1+$0x0]  }
0x165: {  	v7 =	vor.u32 v5, v7;
	v4 =	vld [tilespmem:s31+$0xFFFFFFF0];
	v12 =	vsub.s32 v16, v0  }
0x166: {  	v14 =	vsub.s32 v14, v0;
	v5 =	vld [tilespmem:s31+$0x0];
	vm4 =	vlt.u32 v12, $0x40  }
0x167: {  	v6 =	vld [tilespmem:s31+$0xFFFFFFE0];
	vm1 =	vlt.u32 v14, $0x40;
	v13 =	vsub.s32 v13, v0;
	v12 =	vnsel vm4, $0x0, v12  }
0x168: {  	vm2 =	vlt.u32 v13, $0x40;
	v15 =	vshll.u32 v12, $0xA;
	v16 =	vshll.u32 v11, $0x3  }
0x169: {  	v12 =	vshll.u32 v12, $0x7;
	v15 =	vand.u32 $0xFFFFE000, v15;
	v16 =	vand.u32 $0xFFFFFC00, v16;
	[tilespmem:v8+s2+$0x0] =	vst.idx.add.f32.msk vm5, v3  }
0x16a: {  	v8 =	vsub.s32 v10, v0;
	v12 =	vand.u32 $0x380, v12;
	v10 =	vadd.s32 v16, v15;
	[tilespmem:v9+s2+$0x0] =	vst.idx.add.f32.msk vm3, v3  }
0x16b: {  	v9 =	vand.u32 $0x7F, v11;
	v10 =	vor.u32 v12, v10;
	[tilespmem:v7+s2+$0x0] =	vst.idx.add.f32.msk vm0, v3;
	vm0 =	vlt.u32 v8, $0x40  }
0x16c: {  	v7 =	vnsel vm1, $0x0, v14;
	v14 =	vnsel vm2, $0x0, v13;
	v16 =	vor.u32 v9, v10  }
.Ltmp6:
0x16d: {  	v9 =	vshll.u32 v7, $0xA;
	v10 =	vshll.u32 v14, $0xA;
	v17 =	vnsel vm0, $0x0, v8;
	(pc) =	sbr.rel @p0 .LBB2_14-.Ltmp6, $4  }
0x16e: {  	v18 =	vshll.u32 v4, $0x3;
	v15 =	vshll.u32 v6, $0x3;
	v19 =	vshll.u32 v17, $0xA  }
0x16f: {  	v13 =	vshll.u32 v5, $0x3;
	v11 =	vand.u32 $0xFFFFE000, v9;
	v12 =	vand.u32 $0xFFFFE000, v10  }
0x170: {  	v8 =	vshll.u32 v7, $0x7;
	v9 =	vshll.u32 v14, $0x7;
	v10 =	vand.u32 $0xFFFFE000, v19  }
0x171: {  	s1 =	sadd.s32 $0x40, s1;
	v14 =	vand.u32 $0xFFFFFC00, v15;
	v15 =	vand.u32 $0xFFFFFC00, v18;
	v7 =	vshll.u32 v17, $0x7;
	[tilespmem:v16+s2+$0x0] =	vst.idx.add.f32.msk vm4, v3  }
0x172: {  	v11 =	vadd.s32 v14, v11;
	v12 =	vadd.s32 v15, v12  }
0x173: {  	v13 =	vand.u32 $0xFFFFFC00, v13;
	vm1 =	vmmov vm1;
	vm2 =	vmmov vm2  }
0x174: {  	v8 =	vand.u32 $0x380, v8;
	v9 =	vand.u32 $0x380, v9;
	v6 =	vand.u32 $0x7F, v6  }
0x175: {  	v7 =	vand.u32 $0x380, v7;
	v4 =	vand.u32 $0x7F, v4;
	v8 =	vor.u32 v8, v11  }
0x176: {  	v10 =	vadd.s32 v13, v10;
	v9 =	vor.u32 v9, v12;
	v6 =	vor.u32 v6, v8  }
0x177: {  	v5 =	vand.u32 $0x7F, v5;
	v7 =	vor.u32 v7, v10;
	v4 =	vor.u32 v4, v9  }
0x178: {  	v5 =	vor.u32 v5, v7;
	_ =	sdelay $0x2  }
0x179: {  	[tilespmem:v6+s2+$0x0] =	vst.idx.add.f32.msk vm1, v3  }
0x17a: {  	[tilespmem:v4+s2+$0x0] =	vst.idx.add.f32.msk vm2, v3  }
0x17b: {  	[tilespmem:v5+s2+$0x0] =	vst.idx.add.f32.msk vm0, v3  }
0x17c: {  	_ =	swait.ge [sflag:s24], $0x1000  }
0x17d: {  	[sflag:s24] =	ssyncset.done $0x0  }
0x17e: {  	[sflag:s24] =	ssyncadd.s32 $0xFFFFF000  }
0x17f: {  	_ =	swait.ge [sflag:s24], $0x1000  }
0x180: {  	[sflag:s24] =	ssyncset.done $0x0  }
0x181: {  	[sflag:s24] =	ssyncadd.s32 $0xFFFFF000  }
0x182: {  	[tilespmem:s25], [sflag:$0x2] =	stream.linear.gather [hbm4b:s17+s2], $0x1000, $0x38;
	[tilespmem:$0x14000] =	vst v63  }
0x183: {  	s0 =	simm.s32 $0x12020  }
0x184: {  	[tilespmem:s26], [sflag:$0x2] =	stream.linear.gather [hbm4b:s18+s2], $0x1000, $0x38;
	[tilespmem:$0x14000] =	vst v63  }
0x185: {  	v4 =	vld [tilespmem:s0+$0x10]  }
0x186: {  	v5 =	vld [tilespmem:s0+$0xFFFFFFE0]  }
0x187: {  	s31 =	simm.s32 $0x10020;
	v6 =	vld [tilespmem:s0+$0xFFFFFFF0]  }
0x188: {  	v7 =	vld [tilespmem:s31+$0x10]  }
0x189: {  	v8 =	vld [tilespmem:s0+$0x0];
	_ =	sdelay $0x1  }
0x18a: {  	v4 =	vsub.s32 v4, v0  }
0x18b: {  	v9 =	vsub.s32 v5, v0;
	vm3 =	vlt.u32 v4, $0x40  }
0x18c: {  	v10 =	vsub.s32 v6, v0;
	v12 =	vshll.u32 v7, $0x3;
	v5 =	vnsel vm3, $0x0, v4  }
0x18d: {  	v6 =	vld [tilespmem:s31+$0xFFFFFFE0];
	v8 =	vsub.s32 v8, v0;
	v7 =	vand.u32 $0x7F, v7;
	v11 =	vshll.u32 v5, $0xA  }
0x18e: {  	v12 =	vand.u32 $0xFFFFFC00, v12;
	v13 =	vshll.u32 v5, $0x7;
	v11 =	vand.u32 $0xFFFFE000, v11  }
0x18f: {  	vm1 =	vlt.u32 v9, $0x40;
	v4 =	vld [tilespmem:s31+$0xFFFFFFF0];
	v11 =	vadd.s32 v12, v11;
	v12 =	vand.u32 $0x380, v13  }
0x190: {  	vm2 =	vlt.u32 v10, $0x40;
	vm0 =	vlt.u32 v8, $0x40;
	v11 =	vor.u32 v12, v11  }
0x191: {  	v9 =	vnsel vm1, $0x0, v9;
	v17 =	vnsel vm0, $0x0, v8;
	v5 =	vld [tilespmem:s31+$0x0];
	v16 =	vor.u32 v7, v11  }
0x192: {  	v10 =	vnsel vm2, $0x0, v10;
	v18 =	vshll.u32 v17, $0xA;
	v14 =	vshll.u32 v6, $0x3  }
0x193: {  	v8 =	vshll.u32 v9, $0x7;
	v12 =	vshll.u32 v10, $0xA;
	v14 =	vand.u32 $0xFFFFFC00, v14  }
0x194: {  	v7 =	vshll.u32 v9, $0xA;
	v15 =	vshll.u32 v4, $0x3;
	v12 =	vand.u32 $0xFFFFE000, v12  }
0x195: {  	v9 =	vshll.u32 v10, $0x7;
	v10 =	vand.u32 $0xFFFFE000, v18;
	v11 =	vand.u32 $0xFFFFE000, v7  }
0x196: {  	s1 =	simm.s32 $0x12060;
	s0 =	simm.s32 $0x0;
	v13 =	vshll.u32 v5, $0x3;
	v15 =	vand.u32 $0xFFFFFC00, v15;
	v7 =	vshll.u32 v17, $0x7;
	[tilespmem:v16+s2+$0x0] =	vst.idx.add.f32.msk vm3, v3  }
.LBB2_16:
0x197: {  	v11 =	vadd.s32 v14, v11;
	v12 =	vadd.s32 v15, v12  }
0x198: {  	v16 =	vld [tilespmem:s1+$0x10];
	s0 =	sadd.s32 $0x40, s0;
	v13 =	vand.u32 $0xFFFFFC00, v13;
	vm5 =	vmmov vm1;
	vm3 =	vmmov vm2  }
0x199: {  	v8 =	vand.u32 $0x380, v8;
	v9 =	vand.u32 $0x380, v9;
	v14 =	vld [tilespmem:s1+$0xFFFFFFE0];
	p0 =	slt.u32 s0, $0xFC0;
	v10 =	vadd.s32 v13, v10  }
0x19a: {  	v7 =	vand.u32 $0x380, v7;
	s31 =	sadd.s32 $0x40, s31;
	v8 =	vor.u32 v8, v11;
	v9 =	vor.u32 v9, v12;
	v13 =	vld [tilespmem:s1+$0xFFFFFFF0]  }
0x19b: {  	v6 =	vand.u32 $0x7F, v6;
	v4 =	vand.u32 $0x7F, v4;
	v7 =	vor.u32 v7, v10;
	v11 =	vld [tilespmem:s31+$0x10]  }
0x19c: {  	v5 =	vand.u32 $0x7F, v5;
	v8 =	vor.u32 v6, v8;
	v9 =	vor.u32 v4, v9;
	v10 =	vld [tilespmem:s1+$0x0]  }
0x19d: {  	v7 =	vor.u32 v5, v7;
	v4 =	vld [tilespmem:s31+$0xFFFFFFF0];
	v12 =	vsub.s32 v16, v0  }
0x19e: {  	v14 =	vsub.s32 v14, v0;
	v5 =	vld [tilespmem:s31+$0x0];
	vm4 =	vlt.u32 v12, $0x40  }
0x19f: {  	v6 =	vld [tilespmem:s31+$0xFFFFFFE0];
	vm1 =	vlt.u32 v14, $0x40;
	v13 =	vsub.s32 v13, v0;
	v12 =	vnsel vm4, $0x0, v12  }
0x1a0: {  	vm2 =	vlt.u32 v13, $0x40;
	v15 =	vshll.u32 v12, $0xA;
	v16 =	vshll.u32 v11, $0x3  }
0x1a1: {  	v12 =	vshll.u32 v12, $0x7;
	v15 =	vand.u32 $0xFFFFE000, v15;
	v16 =	vand.u32 $0xFFFFFC00, v16;
	[tilespmem:v8+s2+$0x0] =	vst.idx.add.f32.msk vm5, v3  }
0x1a2: {  	v8 =	vsub.s32 v10, v0;
	v12 =	vand.u32 $0x380, v12;
	v10 =	vadd.s32 v16, v15;
	[tilespmem:v9+s2+$0x0] =	vst.idx.add.f32.msk vm3, v3  }
0x1a3: {  	v9 =	vand.u32 $0x7F, v11;
	v10 =	vor.u32 v12, v10;
	[tilespmem:v7+s2+$0x0] =	vst.idx.add.f32.msk vm0, v3;
	vm0 =	vlt.u32 v8, $0x40  }
0x1a4: {  	v7 =	vnsel vm1, $0x0, v14;
	v14 =	vnsel vm2, $0x0, v13;
	v16 =	vor.u32 v9, v10  }
.Ltmp7:
0x1a5: {  	v9 =	vshll.u32 v7, $0xA;
	v10 =	vshll.u32 v14, $0xA;
	v17 =	vnsel vm0, $0x0, v8;
	(pc) =	sbr.rel @p0 .LBB2_16-.Ltmp7, $4  }
0x1a6: {  	v18 =	vshll.u32 v4, $0x3;
	v15 =	vshll.u32 v6, $0x3;
	v19 =	vshll.u32 v17, $0xA  }
0x1a7: {  	v13 =	vshll.u32 v5, $0x3;
	v11 =	vand.u32 $0xFFFFE000, v9;
	v12 =	vand.u32 $0xFFFFE000, v10  }
0x1a8: {  	v8 =	vshll.u32 v7, $0x7;
	v9 =	vshll.u32 v14, $0x7;
	v10 =	vand.u32 $0xFFFFE000, v19  }
0x1a9: {  	s1 =	sadd.s32 $0x40, s1;
	v14 =	vand.u32 $0xFFFFFC00, v15;
	v15 =	vand.u32 $0xFFFFFC00, v18;
	v7 =	vshll.u32 v17, $0x7;
	[tilespmem:v16+s2+$0x0] =	vst.idx.add.f32.msk vm4, v3  }
0x1aa: {  	v11 =	vadd.s32 v14, v11;
	v12 =	vadd.s32 v15, v12  }
0x1ab: {  	v13 =	vand.u32 $0xFFFFFC00, v13;
	vm1 =	vmmov vm1;
	vm2 =	vmmov vm2  }
0x1ac: {  	v8 =	vand.u32 $0x380, v8;
	v9 =	vand.u32 $0x380, v9;
	v6 =	vand.u32 $0x7F, v6  }
0x1ad: {  	v7 =	vand.u32 $0x380, v7;
	v4 =	vand.u32 $0x7F, v4;
	v8 =	vor.u32 v8, v11  }
0x1ae: {  	v10 =	vadd.s32 v13, v10;
	v9 =	vor.u32 v9, v12;
	v6 =	vor.u32 v6, v8  }
0x1af: {  	v5 =	vand.u32 $0x7F, v5;
	v7 =	vor.u32 v7, v10;
	v4 =	vor.u32 v4, v9  }
0x1b0: {  	v5 =	vor.u32 v5, v7;
	_ =	sdelay $0x2  }
0x1b1: {  	[tilespmem:v6+s2+$0x0] =	vst.idx.add.f32.msk vm1, v3  }
0x1b2: {  	[tilespmem:v4+s2+$0x0] =	vst.idx.add.f32.msk vm2, v3  }
0x1b3: {  	[tilespmem:v5+s2+$0x0] =	vst.idx.add.f32.msk vm0, v3  }
0x1b4: {  	_ =	swait.ge [sflag:s28], $0x1000  }
0x1b5: {  	[sflag:s28] =	ssyncset.done $0x0  }
0x1b6: {  	[sflag:s28] =	ssyncadd.s32 $0xFFFFF000  }
0x1b7: {  	_ =	swait.ge [sflag:s28], $0x1000  }
0x1b8: {  	[sflag:s28] =	ssyncset.done $0x0  }
0x1b9: {  	s0 =	simm.s32 $0x13020;
	[sflag:s28] =	ssyncadd.s32 $0xFFFFF000  }
0x1ba: {  	v4 =	vld [tilespmem:s0+$0x10]  }
0x1bb: {  	v5 =	vld [tilespmem:s0+$0xFFFFFFE0]  }
0x1bc: {  	s31 =	simm.s32 $0x11020;
	v6 =	vld [tilespmem:s0+$0xFFFFFFF0]  }
0x1bd: {  	v7 =	vld [tilespmem:s31+$0x10]  }
0x1be: {  	v8 =	vld [tilespmem:s0+$0x0];
	_ =	sdelay $0x1  }
0x1bf: {  	v4 =	vsub.s32 v4, v0  }
0x1c0: {  	v9 =	vsub.s32 v5, v0;
	vm3 =	vlt.u32 v4, $0x40  }
0x1c1: {  	v10 =	vsub.s32 v6, v0;
	v12 =	vshll.u32 v7, $0x3;
	v5 =	vnsel vm3, $0x0, v4  }
0x1c2: {  	v6 =	vld [tilespmem:s31+$0xFFFFFFE0];
	v8 =	vsub.s32 v8, v0;
	v7 =	vand.u32 $0x7F, v7;
	v11 =	vshll.u32 v5, $0xA  }
0x1c3: {  	v12 =	vand.u32 $0xFFFFFC00, v12;
	v13 =	vshll.u32 v5, $0x7;
	v11 =	vand.u32 $0xFFFFE000, v11  }
0x1c4: {  	vm1 =	vlt.u32 v9, $0x40;
	v4 =	vld [tilespmem:s31+$0xFFFFFFF0];
	v11 =	vadd.s32 v12, v11;
	v12 =	vand.u32 $0x380, v13  }
0x1c5: {  	vm2 =	vlt.u32 v10, $0x40;
	vm0 =	vlt.u32 v8, $0x40;
	v11 =	vor.u32 v12, v11  }
0x1c6: {  	v9 =	vnsel vm1, $0x0, v9;
	v17 =	vnsel vm0, $0x0, v8;
	v5 =	vld [tilespmem:s31+$0x0];
	v16 =	vor.u32 v7, v11  }
0x1c7: {  	v10 =	vnsel vm2, $0x0, v10;
	v18 =	vshll.u32 v17, $0xA;
	v14 =	vshll.u32 v6, $0x3  }
0x1c8: {  	v8 =	vshll.u32 v9, $0x7;
	v12 =	vshll.u32 v10, $0xA;
	v14 =	vand.u32 $0xFFFFFC00, v14  }
0x1c9: {  	v7 =	vshll.u32 v9, $0xA;
	v15 =	vshll.u32 v4, $0x3;
	v12 =	vand.u32 $0xFFFFE000, v12  }
0x1ca: {  	v9 =	vshll.u32 v10, $0x7;
	v10 =	vand.u32 $0xFFFFE000, v18;
	v11 =	vand.u32 $0xFFFFE000, v7  }
0x1cb: {  	s1 =	simm.s32 $0x13060;
	s0 =	simm.s32 $0x0;
	v13 =	vshll.u32 v5, $0x3;
	v15 =	vand.u32 $0xFFFFFC00, v15;
	v7 =	vshll.u32 v17, $0x7;
	[tilespmem:v16+s2+$0x0] =	vst.idx.add.f32.msk vm3, v3  }
.LBB2_18:
0x1cc: {  	v11 =	vadd.s32 v14, v11;
	v12 =	vadd.s32 v15, v12  }
0x1cd: {  	v16 =	vld [tilespmem:s1+$0x10];
	s0 =	sadd.s32 $0x40, s0;
	v13 =	vand.u32 $0xFFFFFC00, v13;
	vm5 =	vmmov vm1;
	vm3 =	vmmov vm2  }
0x1ce: {  	v8 =	vand.u32 $0x380, v8;
	v9 =	vand.u32 $0x380, v9;
	v14 =	vld [tilespmem:s1+$0xFFFFFFE0];
	p0 =	slt.u32 s0, $0xFC0;
	v10 =	vadd.s32 v13, v10  }
0x1cf: {  	v7 =	vand.u32 $0x380, v7;
	s31 =	sadd.s32 $0x40, s31;
	v8 =	vor.u32 v8, v11;
	v9 =	vor.u32 v9, v12;
	v13 =	vld [tilespmem:s1+$0xFFFFFFF0]  }
0x1d0: {  	v6 =	vand.u32 $0x7F, v6;
	v4 =	vand.u32 $0x7F, v4;
	v7 =	vor.u32 v7, v10;
	v11 =	vld [tilespmem:s31+$0x10]  }
0x1d1: {  	v5 =	vand.u32 $0x7F, v5;
	v8 =	vor.u32 v6, v8;
	v9 =	vor.u32 v4, v9;
	v10 =	vld [tilespmem:s1+$0x0]  }
0x1d2: {  	v7 =	vor.u32 v5, v7;
	v4 =	vld [tilespmem:s31+$0xFFFFFFF0];
	v12 =	vsub.s32 v16, v0  }
0x1d3: {  	v14 =	vsub.s32 v14, v0;
	v5 =	vld [tilespmem:s31+$0x0];
	vm4 =	vlt.u32 v12, $0x40  }
0x1d4: {  	v6 =	vld [tilespmem:s31+$0xFFFFFFE0];
	vm1 =	vlt.u32 v14, $0x40;
	v13 =	vsub.s32 v13, v0;
	v12 =	vnsel vm4, $0x0, v12  }
0x1d5: {  	vm2 =	vlt.u32 v13, $0x40;
	v15 =	vshll.u32 v12, $0xA;
	v16 =	vshll.u32 v11, $0x3  }
0x1d6: {  	v12 =	vshll.u32 v12, $0x7;
	v15 =	vand.u32 $0xFFFFE000, v15;
	v16 =	vand.u32 $0xFFFFFC00, v16;
	[tilespmem:v8+s2+$0x0] =	vst.idx.add.f32.msk vm5, v3  }
0x1d7: {  	v8 =	vsub.s32 v10, v0;
	v12 =	vand.u32 $0x380, v12;
	v10 =	vadd.s32 v16, v15;
	[tilespmem:v9+s2+$0x0] =	vst.idx.add.f32.msk vm3, v3  }
0x1d8: {  	v9 =	vand.u32 $0x7F, v11;
	v10 =	vor.u32 v12, v10;
	[tilespmem:v7+s2+$0x0] =	vst.idx.add.f32.msk vm0, v3;
	vm0 =	vlt.u32 v8, $0x40  }
0x1d9: {  	v7 =	vnsel vm1, $0x0, v14;
	v14 =	vnsel vm2, $0x0, v13;
	v16 =	vor.u32 v9, v10  }
.Ltmp8:
0x1da: {  	v9 =	vshll.u32 v7, $0xA;
	v10 =	vshll.u32 v14, $0xA;
	v17 =	vnsel vm0, $0x0, v8;
	(pc) =	sbr.rel @p0 .LBB2_18-.Ltmp8, $4  }
0x1db: {  	v18 =	vshll.u32 v4, $0x3;
	v15 =	vshll.u32 v6, $0x3;
	v19 =	vshll.u32 v17, $0xA  }
0x1dc: {  	v13 =	vshll.u32 v5, $0x3;
	v11 =	vand.u32 $0xFFFFE000, v9;
	v12 =	vand.u32 $0xFFFFE000, v10  }
0x1dd: {  	v8 =	vshll.u32 v7, $0x7;
	v9 =	vshll.u32 v14, $0x7;
	v10 =	vand.u32 $0xFFFFE000, v19  }
0x1de: {  	s1 =	sadd.s32 $0x40, s1;
	v14 =	vand.u32 $0xFFFFFC00, v15;
	v15 =	vand.u32 $0xFFFFFC00, v18;
	v7 =	vshll.u32 v17, $0x7;
	[tilespmem:v16+s2+$0x0] =	vst.idx.add.f32.msk vm4, v3  }
0x1df: {  	v11 =	vadd.s32 v14, v11;
	v12 =	vadd.s32 v15, v12  }
0x1e0: {  	v13 =	vand.u32 $0xFFFFFC00, v13;
	vm1 =	vmmov vm1;
	vm2 =	vmmov vm2  }
0x1e1: {  	v8 =	vand.u32 $0x380, v8;
	v9 =	vand.u32 $0x380, v9;
	v6 =	vand.u32 $0x7F, v6  }
0x1e2: {  	v7 =	vand.u32 $0x380, v7;
	v4 =	vand.u32 $0x7F, v4;
	v8 =	vor.u32 v8, v11  }
0x1e3: {  	v10 =	vadd.s32 v13, v10;
	v9 =	vor.u32 v9, v12;
	v6 =	vor.u32 v6, v8  }
0x1e4: {  	v5 =	vand.u32 $0x7F, v5;
	v7 =	vor.u32 v7, v10;
	v4 =	vor.u32 v4, v9  }
0x1e5: {  	v5 =	vor.u32 v5, v7;
	_ =	sdelay $0x2  }
0x1e6: {  	[tilespmem:v6+s2+$0x0] =	vst.idx.add.f32.msk vm1, v3  }
0x1e7: {  	[tilespmem:v4+s2+$0x0] =	vst.idx.add.f32.msk vm2, v3  }
0x1e8: {  	[tilespmem:v5+s2+$0x0] =	vst.idx.add.f32.msk vm0, v3  }
0x1e9: {  	s0 =	simm.s32 $0x0;
	s1 =	rddreg [dreg:$0x4]  }
0x1ea: {  	[hbm4b:s1+s0] =	stream.linear.scatter [tilespmem:s0], [sflag:$0x3], $0x10000, $0x38;
	[tilespmem:$0x14000] =	vst v63  }
0x1eb: {  	s1 =	simm.s32 $0x0;
	_ =	swait.ge [sflag:s29], $0x10000  }
0x1ec: {  	s19 =	sand.u32 $0x1C00, s0;
	s4 =	sand.u32 $0xE000, s1;
	[sflag:s29] =	ssyncset.done $0x0  }
0x1ed: {  	s20 =	sand.u32 $0x380, s0;
	s4 =	sor.u32 s19, s4;
	[sflag:s29] =	ssyncadd.s32 $0xFFFF0000  }
0x1ee: {  	[tilespmem:s22], [sflag:$0x1] =	stream.linear.gather [hbm4b:s3+s0], $0x1000, $0x38;
	[tilespmem:$0x14000] =	vst v63  }
0x1ef: {  	s21 =	rddreg [dreg:$0x3];
	s31 =	sor.u32 s20, s4  }
0x1f0: {  	[tilespmem:s23], [sflag:$0x1] =	stream.linear.gather [hbm4b:s21+s0], $0x1000, $0x38;
	[tilespmem:$0x14000] =	vst v63  }
0x1f1: {  	[tilespmem:s31+$0x70] =	vst v2  }
0x1f2: {  	[tilespmem:s31+$0x0] =	vst v2  }
0x1f3: {  	[tilespmem:s31+$0x10] =	vst v2  }
0x1f4: {  	s19 =	simm.s32 $0x0;
	[tilespmem:s31+$0x20] =	vst v2  }
.LBB2_20:
0x1f5: {  	s1 =	sadd.s32 $0x80, s1;
	[tilespmem:s31+$0x30] =	vst v2;
	s0 =	sadd.s32 $0x400, s0  }
0x1f6: {  	s19 =	sadd.s32 $0x10, s19;
	s4 =	sand.u32 $0xE000, s1;
	s20 =	sand.u32 $0x1C00, s0;
	[tilespmem:s31+$0x40] =	vst v2  }
0x1f7: {  	s21 =	sand.u32 $0x380, s19;
	p0 =	slt.u32 s1, $0xFF80;
	s4 =	sor.u32 s20, s4;
	[tilespmem:s31+$0x50] =	vst v2  }
.Ltmp9:
0x1f8: {  	[tilespmem:s31+$0x60] =	vst v2;
	s31 =	sor.u32 s21, s4;
	(pc) =	sbr.rel @p0 .LBB2_20-.Ltmp9, $4  }
0x1f9: {  	[tilespmem:s31+$0x70] =	vst v2  }
0x1fa: {  	[tilespmem:s31+$0x0] =	vst v2  }
0x1fb: {  	[tilespmem:s31+$0x10] =	vst v2  }
0x1fc: {  	[tilespmem:s31+$0x20] =	vst v2  }
0x1fd: {  	[tilespmem:s31+$0x30] =	vst v2  }
0x1fe: {  	[tilespmem:s31+$0x40] =	vst v2  }
0x1ff: {  	[tilespmem:s31+$0x50] =	vst v2  }
0x200: {  	[tilespmem:s31+$0x60] =	vst v2  }
0x201: {  	_ =	swait.ge [sflag:s24], $0x1000  }
0x202: {  	[sflag:s24] =	ssyncset.done $0x0  }
0x203: {  	[sflag:s24] =	ssyncadd.s32 $0xFFFFF000  }
0x204: {  	_ =	swait.ge [sflag:s24], $0x1000  }
0x205: {  	[sflag:s24] =	ssyncset.done $0x0  }
0x206: {  	[sflag:s24] =	ssyncadd.s32 $0xFFFFF000  }
0x207: {  	[tilespmem:s25], [sflag:$0x2] =	stream.linear.gather [hbm4b:s5+s2], $0x1000, $0x38;
	[tilespmem:$0x14000] =	vst v63  }
0x208: {  	s0 =	simm.s32 $0x12020  }
0x209: {  	[tilespmem:s26], [sflag:$0x2] =	stream.linear.gather [hbm4b:s6+s2], $0x1000, $0x38;
	[tilespmem:$0x14000] =	vst v63  }
0x20a: {  	v4 =	vld [tilespmem:s0+$0x10]  }
0x20b: {  	v5 =	vld [tilespmem:s0+$0xFFFFFFE0]  }
0x20c: {  	s31 =	simm.s32 $0x10020;
	v6 =	vld [tilespmem:s0+$0xFFFFFFF0]  }
0x20d: {  	v7 =	vld [tilespmem:s31+$0x10]  }
0x20e: {  	v8 =	vld [tilespmem:s0+$0x0];
	_ =	sdelay $0x1  }
0x20f: {  	v4 =	vsub.s32 v4, v1  }
0x210: {  	v9 =	vsub.s32 v5, v1;
	vm3 =	vlt.u32 v4, $0x40  }
0x211: {  	v10 =	vsub.s32 v6, v1;
	v12 =	vshll.u32 v7, $0x3;
	v5 =	vnsel vm3, $0x0, v4  }
0x212: {  	v6 =	vld [tilespmem:s31+$0xFFFFFFE0];
	v8 =	vsub.s32 v8, v1;
	v7 =	vand.u32 $0x7F, v7;
	v11 =	vshll.u32 v5, $0xA  }
0x213: {  	v12 =	vand.u32 $0xFFFFFC00, v12;
	v13 =	vshll.u32 v5, $0x7;
	v11 =	vand.u32 $0xFFFFE000, v11  }
0x214: {  	vm1 =	vlt.u32 v9, $0x40;
	v4 =	vld [tilespmem:s31+$0xFFFFFFF0];
	v11 =	vadd.s32 v12, v11;
	v12 =	vand.u32 $0x380, v13  }
0x215: {  	vm2 =	vlt.u32 v10, $0x40;
	vm0 =	vlt.u32 v8, $0x40;
	v11 =	vor.u32 v12, v11  }
0x216: {  	v9 =	vnsel vm1, $0x0, v9;
	v17 =	vnsel vm0, $0x0, v8;
	v5 =	vld [tilespmem:s31+$0x0];
	v16 =	vor.u32 v7, v11  }
0x217: {  	v10 =	vnsel vm2, $0x0, v10;
	v18 =	vshll.u32 v17, $0xA;
	v14 =	vshll.u32 v6, $0x3  }
0x218: {  	v8 =	vshll.u32 v9, $0x7;
	v12 =	vshll.u32 v10, $0xA;
	v14 =	vand.u32 $0xFFFFFC00, v14  }
0x219: {  	v7 =	vshll.u32 v9, $0xA;
	v15 =	vshll.u32 v4, $0x3;
	v12 =	vand.u32 $0xFFFFE000, v12  }
0x21a: {  	v9 =	vshll.u32 v10, $0x7;
	v10 =	vand.u32 $0xFFFFE000, v18;
	v11 =	vand.u32 $0xFFFFE000, v7  }
0x21b: {  	s1 =	simm.s32 $0x12060;
	s0 =	simm.s32 $0x0;
	v13 =	vshll.u32 v5, $0x3;
	v15 =	vand.u32 $0xFFFFFC00, v15;
	v7 =	vshll.u32 v17, $0x7;
	[tilespmem:v16+s2+$0x0] =	vst.idx.add.f32.msk vm3, v3  }
.LBB2_22:
0x21c: {  	v11 =	vadd.s32 v14, v11;
	v12 =	vadd.s32 v15, v12  }
0x21d: {  	v16 =	vld [tilespmem:s1+$0x10];
	s0 =	sadd.s32 $0x40, s0;
	v13 =	vand.u32 $0xFFFFFC00, v13;
	vm5 =	vmmov vm1;
	vm3 =	vmmov vm2  }
0x21e: {  	v8 =	vand.u32 $0x380, v8;
	v9 =	vand.u32 $0x380, v9;
	v14 =	vld [tilespmem:s1+$0xFFFFFFE0];
	p0 =	slt.u32 s0, $0xFC0;
	v10 =	vadd.s32 v13, v10  }
0x21f: {  	v7 =	vand.u32 $0x380, v7;
	s31 =	sadd.s32 $0x40, s31;
	v8 =	vor.u32 v8, v11;
	v9 =	vor.u32 v9, v12;
	v13 =	vld [tilespmem:s1+$0xFFFFFFF0]  }
0x220: {  	v6 =	vand.u32 $0x7F, v6;
	v4 =	vand.u32 $0x7F, v4;
	v7 =	vor.u32 v7, v10;
	v11 =	vld [tilespmem:s31+$0x10]  }
0x221: {  	v5 =	vand.u32 $0x7F, v5;
	v8 =	vor.u32 v6, v8;
	v9 =	vor.u32 v4, v9;
	v10 =	vld [tilespmem:s1+$0x0]  }
0x222: {  	v7 =	vor.u32 v5, v7;
	v4 =	vld [tilespmem:s31+$0xFFFFFFF0];
	v12 =	vsub.s32 v16, v1  }
0x223: {  	v14 =	vsub.s32 v14, v1;
	v5 =	vld [tilespmem:s31+$0x0];
	vm4 =	vlt.u32 v12, $0x40  }
0x224: {  	v6 =	vld [tilespmem:s31+$0xFFFFFFE0];
	vm1 =	vlt.u32 v14, $0x40;
	v13 =	vsub.s32 v13, v1;
	v12 =	vnsel vm4, $0x0, v12  }
0x225: {  	vm2 =	vlt.u32 v13, $0x40;
	v15 =	vshll.u32 v12, $0xA;
	v16 =	vshll.u32 v11, $0x3  }
0x226: {  	v12 =	vshll.u32 v12, $0x7;
	v15 =	vand.u32 $0xFFFFE000, v15;
	v16 =	vand.u32 $0xFFFFFC00, v16;
	[tilespmem:v8+s2+$0x0] =	vst.idx.add.f32.msk vm5, v3  }
0x227: {  	v8 =	vsub.s32 v10, v1;
	v12 =	vand.u32 $0x380, v12;
	v10 =	vadd.s32 v16, v15;
	[tilespmem:v9+s2+$0x0] =	vst.idx.add.f32.msk vm3, v3  }
0x228: {  	v9 =	vand.u32 $0x7F, v11;
	v10 =	vor.u32 v12, v10;
	[tilespmem:v7+s2+$0x0] =	vst.idx.add.f32.msk vm0, v3;
	vm0 =	vlt.u32 v8, $0x40  }
0x229: {  	v7 =	vnsel vm1, $0x0, v14;
	v14 =	vnsel vm2, $0x0, v13;
	v16 =	vor.u32 v9, v10  }
.Ltmp10:
0x22a: {  	v9 =	vshll.u32 v7, $0xA;
	v10 =	vshll.u32 v14, $0xA;
	v17 =	vnsel vm0, $0x0, v8;
	(pc) =	sbr.rel @p0 .LBB2_22-.Ltmp10, $4  }
0x22b: {  	v18 =	vshll.u32 v4, $0x3;
	v15 =	vshll.u32 v6, $0x3;
	v19 =	vshll.u32 v17, $0xA  }
0x22c: {  	v13 =	vshll.u32 v5, $0x3;
	v11 =	vand.u32 $0xFFFFE000, v9;
	v12 =	vand.u32 $0xFFFFE000, v10  }
0x22d: {  	v8 =	vshll.u32 v7, $0x7;
	v9 =	vshll.u32 v14, $0x7;
	v10 =	vand.u32 $0xFFFFE000, v19  }
0x22e: {  	s1 =	sadd.s32 $0x40, s1;
	v14 =	vand.u32 $0xFFFFFC00, v15;
	v15 =	vand.u32 $0xFFFFFC00, v18;
	v7 =	vshll.u32 v17, $0x7;
	[tilespmem:v16+s2+$0x0] =	vst.idx.add.f32.msk vm4, v3  }
0x22f: {  	v11 =	vadd.s32 v14, v11;
	v12 =	vadd.s32 v15, v12  }
0x230: {  	v13 =	vand.u32 $0xFFFFFC00, v13;
	vm1 =	vmmov vm1;
	vm2 =	vmmov vm2  }
0x231: {  	v8 =	vand.u32 $0x380, v8;
	v9 =	vand.u32 $0x380, v9;
	v6 =	vand.u32 $0x7F, v6  }
0x232: {  	v7 =	vand.u32 $0x380, v7;
	v4 =	vand.u32 $0x7F, v4;
	v8 =	vor.u32 v8, v11  }
0x233: {  	v10 =	vadd.s32 v13, v10;
	v9 =	vor.u32 v9, v12;
	v6 =	vor.u32 v6, v8  }
0x234: {  	v5 =	vand.u32 $0x7F, v5;
	v7 =	vor.u32 v7, v10;
	v4 =	vor.u32 v4, v9  }
0x235: {  	v5 =	vor.u32 v5, v7;
	_ =	sdelay $0x2  }
0x236: {  	[tilespmem:v6+s2+$0x0] =	vst.idx.add.f32.msk vm1, v3  }
0x237: {  	[tilespmem:v4+s2+$0x0] =	vst.idx.add.f32.msk vm2, v3  }
0x238: {  	[tilespmem:v5+s2+$0x0] =	vst.idx.add.f32.msk vm0, v3  }
0x239: {  	_ =	swait.ge [sflag:s28], $0x1000  }
0x23a: {  	[sflag:s28] =	ssyncset.done $0x0  }
0x23b: {  	[sflag:s28] =	ssyncadd.s32 $0xFFFFF000  }
0x23c: {  	_ =	swait.ge [sflag:s28], $0x1000  }
0x23d: {  	[sflag:s28] =	ssyncset.done $0x0  }
0x23e: {  	[sflag:s28] =	ssyncadd.s32 $0xFFFFF000  }
0x23f: {  	[tilespmem:s22], [sflag:$0x1] =	stream.linear.gather [hbm4b:s7+s2], $0x1000, $0x38;
	[tilespmem:$0x14000] =	vst v63  }
0x240: {  	s0 =	simm.s32 $0x13020  }
0x241: {  	[tilespmem:s23], [sflag:$0x1] =	stream.linear.gather [hbm4b:s8+s2], $0x1000, $0x38;
	[tilespmem:$0x14000] =	vst v63  }
0x242: {  	v4 =	vld [tilespmem:s0+$0x10]  }
0x243: {  	v5 =	vld [tilespmem:s0+$0xFFFFFFE0]  }
0x244: {  	s31 =	simm.s32 $0x11020;
	v6 =	vld [tilespmem:s0+$0xFFFFFFF0]  }
0x245: {  	v7 =	vld [tilespmem:s31+$0x10]  }
0x246: {  	v8 =	vld [tilespmem:s0+$0x0];
	_ =	sdelay $0x1  }
0x247: {  	v4 =	vsub.s32 v4, v1  }
0x248: {  	v9 =	vsub.s32 v5, v1;
	vm3 =	vlt.u32 v4, $0x40  }
0x249: {  	v10 =	vsub.s32 v6, v1;
	v12 =	vshll.u32 v7, $0x3;
	v5 =	vnsel vm3, $0x0, v4  }
0x24a: {  	v6 =	vld [tilespmem:s31+$0xFFFFFFE0];
	v8 =	vsub.s32 v8, v1;
	v7 =	vand.u32 $0x7F, v7;
	v11 =	vshll.u32 v5, $0xA  }
0x24b: {  	v12 =	vand.u32 $0xFFFFFC00, v12;
	v13 =	vshll.u32 v5, $0x7;
	v11 =	vand.u32 $0xFFFFE000, v11  }
0x24c: {  	vm1 =	vlt.u32 v9, $0x40;
	v4 =	vld [tilespmem:s31+$0xFFFFFFF0];
	v11 =	vadd.s32 v12, v11;
	v12 =	vand.u32 $0x380, v13  }
0x24d: {  	vm2 =	vlt.u32 v10, $0x40;
	vm0 =	vlt.u32 v8, $0x40;
	v11 =	vor.u32 v12, v11  }
0x24e: {  	v9 =	vnsel vm1, $0x0, v9;
	v17 =	vnsel vm0, $0x0, v8;
	v5 =	vld [tilespmem:s31+$0x0];
	v16 =	vor.u32 v7, v11  }
0x24f: {  	v10 =	vnsel vm2, $0x0, v10;
	v18 =	vshll.u32 v17, $0xA;
	v14 =	vshll.u32 v6, $0x3  }
0x250: {  	v8 =	vshll.u32 v9, $0x7;
	v12 =	vshll.u32 v10, $0xA;
	v14 =	vand.u32 $0xFFFFFC00, v14  }
0x251: {  	v7 =	vshll.u32 v9, $0xA;
	v15 =	vshll.u32 v4, $0x3;
	v12 =	vand.u32 $0xFFFFE000, v12  }
0x252: {  	v9 =	vshll.u32 v10, $0x7;
	v10 =	vand.u32 $0xFFFFE000, v18;
	v11 =	vand.u32 $0xFFFFE000, v7  }
0x253: {  	s1 =	simm.s32 $0x13060;
	s0 =	simm.s32 $0x0;
	v13 =	vshll.u32 v5, $0x3;
	v15 =	vand.u32 $0xFFFFFC00, v15;
	v7 =	vshll.u32 v17, $0x7;
	[tilespmem:v16+s2+$0x0] =	vst.idx.add.f32.msk vm3, v3  }
.LBB2_24:
0x254: {  	v11 =	vadd.s32 v14, v11;
	v12 =	vadd.s32 v15, v12  }
0x255: {  	v16 =	vld [tilespmem:s1+$0x10];
	s0 =	sadd.s32 $0x40, s0;
	v13 =	vand.u32 $0xFFFFFC00, v13;
	vm5 =	vmmov vm1;
	vm3 =	vmmov vm2  }
0x256: {  	v8 =	vand.u32 $0x380, v8;
	v9 =	vand.u32 $0x380, v9;
	v14 =	vld [tilespmem:s1+$0xFFFFFFE0];
	p0 =	slt.u32 s0, $0xFC0;
	v10 =	vadd.s32 v13, v10  }
0x257: {  	v7 =	vand.u32 $0x380, v7;
	s31 =	sadd.s32 $0x40, s31;
	v8 =	vor.u32 v8, v11;
	v9 =	vor.u32 v9, v12;
	v13 =	vld [tilespmem:s1+$0xFFFFFFF0]  }
0x258: {  	v6 =	vand.u32 $0x7F, v6;
	v4 =	vand.u32 $0x7F, v4;
	v7 =	vor.u32 v7, v10;
	v11 =	vld [tilespmem:s31+$0x10]  }
0x259: {  	v5 =	vand.u32 $0x7F, v5;
	v8 =	vor.u32 v6, v8;
	v9 =	vor.u32 v4, v9;
	v10 =	vld [tilespmem:s1+$0x0]  }
0x25a: {  	v7 =	vor.u32 v5, v7;
	v4 =	vld [tilespmem:s31+$0xFFFFFFF0];
	v12 =	vsub.s32 v16, v1  }
0x25b: {  	v14 =	vsub.s32 v14, v1;
	v5 =	vld [tilespmem:s31+$0x0];
	vm4 =	vlt.u32 v12, $0x40  }
0x25c: {  	v6 =	vld [tilespmem:s31+$0xFFFFFFE0];
	vm1 =	vlt.u32 v14, $0x40;
	v13 =	vsub.s32 v13, v1;
	v12 =	vnsel vm4, $0x0, v12  }
0x25d: {  	vm2 =	vlt.u32 v13, $0x40;
	v15 =	vshll.u32 v12, $0xA;
	v16 =	vshll.u32 v11, $0x3  }
0x25e: {  	v12 =	vshll.u32 v12, $0x7;
	v15 =	vand.u32 $0xFFFFE000, v15;
	v16 =	vand.u32 $0xFFFFFC00, v16;
	[tilespmem:v8+s2+$0x0] =	vst.idx.add.f32.msk vm5, v3  }
0x25f: {  	v8 =	vsub.s32 v10, v1;
	v12 =	vand.u32 $0x380, v12;
	v10 =	vadd.s32 v16, v15;
	[tilespmem:v9+s2+$0x0] =	vst.idx.add.f32.msk vm3, v3  }
0x260: {  	v9 =	vand.u32 $0x7F, v11;
	v10 =	vor.u32 v12, v10;
	[tilespmem:v7+s2+$0x0] =	vst.idx.add.f32.msk vm0, v3;
	vm0 =	vlt.u32 v8, $0x40  }
0x261: {  	v7 =	vnsel vm1, $0x0, v14;
	v14 =	vnsel vm2, $0x0, v13;
	v16 =	vor.u32 v9, v10  }
.Ltmp11:
0x262: {  	v9 =	vshll.u32 v7, $0xA;
	v10 =	vshll.u32 v14, $0xA;
	v17 =	vnsel vm0, $0x0, v8;
	(pc) =	sbr.rel @p0 .LBB2_24-.Ltmp11, $4  }
0x263: {  	v18 =	vshll.u32 v4, $0x3;
	v15 =	vshll.u32 v6, $0x3;
	v19 =	vshll.u32 v17, $0xA  }
0x264: {  	v13 =	vshll.u32 v5, $0x3;
	v11 =	vand.u32 $0xFFFFE000, v9;
	v12 =	vand.u32 $0xFFFFE000, v10  }
0x265: {  	v8 =	vshll.u32 v7, $0x7;
	v9 =	vshll.u32 v14, $0x7;
	v10 =	vand.u32 $0xFFFFE000, v19  }
0x266: {  	s1 =	sadd.s32 $0x40, s1;
	v14 =	vand.u32 $0xFFFFFC00, v15;
	v15 =	vand.u32 $0xFFFFFC00, v18;
	v7 =	vshll.u32 v17, $0x7;
	[tilespmem:v16+s2+$0x0] =	vst.idx.add.f32.msk vm4, v3  }
0x267: {  	v11 =	vadd.s32 v14, v11;
	v12 =	vadd.s32 v15, v12  }
0x268: {  	v13 =	vand.u32 $0xFFFFFC00, v13;
	vm1 =	vmmov vm1;
	vm2 =	vmmov vm2  }
0x269: {  	v8 =	vand.u32 $0x380, v8;
	v9 =	vand.u32 $0x380, v9;
	v6 =	vand.u32 $0x7F, v6  }
0x26a: {  	v7 =	vand.u32 $0x380, v7;
	v4 =	vand.u32 $0x7F, v4;
	v8 =	vor.u32 v8, v11  }
0x26b: {  	v10 =	vadd.s32 v13, v10;
	v9 =	vor.u32 v9, v12;
	v6 =	vor.u32 v6, v8  }
0x26c: {  	v5 =	vand.u32 $0x7F, v5;
	v7 =	vor.u32 v7, v10;
	v4 =	vor.u32 v4, v9  }
0x26d: {  	v5 =	vor.u32 v5, v7;
	_ =	sdelay $0x2  }
0x26e: {  	[tilespmem:v6+s2+$0x0] =	vst.idx.add.f32.msk vm1, v3  }
0x26f: {  	[tilespmem:v4+s2+$0x0] =	vst.idx.add.f32.msk vm2, v3  }
0x270: {  	[tilespmem:v5+s2+$0x0] =	vst.idx.add.f32.msk vm0, v3  }
0x271: {  	_ =	swait.ge [sflag:s24], $0x1000  }
0x272: {  	[sflag:s24] =	ssyncset.done $0x0  }
0x273: {  	[sflag:s24] =	ssyncadd.s32 $0xFFFFF000  }
0x274: {  	_ =	swait.ge [sflag:s24], $0x1000  }
0x275: {  	[sflag:s24] =	ssyncset.done $0x0  }
0x276: {  	[sflag:s24] =	ssyncadd.s32 $0xFFFFF000  }
0x277: {  	[tilespmem:s25], [sflag:$0x2] =	stream.linear.gather [hbm4b:s9+s2], $0x1000, $0x38;
	[tilespmem:$0x14000] =	vst v63  }
0x278: {  	s0 =	simm.s32 $0x12020  }
0x279: {  	[tilespmem:s26], [sflag:$0x2] =	stream.linear.gather [hbm4b:s10+s2], $0x1000, $0x38;
	[tilespmem:$0x14000] =	vst v63  }
0x27a: {  	v4 =	vld [tilespmem:s0+$0x10]  }
0x27b: {  	v5 =	vld [tilespmem:s0+$0xFFFFFFE0]  }
0x27c: {  	s31 =	simm.s32 $0x10020;
	v6 =	vld [tilespmem:s0+$0xFFFFFFF0]  }
0x27d: {  	v7 =	vld [tilespmem:s31+$0x10]  }
0x27e: {  	v8 =	vld [tilespmem:s0+$0x0];
	_ =	sdelay $0x1  }
0x27f: {  	v4 =	vsub.s32 v4, v1  }
0x280: {  	v9 =	vsub.s32 v5, v1;
	vm3 =	vlt.u32 v4, $0x40  }
0x281: {  	v10 =	vsub.s32 v6, v1;
	v12 =	vshll.u32 v7, $0x3;
	v5 =	vnsel vm3, $0x0, v4  }
0x282: {  	v6 =	vld [tilespmem:s31+$0xFFFFFFE0];
	v8 =	vsub.s32 v8, v1;
	v7 =	vand.u32 $0x7F, v7;
	v11 =	vshll.u32 v5, $0xA  }
0x283: {  	v12 =	vand.u32 $0xFFFFFC00, v12;
	v13 =	vshll.u32 v5, $0x7;
	v11 =	vand.u32 $0xFFFFE000, v11  }
0x284: {  	vm1 =	vlt.u32 v9, $0x40;
	v4 =	vld [tilespmem:s31+$0xFFFFFFF0];
	v11 =	vadd.s32 v12, v11;
	v12 =	vand.u32 $0x380, v13  }
0x285: {  	vm2 =	vlt.u32 v10, $0x40;
	vm0 =	vlt.u32 v8, $0x40;
	v11 =	vor.u32 v12, v11  }
0x286: {  	v9 =	vnsel vm1, $0x0, v9;
	v17 =	vnsel vm0, $0x0, v8;
	v5 =	vld [tilespmem:s31+$0x0];
	v16 =	vor.u32 v7, v11  }
0x287: {  	v10 =	vnsel vm2, $0x0, v10;
	v18 =	vshll.u32 v17, $0xA;
	v14 =	vshll.u32 v6, $0x3  }
0x288: {  	v8 =	vshll.u32 v9, $0x7;
	v12 =	vshll.u32 v10, $0xA;
	v14 =	vand.u32 $0xFFFFFC00, v14  }
0x289: {  	v7 =	vshll.u32 v9, $0xA;
	v15 =	vshll.u32 v4, $0x3;
	v12 =	vand.u32 $0xFFFFE000, v12  }
0x28a: {  	v9 =	vshll.u32 v10, $0x7;
	v10 =	vand.u32 $0xFFFFE000, v18;
	v11 =	vand.u32 $0xFFFFE000, v7  }
0x28b: {  	s1 =	simm.s32 $0x12060;
	s0 =	simm.s32 $0x0;
	v13 =	vshll.u32 v5, $0x3;
	v15 =	vand.u32 $0xFFFFFC00, v15;
	v7 =	vshll.u32 v17, $0x7;
	[tilespmem:v16+s2+$0x0] =	vst.idx.add.f32.msk vm3, v3  }
.LBB2_26:
0x28c: {  	v11 =	vadd.s32 v14, v11;
	v12 =	vadd.s32 v15, v12  }
0x28d: {  	v16 =	vld [tilespmem:s1+$0x10];
	s0 =	sadd.s32 $0x40, s0;
	v13 =	vand.u32 $0xFFFFFC00, v13;
	vm5 =	vmmov vm1;
	vm3 =	vmmov vm2  }
0x28e: {  	v8 =	vand.u32 $0x380, v8;
	v9 =	vand.u32 $0x380, v9;
	v14 =	vld [tilespmem:s1+$0xFFFFFFE0];
	p0 =	slt.u32 s0, $0xFC0;
	v10 =	vadd.s32 v13, v10  }
0x28f: {  	v7 =	vand.u32 $0x380, v7;
	s31 =	sadd.s32 $0x40, s31;
	v8 =	vor.u32 v8, v11;
	v9 =	vor.u32 v9, v12;
	v13 =	vld [tilespmem:s1+$0xFFFFFFF0]  }
0x290: {  	v6 =	vand.u32 $0x7F, v6;
	v4 =	vand.u32 $0x7F, v4;
	v7 =	vor.u32 v7, v10;
	v11 =	vld [tilespmem:s31+$0x10]  }
0x291: {  	v5 =	vand.u32 $0x7F, v5;
	v8 =	vor.u32 v6, v8;
	v9 =	vor.u32 v4, v9;
	v10 =	vld [tilespmem:s1+$0x0]  }
0x292: {  	v7 =	vor.u32 v5, v7;
	v4 =	vld [tilespmem:s31+$0xFFFFFFF0];
	v12 =	vsub.s32 v16, v1  }
0x293: {  	v14 =	vsub.s32 v14, v1;
	v5 =	vld [tilespmem:s31+$0x0];
	vm4 =	vlt.u32 v12, $0x40  }
0x294: {  	v6 =	vld [tilespmem:s31+$0xFFFFFFE0];
	vm1 =	vlt.u32 v14, $0x40;
	v13 =	vsub.s32 v13, v1;
	v12 =	vnsel vm4, $0x0, v12  }
0x295: {  	vm2 =	vlt.u32 v13, $0x40;
	v15 =	vshll.u32 v12, $0xA;
	v16 =	vshll.u32 v11, $0x3  }
0x296: {  	v12 =	vshll.u32 v12, $0x7;
	v15 =	vand.u32 $0xFFFFE000, v15;
	v16 =	vand.u32 $0xFFFFFC00, v16;
	[tilespmem:v8+s2+$0x0] =	vst.idx.add.f32.msk vm5, v3  }
0x297: {  	v8 =	vsub.s32 v10, v1;
	v12 =	vand.u32 $0x380, v12;
	v10 =	vadd.s32 v16, v15;
	[tilespmem:v9+s2+$0x0] =	vst.idx.add.f32.msk vm3, v3  }
0x298: {  	v9 =	vand.u32 $0x7F, v11;
	v10 =	vor.u32 v12, v10;
	[tilespmem:v7+s2+$0x0] =	vst.idx.add.f32.msk vm0, v3;
	vm0 =	vlt.u32 v8, $0x40  }
0x299: {  	v7 =	vnsel vm1, $0x0, v14;
	v14 =	vnsel vm2, $0x0, v13;
	v16 =	vor.u32 v9, v10  }
.Ltmp12:
0x29a: {  	v9 =	vshll.u32 v7, $0xA;
	v10 =	vshll.u32 v14, $0xA;
	v17 =	vnsel vm0, $0x0, v8;
	(pc) =	sbr.rel @p0 .LBB2_26-.Ltmp12, $4  }
0x29b: {  	v18 =	vshll.u32 v4, $0x3;
	v15 =	vshll.u32 v6, $0x3;
	v19 =	vshll.u32 v17, $0xA  }
0x29c: {  	v13 =	vshll.u32 v5, $0x3;
	v11 =	vand.u32 $0xFFFFE000, v9;
	v12 =	vand.u32 $0xFFFFE000, v10  }
0x29d: {  	v8 =	vshll.u32 v7, $0x7;
	v9 =	vshll.u32 v14, $0x7;
	v10 =	vand.u32 $0xFFFFE000, v19  }
0x29e: {  	s1 =	sadd.s32 $0x40, s1;
	v14 =	vand.u32 $0xFFFFFC00, v15;
	v15 =	vand.u32 $0xFFFFFC00, v18;
	v7 =	vshll.u32 v17, $0x7;
	[tilespmem:v16+s2+$0x0] =	vst.idx.add.f32.msk vm4, v3  }
0x29f: {  	v11 =	vadd.s32 v14, v11;
	v12 =	vadd.s32 v15, v12  }
0x2a0: {  	v13 =	vand.u32 $0xFFFFFC00, v13;
	vm1 =	vmmov vm1;
	vm2 =	vmmov vm2  }
0x2a1: {  	v8 =	vand.u32 $0x380, v8;
	v9 =	vand.u32 $0x380, v9;
	v6 =	vand.u32 $0x7F, v6  }
0x2a2: {  	v7 =	vand.u32 $0x380, v7;
	v4 =	vand.u32 $0x7F, v4;
	v8 =	vor.u32 v8, v11  }
0x2a3: {  	v10 =	vadd.s32 v13, v10;
	v9 =	vor.u32 v9, v12;
	v6 =	vor.u32 v6, v8  }
0x2a4: {  	v5 =	vand.u32 $0x7F, v5;
	v7 =	vor.u32 v7, v10;
	v4 =	vor.u32 v4, v9  }
0x2a5: {  	v5 =	vor.u32 v5, v7;
	_ =	sdelay $0x2  }
0x2a6: {  	[tilespmem:v6+s2+$0x0] =	vst.idx.add.f32.msk vm1, v3  }
0x2a7: {  	[tilespmem:v4+s2+$0x0] =	vst.idx.add.f32.msk vm2, v3  }
0x2a8: {  	[tilespmem:v5+s2+$0x0] =	vst.idx.add.f32.msk vm0, v3  }
0x2a9: {  	_ =	swait.ge [sflag:s28], $0x1000  }
0x2aa: {  	[sflag:s28] =	ssyncset.done $0x0  }
0x2ab: {  	[sflag:s28] =	ssyncadd.s32 $0xFFFFF000  }
0x2ac: {  	_ =	swait.ge [sflag:s28], $0x1000  }
0x2ad: {  	[sflag:s28] =	ssyncset.done $0x0  }
0x2ae: {  	[sflag:s28] =	ssyncadd.s32 $0xFFFFF000  }
0x2af: {  	[tilespmem:s22], [sflag:$0x1] =	stream.linear.gather [hbm4b:s11+s2], $0x1000, $0x38;
	[tilespmem:$0x14000] =	vst v63  }
0x2b0: {  	s0 =	simm.s32 $0x13020  }
0x2b1: {  	[tilespmem:s23], [sflag:$0x1] =	stream.linear.gather [hbm4b:s12+s2], $0x1000, $0x38;
	[tilespmem:$0x14000] =	vst v63  }
0x2b2: {  	v4 =	vld [tilespmem:s0+$0x10]  }
0x2b3: {  	v5 =	vld [tilespmem:s0+$0xFFFFFFE0]  }
0x2b4: {  	s31 =	simm.s32 $0x11020;
	v6 =	vld [tilespmem:s0+$0xFFFFFFF0]  }
0x2b5: {  	v7 =	vld [tilespmem:s31+$0x10]  }
0x2b6: {  	v8 =	vld [tilespmem:s0+$0x0];
	_ =	sdelay $0x1  }
0x2b7: {  	v4 =	vsub.s32 v4, v1  }
0x2b8: {  	v9 =	vsub.s32 v5, v1;
	vm3 =	vlt.u32 v4, $0x40  }
0x2b9: {  	v10 =	vsub.s32 v6, v1;
	v12 =	vshll.u32 v7, $0x3;
	v5 =	vnsel vm3, $0x0, v4  }
0x2ba: {  	v6 =	vld [tilespmem:s31+$0xFFFFFFE0];
	v8 =	vsub.s32 v8, v1;
	v7 =	vand.u32 $0x7F, v7;
	v11 =	vshll.u32 v5, $0xA  }
0x2bb: {  	v12 =	vand.u32 $0xFFFFFC00, v12;
	v13 =	vshll.u32 v5, $0x7;
	v11 =	vand.u32 $0xFFFFE000, v11  }
0x2bc: {  	vm1 =	vlt.u32 v9, $0x40;
	v4 =	vld [tilespmem:s31+$0xFFFFFFF0];
	v11 =	vadd.s32 v12, v11;
	v12 =	vand.u32 $0x380, v13  }
0x2bd: {  	vm2 =	vlt.u32 v10, $0x40;
	vm0 =	vlt.u32 v8, $0x40;
	v11 =	vor.u32 v12, v11  }
0x2be: {  	v9 =	vnsel vm1, $0x0, v9;
	v17 =	vnsel vm0, $0x0, v8;
	v5 =	vld [tilespmem:s31+$0x0];
	v16 =	vor.u32 v7, v11  }
0x2bf: {  	v10 =	vnsel vm2, $0x0, v10;
	v18 =	vshll.u32 v17, $0xA;
	v14 =	vshll.u32 v6, $0x3  }
0x2c0: {  	v8 =	vshll.u32 v9, $0x7;
	v12 =	vshll.u32 v10, $0xA;
	v14 =	vand.u32 $0xFFFFFC00, v14  }
0x2c1: {  	v7 =	vshll.u32 v9, $0xA;
	v15 =	vshll.u32 v4, $0x3;
	v12 =	vand.u32 $0xFFFFE000, v12  }
0x2c2: {  	v9 =	vshll.u32 v10, $0x7;
	v10 =	vand.u32 $0xFFFFE000, v18;
	v11 =	vand.u32 $0xFFFFE000, v7  }
0x2c3: {  	s1 =	simm.s32 $0x13060;
	s0 =	simm.s32 $0x0;
	v13 =	vshll.u32 v5, $0x3;
	v15 =	vand.u32 $0xFFFFFC00, v15;
	v7 =	vshll.u32 v17, $0x7;
	[tilespmem:v16+s2+$0x0] =	vst.idx.add.f32.msk vm3, v3  }
.LBB2_28:
0x2c4: {  	v11 =	vadd.s32 v14, v11;
	v12 =	vadd.s32 v15, v12  }
0x2c5: {  	v16 =	vld [tilespmem:s1+$0x10];
	s0 =	sadd.s32 $0x40, s0;
	v13 =	vand.u32 $0xFFFFFC00, v13;
	vm5 =	vmmov vm1;
	vm3 =	vmmov vm2  }
0x2c6: {  	v8 =	vand.u32 $0x380, v8;
	v9 =	vand.u32 $0x380, v9;
	v14 =	vld [tilespmem:s1+$0xFFFFFFE0];
	p0 =	slt.u32 s0, $0xFC0;
	v10 =	vadd.s32 v13, v10  }
0x2c7: {  	v7 =	vand.u32 $0x380, v7;
	s31 =	sadd.s32 $0x40, s31;
	v8 =	vor.u32 v8, v11;
	v9 =	vor.u32 v9, v12;
	v13 =	vld [tilespmem:s1+$0xFFFFFFF0]  }
0x2c8: {  	v6 =	vand.u32 $0x7F, v6;
	v4 =	vand.u32 $0x7F, v4;
	v7 =	vor.u32 v7, v10;
	v11 =	vld [tilespmem:s31+$0x10]  }
0x2c9: {  	v5 =	vand.u32 $0x7F, v5;
	v8 =	vor.u32 v6, v8;
	v9 =	vor.u32 v4, v9;
	v10 =	vld [tilespmem:s1+$0x0]  }
0x2ca: {  	v7 =	vor.u32 v5, v7;
	v4 =	vld [tilespmem:s31+$0xFFFFFFF0];
	v12 =	vsub.s32 v16, v1  }
0x2cb: {  	v14 =	vsub.s32 v14, v1;
	v5 =	vld [tilespmem:s31+$0x0];
	vm4 =	vlt.u32 v12, $0x40  }
0x2cc: {  	v6 =	vld [tilespmem:s31+$0xFFFFFFE0];
	vm1 =	vlt.u32 v14, $0x40;
	v13 =	vsub.s32 v13, v1;
	v12 =	vnsel vm4, $0x0, v12  }
0x2cd: {  	vm2 =	vlt.u32 v13, $0x40;
	v15 =	vshll.u32 v12, $0xA;
	v16 =	vshll.u32 v11, $0x3  }
0x2ce: {  	v12 =	vshll.u32 v12, $0x7;
	v15 =	vand.u32 $0xFFFFE000, v15;
	v16 =	vand.u32 $0xFFFFFC00, v16;
	[tilespmem:v8+s2+$0x0] =	vst.idx.add.f32.msk vm5, v3  }
0x2cf: {  	v8 =	vsub.s32 v10, v1;
	v12 =	vand.u32 $0x380, v12;
	v10 =	vadd.s32 v16, v15;
	[tilespmem:v9+s2+$0x0] =	vst.idx.add.f32.msk vm3, v3  }
0x2d0: {  	v9 =	vand.u32 $0x7F, v11;
	v10 =	vor.u32 v12, v10;
	[tilespmem:v7+s2+$0x0] =	vst.idx.add.f32.msk vm0, v3;
	vm0 =	vlt.u32 v8, $0x40  }
0x2d1: {  	v7 =	vnsel vm1, $0x0, v14;
	v14 =	vnsel vm2, $0x0, v13;
	v16 =	vor.u32 v9, v10  }
.Ltmp13:
0x2d2: {  	v9 =	vshll.u32 v7, $0xA;
	v10 =	vshll.u32 v14, $0xA;
	v17 =	vnsel vm0, $0x0, v8;
	(pc) =	sbr.rel @p0 .LBB2_28-.Ltmp13, $4  }
0x2d3: {  	v18 =	vshll.u32 v4, $0x3;
	v15 =	vshll.u32 v6, $0x3;
	v19 =	vshll.u32 v17, $0xA  }
0x2d4: {  	v13 =	vshll.u32 v5, $0x3;
	v11 =	vand.u32 $0xFFFFE000, v9;
	v12 =	vand.u32 $0xFFFFE000, v10  }
0x2d5: {  	v8 =	vshll.u32 v7, $0x7;
	v9 =	vshll.u32 v14, $0x7;
	v10 =	vand.u32 $0xFFFFE000, v19  }
0x2d6: {  	s1 =	sadd.s32 $0x40, s1;
	v14 =	vand.u32 $0xFFFFFC00, v15;
	v15 =	vand.u32 $0xFFFFFC00, v18;
	v7 =	vshll.u32 v17, $0x7;
	[tilespmem:v16+s2+$0x0] =	vst.idx.add.f32.msk vm4, v3  }
0x2d7: {  	v11 =	vadd.s32 v14, v11;
	v12 =	vadd.s32 v15, v12  }
0x2d8: {  	v13 =	vand.u32 $0xFFFFFC00, v13;
	vm1 =	vmmov vm1;
	vm2 =	vmmov vm2  }
0x2d9: {  	v8 =	vand.u32 $0x380, v8;
	v9 =	vand.u32 $0x380, v9;
	v6 =	vand.u32 $0x7F, v6  }
0x2da: {  	v7 =	vand.u32 $0x380, v7;
	v4 =	vand.u32 $0x7F, v4;
	v8 =	vor.u32 v8, v11  }
0x2db: {  	v10 =	vadd.s32 v13, v10;
	v9 =	vor.u32 v9, v12;
	v6 =	vor.u32 v6, v8  }
0x2dc: {  	v5 =	vand.u32 $0x7F, v5;
	v7 =	vor.u32 v7, v10;
	v4 =	vor.u32 v4, v9  }
0x2dd: {  	v5 =	vor.u32 v5, v7;
	_ =	sdelay $0x2  }
0x2de: {  	[tilespmem:v6+s2+$0x0] =	vst.idx.add.f32.msk vm1, v3  }
0x2df: {  	[tilespmem:v4+s2+$0x0] =	vst.idx.add.f32.msk vm2, v3  }
0x2e0: {  	[tilespmem:v5+s2+$0x0] =	vst.idx.add.f32.msk vm0, v3  }
0x2e1: {  	_ =	swait.ge [sflag:s24], $0x1000  }
0x2e2: {  	[sflag:s24] =	ssyncset.done $0x0  }
0x2e3: {  	[sflag:s24] =	ssyncadd.s32 $0xFFFFF000  }
0x2e4: {  	_ =	swait.ge [sflag:s24], $0x1000  }
0x2e5: {  	[sflag:s24] =	ssyncset.done $0x0  }
0x2e6: {  	[sflag:s24] =	ssyncadd.s32 $0xFFFFF000  }
0x2e7: {  	[tilespmem:s25], [sflag:$0x2] =	stream.linear.gather [hbm4b:s13+s2], $0x1000, $0x38;
	[tilespmem:$0x14000] =	vst v63  }
0x2e8: {  	s0 =	simm.s32 $0x12020  }
0x2e9: {  	[tilespmem:s26], [sflag:$0x2] =	stream.linear.gather [hbm4b:s14+s2], $0x1000, $0x38;
	[tilespmem:$0x14000] =	vst v63  }
0x2ea: {  	v4 =	vld [tilespmem:s0+$0x10]  }
0x2eb: {  	v5 =	vld [tilespmem:s0+$0xFFFFFFE0]  }
0x2ec: {  	s31 =	simm.s32 $0x10020;
	v6 =	vld [tilespmem:s0+$0xFFFFFFF0]  }
0x2ed: {  	v7 =	vld [tilespmem:s31+$0x10]  }
0x2ee: {  	v8 =	vld [tilespmem:s0+$0x0];
	_ =	sdelay $0x1  }
0x2ef: {  	v4 =	vsub.s32 v4, v1  }
0x2f0: {  	v9 =	vsub.s32 v5, v1;
	vm3 =	vlt.u32 v4, $0x40  }
0x2f1: {  	v10 =	vsub.s32 v6, v1;
	v12 =	vshll.u32 v7, $0x3;
	v5 =	vnsel vm3, $0x0, v4  }
0x2f2: {  	v6 =	vld [tilespmem:s31+$0xFFFFFFE0];
	v8 =	vsub.s32 v8, v1;
	v7 =	vand.u32 $0x7F, v7;
	v11 =	vshll.u32 v5, $0xA  }
0x2f3: {  	v12 =	vand.u32 $0xFFFFFC00, v12;
	v13 =	vshll.u32 v5, $0x7;
	v11 =	vand.u32 $0xFFFFE000, v11  }
0x2f4: {  	vm1 =	vlt.u32 v9, $0x40;
	v4 =	vld [tilespmem:s31+$0xFFFFFFF0];
	v11 =	vadd.s32 v12, v11;
	v12 =	vand.u32 $0x380, v13  }
0x2f5: {  	vm2 =	vlt.u32 v10, $0x40;
	vm0 =	vlt.u32 v8, $0x40;
	v11 =	vor.u32 v12, v11  }
0x2f6: {  	v9 =	vnsel vm1, $0x0, v9;
	v17 =	vnsel vm0, $0x0, v8;
	v5 =	vld [tilespmem:s31+$0x0];
	v16 =	vor.u32 v7, v11  }
0x2f7: {  	v10 =	vnsel vm2, $0x0, v10;
	v18 =	vshll.u32 v17, $0xA;
	v14 =	vshll.u32 v6, $0x3  }
0x2f8: {  	v8 =	vshll.u32 v9, $0x7;
	v12 =	vshll.u32 v10, $0xA;
	v14 =	vand.u32 $0xFFFFFC00, v14  }
0x2f9: {  	v7 =	vshll.u32 v9, $0xA;
	v15 =	vshll.u32 v4, $0x3;
	v12 =	vand.u32 $0xFFFFE000, v12  }
0x2fa: {  	v9 =	vshll.u32 v10, $0x7;
	v10 =	vand.u32 $0xFFFFE000, v18;
	v11 =	vand.u32 $0xFFFFE000, v7  }
0x2fb: {  	s1 =	simm.s32 $0x12060;
	s0 =	simm.s32 $0x0;
	v13 =	vshll.u32 v5, $0x3;
	v15 =	vand.u32 $0xFFFFFC00, v15;
	v7 =	vshll.u32 v17, $0x7;
	[tilespmem:v16+s2+$0x0] =	vst.idx.add.f32.msk vm3, v3  }
.LBB2_30:
0x2fc: {  	v11 =	vadd.s32 v14, v11;
	v12 =	vadd.s32 v15, v12  }
0x2fd: {  	v16 =	vld [tilespmem:s1+$0x10];
	s0 =	sadd.s32 $0x40, s0;
	v13 =	vand.u32 $0xFFFFFC00, v13;
	vm5 =	vmmov vm1;
	vm3 =	vmmov vm2  }
0x2fe: {  	v8 =	vand.u32 $0x380, v8;
	v9 =	vand.u32 $0x380, v9;
	v14 =	vld [tilespmem:s1+$0xFFFFFFE0];
	p0 =	slt.u32 s0, $0xFC0;
	v10 =	vadd.s32 v13, v10  }
0x2ff: {  	v7 =	vand.u32 $0x380, v7;
	s31 =	sadd.s32 $0x40, s31;
	v8 =	vor.u32 v8, v11;
	v9 =	vor.u32 v9, v12;
	v13 =	vld [tilespmem:s1+$0xFFFFFFF0]  }
0x300: {  	v6 =	vand.u32 $0x7F, v6;
	v4 =	vand.u32 $0x7F, v4;
	v7 =	vor.u32 v7, v10;
	v11 =	vld [tilespmem:s31+$0x10]  }
0x301: {  	v5 =	vand.u32 $0x7F, v5;
	v8 =	vor.u32 v6, v8;
	v9 =	vor.u32 v4, v9;
	v10 =	vld [tilespmem:s1+$0x0]  }
0x302: {  	v7 =	vor.u32 v5, v7;
	v4 =	vld [tilespmem:s31+$0xFFFFFFF0];
	v12 =	vsub.s32 v16, v1  }
0x303: {  	v14 =	vsub.s32 v14, v1;
	v5 =	vld [tilespmem:s31+$0x0];
	vm4 =	vlt.u32 v12, $0x40  }
0x304: {  	v6 =	vld [tilespmem:s31+$0xFFFFFFE0];
	vm1 =	vlt.u32 v14, $0x40;
	v13 =	vsub.s32 v13, v1;
	v12 =	vnsel vm4, $0x0, v12  }
0x305: {  	vm2 =	vlt.u32 v13, $0x40;
	v15 =	vshll.u32 v12, $0xA;
	v16 =	vshll.u32 v11, $0x3  }
0x306: {  	v12 =	vshll.u32 v12, $0x7;
	v15 =	vand.u32 $0xFFFFE000, v15;
	v16 =	vand.u32 $0xFFFFFC00, v16;
	[tilespmem:v8+s2+$0x0] =	vst.idx.add.f32.msk vm5, v3  }
0x307: {  	v8 =	vsub.s32 v10, v1;
	v12 =	vand.u32 $0x380, v12;
	v10 =	vadd.s32 v16, v15;
	[tilespmem:v9+s2+$0x0] =	vst.idx.add.f32.msk vm3, v3  }
0x308: {  	v9 =	vand.u32 $0x7F, v11;
	v10 =	vor.u32 v12, v10;
	[tilespmem:v7+s2+$0x0] =	vst.idx.add.f32.msk vm0, v3;
	vm0 =	vlt.u32 v8, $0x40  }
0x309: {  	v7 =	vnsel vm1, $0x0, v14;
	v14 =	vnsel vm2, $0x0, v13;
	v16 =	vor.u32 v9, v10  }
.Ltmp14:
0x30a: {  	v9 =	vshll.u32 v7, $0xA;
	v10 =	vshll.u32 v14, $0xA;
	v17 =	vnsel vm0, $0x0, v8;
	(pc) =	sbr.rel @p0 .LBB2_30-.Ltmp14, $4  }
0x30b: {  	v18 =	vshll.u32 v4, $0x3;
	v15 =	vshll.u32 v6, $0x3;
	v19 =	vshll.u32 v17, $0xA  }
0x30c: {  	v13 =	vshll.u32 v5, $0x3;
	v11 =	vand.u32 $0xFFFFE000, v9;
	v12 =	vand.u32 $0xFFFFE000, v10  }
0x30d: {  	v8 =	vshll.u32 v7, $0x7;
	v9 =	vshll.u32 v14, $0x7;
	v10 =	vand.u32 $0xFFFFE000, v19  }
0x30e: {  	s1 =	sadd.s32 $0x40, s1;
	v14 =	vand.u32 $0xFFFFFC00, v15;
	v15 =	vand.u32 $0xFFFFFC00, v18;
	v7 =	vshll.u32 v17, $0x7;
	[tilespmem:v16+s2+$0x0] =	vst.idx.add.f32.msk vm4, v3  }
0x30f: {  	v11 =	vadd.s32 v14, v11;
	v12 =	vadd.s32 v15, v12  }
0x310: {  	v13 =	vand.u32 $0xFFFFFC00, v13;
	vm1 =	vmmov vm1;
	vm2 =	vmmov vm2  }
0x311: {  	v8 =	vand.u32 $0x380, v8;
	v9 =	vand.u32 $0x380, v9;
	v6 =	vand.u32 $0x7F, v6  }
0x312: {  	v7 =	vand.u32 $0x380, v7;
	v4 =	vand.u32 $0x7F, v4;
	v8 =	vor.u32 v8, v11  }
0x313: {  	v10 =	vadd.s32 v13, v10;
	v9 =	vor.u32 v9, v12;
	v6 =	vor.u32 v6, v8  }
0x314: {  	v5 =	vand.u32 $0x7F, v5;
	v7 =	vor.u32 v7, v10;
	v4 =	vor.u32 v4, v9  }
0x315: {  	v5 =	vor.u32 v5, v7;
	_ =	sdelay $0x2  }
0x316: {  	[tilespmem:v6+s2+$0x0] =	vst.idx.add.f32.msk vm1, v3  }
0x317: {  	[tilespmem:v4+s2+$0x0] =	vst.idx.add.f32.msk vm2, v3  }
0x318: {  	[tilespmem:v5+s2+$0x0] =	vst.idx.add.f32.msk vm0, v3  }
0x319: {  	_ =	swait.ge [sflag:s28], $0x1000  }
0x31a: {  	[sflag:s28] =	ssyncset.done $0x0  }
0x31b: {  	[sflag:s28] =	ssyncadd.s32 $0xFFFFF000  }
0x31c: {  	_ =	swait.ge [sflag:s28], $0x1000  }
0x31d: {  	[sflag:s28] =	ssyncset.done $0x0  }
0x31e: {  	[sflag:s28] =	ssyncadd.s32 $0xFFFFF000  }
0x31f: {  	[tilespmem:s22], [sflag:$0x1] =	stream.linear.gather [hbm4b:s15+s2], $0x1000, $0x38;
	[tilespmem:$0x14000] =	vst v63  }
0x320: {  	s0 =	simm.s32 $0x13020  }
0x321: {  	[tilespmem:s23], [sflag:$0x1] =	stream.linear.gather [hbm4b:s16+s2], $0x1000, $0x38;
	[tilespmem:$0x14000] =	vst v63  }
0x322: {  	v4 =	vld [tilespmem:s0+$0x10]  }
0x323: {  	v5 =	vld [tilespmem:s0+$0xFFFFFFE0]  }
0x324: {  	s31 =	simm.s32 $0x11020;
	v6 =	vld [tilespmem:s0+$0xFFFFFFF0]  }
0x325: {  	v7 =	vld [tilespmem:s31+$0x10]  }
0x326: {  	v8 =	vld [tilespmem:s0+$0x0];
	_ =	sdelay $0x1  }
0x327: {  	v4 =	vsub.s32 v4, v1  }
0x328: {  	v9 =	vsub.s32 v5, v1;
	vm3 =	vlt.u32 v4, $0x40  }
0x329: {  	v10 =	vsub.s32 v6, v1;
	v12 =	vshll.u32 v7, $0x3;
	v5 =	vnsel vm3, $0x0, v4  }
0x32a: {  	v6 =	vld [tilespmem:s31+$0xFFFFFFE0];
	v8 =	vsub.s32 v8, v1;
	v7 =	vand.u32 $0x7F, v7;
	v11 =	vshll.u32 v5, $0xA  }
0x32b: {  	v12 =	vand.u32 $0xFFFFFC00, v12;
	v13 =	vshll.u32 v5, $0x7;
	v11 =	vand.u32 $0xFFFFE000, v11  }
0x32c: {  	vm1 =	vlt.u32 v9, $0x40;
	v4 =	vld [tilespmem:s31+$0xFFFFFFF0];
	v11 =	vadd.s32 v12, v11;
	v12 =	vand.u32 $0x380, v13  }
0x32d: {  	vm2 =	vlt.u32 v10, $0x40;
	vm0 =	vlt.u32 v8, $0x40;
	v11 =	vor.u32 v12, v11  }
0x32e: {  	v9 =	vnsel vm1, $0x0, v9;
	v17 =	vnsel vm0, $0x0, v8;
	v5 =	vld [tilespmem:s31+$0x0];
	v16 =	vor.u32 v7, v11  }
0x32f: {  	v10 =	vnsel vm2, $0x0, v10;
	v18 =	vshll.u32 v17, $0xA;
	v14 =	vshll.u32 v6, $0x3  }
0x330: {  	v8 =	vshll.u32 v9, $0x7;
	v12 =	vshll.u32 v10, $0xA;
	v14 =	vand.u32 $0xFFFFFC00, v14  }
0x331: {  	v7 =	vshll.u32 v9, $0xA;
	v15 =	vshll.u32 v4, $0x3;
	v12 =	vand.u32 $0xFFFFE000, v12  }
0x332: {  	v9 =	vshll.u32 v10, $0x7;
	v10 =	vand.u32 $0xFFFFE000, v18;
	v11 =	vand.u32 $0xFFFFE000, v7  }
0x333: {  	s1 =	simm.s32 $0x13060;
	s0 =	simm.s32 $0x0;
	v13 =	vshll.u32 v5, $0x3;
	v15 =	vand.u32 $0xFFFFFC00, v15;
	v7 =	vshll.u32 v17, $0x7;
	[tilespmem:v16+s2+$0x0] =	vst.idx.add.f32.msk vm3, v3  }
.LBB2_32:
0x334: {  	v11 =	vadd.s32 v14, v11;
	v12 =	vadd.s32 v15, v12  }
0x335: {  	v16 =	vld [tilespmem:s1+$0x10];
	s0 =	sadd.s32 $0x40, s0;
	v13 =	vand.u32 $0xFFFFFC00, v13;
	vm5 =	vmmov vm1;
	vm3 =	vmmov vm2  }
0x336: {  	v8 =	vand.u32 $0x380, v8;
	v9 =	vand.u32 $0x380, v9;
	v14 =	vld [tilespmem:s1+$0xFFFFFFE0];
	p0 =	slt.u32 s0, $0xFC0;
	v10 =	vadd.s32 v13, v10  }
0x337: {  	v7 =	vand.u32 $0x380, v7;
	s31 =	sadd.s32 $0x40, s31;
	v8 =	vor.u32 v8, v11;
	v9 =	vor.u32 v9, v12;
	v13 =	vld [tilespmem:s1+$0xFFFFFFF0]  }
0x338: {  	v6 =	vand.u32 $0x7F, v6;
	v4 =	vand.u32 $0x7F, v4;
	v7 =	vor.u32 v7, v10;
	v11 =	vld [tilespmem:s31+$0x10]  }
0x339: {  	v5 =	vand.u32 $0x7F, v5;
	v8 =	vor.u32 v6, v8;
	v9 =	vor.u32 v4, v9;
	v10 =	vld [tilespmem:s1+$0x0]  }
0x33a: {  	v7 =	vor.u32 v5, v7;
	v4 =	vld [tilespmem:s31+$0xFFFFFFF0];
	v12 =	vsub.s32 v16, v1  }
0x33b: {  	v14 =	vsub.s32 v14, v1;
	v5 =	vld [tilespmem:s31+$0x0];
	vm4 =	vlt.u32 v12, $0x40  }
0x33c: {  	v6 =	vld [tilespmem:s31+$0xFFFFFFE0];
	vm1 =	vlt.u32 v14, $0x40;
	v13 =	vsub.s32 v13, v1;
	v12 =	vnsel vm4, $0x0, v12  }
0x33d: {  	vm2 =	vlt.u32 v13, $0x40;
	v15 =	vshll.u32 v12, $0xA;
	v16 =	vshll.u32 v11, $0x3  }
0x33e: {  	v12 =	vshll.u32 v12, $0x7;
	v15 =	vand.u32 $0xFFFFE000, v15;
	v16 =	vand.u32 $0xFFFFFC00, v16;
	[tilespmem:v8+s2+$0x0] =	vst.idx.add.f32.msk vm5, v3  }
0x33f: {  	v8 =	vsub.s32 v10, v1;
	v12 =	vand.u32 $0x380, v12;
	v10 =	vadd.s32 v16, v15;
	[tilespmem:v9+s2+$0x0] =	vst.idx.add.f32.msk vm3, v3  }
0x340: {  	v9 =	vand.u32 $0x7F, v11;
	v10 =	vor.u32 v12, v10;
	[tilespmem:v7+s2+$0x0] =	vst.idx.add.f32.msk vm0, v3;
	vm0 =	vlt.u32 v8, $0x40  }
0x341: {  	v7 =	vnsel vm1, $0x0, v14;
	v14 =	vnsel vm2, $0x0, v13;
	v16 =	vor.u32 v9, v10  }
.Ltmp15:
0x342: {  	v9 =	vshll.u32 v7, $0xA;
	v10 =	vshll.u32 v14, $0xA;
	v17 =	vnsel vm0, $0x0, v8;
	(pc) =	sbr.rel @p0 .LBB2_32-.Ltmp15, $4  }
0x343: {  	v18 =	vshll.u32 v4, $0x3;
	v15 =	vshll.u32 v6, $0x3;
	v19 =	vshll.u32 v17, $0xA  }
0x344: {  	v13 =	vshll.u32 v5, $0x3;
	v11 =	vand.u32 $0xFFFFE000, v9;
	v12 =	vand.u32 $0xFFFFE000, v10  }
0x345: {  	v8 =	vshll.u32 v7, $0x7;
	v9 =	vshll.u32 v14, $0x7;
	v10 =	vand.u32 $0xFFFFE000, v19  }
0x346: {  	s1 =	sadd.s32 $0x40, s1;
	v14 =	vand.u32 $0xFFFFFC00, v15;
	v15 =	vand.u32 $0xFFFFFC00, v18;
	v7 =	vshll.u32 v17, $0x7;
	[tilespmem:v16+s2+$0x0] =	vst.idx.add.f32.msk vm4, v3  }
0x347: {  	v11 =	vadd.s32 v14, v11;
	v12 =	vadd.s32 v15, v12  }
0x348: {  	v13 =	vand.u32 $0xFFFFFC00, v13;
	vm1 =	vmmov vm1;
	vm2 =	vmmov vm2  }
0x349: {  	v8 =	vand.u32 $0x380, v8;
	v9 =	vand.u32 $0x380, v9;
	v6 =	vand.u32 $0x7F, v6  }
0x34a: {  	v7 =	vand.u32 $0x380, v7;
	v4 =	vand.u32 $0x7F, v4;
	v8 =	vor.u32 v8, v11  }
0x34b: {  	v10 =	vadd.s32 v13, v10;
	v9 =	vor.u32 v9, v12;
	v6 =	vor.u32 v6, v8  }
0x34c: {  	v5 =	vand.u32 $0x7F, v5;
	v7 =	vor.u32 v7, v10;
	v4 =	vor.u32 v4, v9  }
0x34d: {  	v5 =	vor.u32 v5, v7;
	_ =	sdelay $0x2  }
0x34e: {  	[tilespmem:v6+s2+$0x0] =	vst.idx.add.f32.msk vm1, v3  }
0x34f: {  	[tilespmem:v4+s2+$0x0] =	vst.idx.add.f32.msk vm2, v3  }
0x350: {  	[tilespmem:v5+s2+$0x0] =	vst.idx.add.f32.msk vm0, v3  }
0x351: {  	_ =	swait.ge [sflag:s24], $0x1000  }
0x352: {  	[sflag:s24] =	ssyncset.done $0x0  }
0x353: {  	[sflag:s24] =	ssyncadd.s32 $0xFFFFF000  }
0x354: {  	_ =	swait.ge [sflag:s24], $0x1000  }
0x355: {  	[sflag:s24] =	ssyncset.done $0x0  }
0x356: {  	[sflag:s24] =	ssyncadd.s32 $0xFFFFF000  }
0x357: {  	[tilespmem:s25], [sflag:$0x2] =	stream.linear.gather [hbm4b:s17+s2], $0x1000, $0x38;
	[tilespmem:$0x14000] =	vst v63  }
0x358: {  	s0 =	simm.s32 $0x12020  }
0x359: {  	[tilespmem:s26], [sflag:$0x2] =	stream.linear.gather [hbm4b:s18+s2], $0x1000, $0x38;
	[tilespmem:$0x14000] =	vst v63  }
0x35a: {  	v4 =	vld [tilespmem:s0+$0x10]  }
0x35b: {  	v5 =	vld [tilespmem:s0+$0xFFFFFFE0]  }
0x35c: {  	s31 =	simm.s32 $0x10020;
	v6 =	vld [tilespmem:s0+$0xFFFFFFF0]  }
0x35d: {  	v7 =	vld [tilespmem:s31+$0x10]  }
0x35e: {  	v8 =	vld [tilespmem:s0+$0x0];
	_ =	sdelay $0x1  }
0x35f: {  	v4 =	vsub.s32 v4, v1  }
0x360: {  	v9 =	vsub.s32 v5, v1;
	vm3 =	vlt.u32 v4, $0x40  }
0x361: {  	v10 =	vsub.s32 v6, v1;
	v12 =	vshll.u32 v7, $0x3;
	v5 =	vnsel vm3, $0x0, v4  }
0x362: {  	v6 =	vld [tilespmem:s31+$0xFFFFFFE0];
	v8 =	vsub.s32 v8, v1;
	v7 =	vand.u32 $0x7F, v7;
	v11 =	vshll.u32 v5, $0xA  }
0x363: {  	v12 =	vand.u32 $0xFFFFFC00, v12;
	v13 =	vshll.u32 v5, $0x7;
	v11 =	vand.u32 $0xFFFFE000, v11  }
0x364: {  	vm1 =	vlt.u32 v9, $0x40;
	v4 =	vld [tilespmem:s31+$0xFFFFFFF0];
	v11 =	vadd.s32 v12, v11;
	v12 =	vand.u32 $0x380, v13  }
0x365: {  	vm2 =	vlt.u32 v10, $0x40;
	vm0 =	vlt.u32 v8, $0x40;
	v11 =	vor.u32 v12, v11  }
0x366: {  	v9 =	vnsel vm1, $0x0, v9;
	v17 =	vnsel vm0, $0x0, v8;
	v5 =	vld [tilespmem:s31+$0x0];
	v16 =	vor.u32 v7, v11  }
0x367: {  	v10 =	vnsel vm2, $0x0, v10;
	v18 =	vshll.u32 v17, $0xA;
	v14 =	vshll.u32 v6, $0x3  }
0x368: {  	v8 =	vshll.u32 v9, $0x7;
	v12 =	vshll.u32 v10, $0xA;
	v14 =	vand.u32 $0xFFFFFC00, v14  }
0x369: {  	v7 =	vshll.u32 v9, $0xA;
	v15 =	vshll.u32 v4, $0x3;
	v12 =	vand.u32 $0xFFFFE000, v12  }
0x36a: {  	v9 =	vshll.u32 v10, $0x7;
	v10 =	vand.u32 $0xFFFFE000, v18;
	v11 =	vand.u32 $0xFFFFE000, v7  }
0x36b: {  	s1 =	simm.s32 $0x12060;
	s0 =	simm.s32 $0x0;
	v13 =	vshll.u32 v5, $0x3;
	v15 =	vand.u32 $0xFFFFFC00, v15;
	v7 =	vshll.u32 v17, $0x7;
	[tilespmem:v16+s2+$0x0] =	vst.idx.add.f32.msk vm3, v3  }
.LBB2_34:
0x36c: {  	v11 =	vadd.s32 v14, v11;
	v12 =	vadd.s32 v15, v12  }
0x36d: {  	v16 =	vld [tilespmem:s1+$0x10];
	s0 =	sadd.s32 $0x40, s0;
	v13 =	vand.u32 $0xFFFFFC00, v13;
	vm5 =	vmmov vm1;
	vm3 =	vmmov vm2  }
0x36e: {  	v8 =	vand.u32 $0x380, v8;
	v9 =	vand.u32 $0x380, v9;
	v14 =	vld [tilespmem:s1+$0xFFFFFFE0];
	p0 =	slt.u32 s0, $0xFC0;
	v10 =	vadd.s32 v13, v10  }
0x36f: {  	v7 =	vand.u32 $0x380, v7;
	s31 =	sadd.s32 $0x40, s31;
	v8 =	vor.u32 v8, v11;
	v9 =	vor.u32 v9, v12;
	v13 =	vld [tilespmem:s1+$0xFFFFFFF0]  }
0x370: {  	v6 =	vand.u32 $0x7F, v6;
	v4 =	vand.u32 $0x7F, v4;
	v7 =	vor.u32 v7, v10;
	v11 =	vld [tilespmem:s31+$0x10]  }
0x371: {  	v5 =	vand.u32 $0x7F, v5;
	v8 =	vor.u32 v6, v8;
	v9 =	vor.u32 v4, v9;
	v10 =	vld [tilespmem:s1+$0x0]  }
0x372: {  	v7 =	vor.u32 v5, v7;
	v4 =	vld [tilespmem:s31+$0xFFFFFFF0];
	v12 =	vsub.s32 v16, v1  }
0x373: {  	v14 =	vsub.s32 v14, v1;
	v5 =	vld [tilespmem:s31+$0x0];
	vm4 =	vlt.u32 v12, $0x40  }
0x374: {  	v6 =	vld [tilespmem:s31+$0xFFFFFFE0];
	vm1 =	vlt.u32 v14, $0x40;
	v13 =	vsub.s32 v13, v1;
	v12 =	vnsel vm4, $0x0, v12  }
0x375: {  	vm2 =	vlt.u32 v13, $0x40;
	v15 =	vshll.u32 v12, $0xA;
	v16 =	vshll.u32 v11, $0x3  }
0x376: {  	v12 =	vshll.u32 v12, $0x7;
	v15 =	vand.u32 $0xFFFFE000, v15;
	v16 =	vand.u32 $0xFFFFFC00, v16;
	[tilespmem:v8+s2+$0x0] =	vst.idx.add.f32.msk vm5, v3  }
0x377: {  	v8 =	vsub.s32 v10, v1;
	v12 =	vand.u32 $0x380, v12;
	v10 =	vadd.s32 v16, v15;
	[tilespmem:v9+s2+$0x0] =	vst.idx.add.f32.msk vm3, v3  }
0x378: {  	v9 =	vand.u32 $0x7F, v11;
	v10 =	vor.u32 v12, v10;
	[tilespmem:v7+s2+$0x0] =	vst.idx.add.f32.msk vm0, v3;
	vm0 =	vlt.u32 v8, $0x40  }
0x379: {  	v7 =	vnsel vm1, $0x0, v14;
	v14 =	vnsel vm2, $0x0, v13;
	v16 =	vor.u32 v9, v10  }
.Ltmp16:
0x37a: {  	v9 =	vshll.u32 v7, $0xA;
	v10 =	vshll.u32 v14, $0xA;
	v17 =	vnsel vm0, $0x0, v8;
	(pc) =	sbr.rel @p0 .LBB2_34-.Ltmp16, $4  }
0x37b: {  	v18 =	vshll.u32 v4, $0x3;
	v15 =	vshll.u32 v6, $0x3;
	v19 =	vshll.u32 v17, $0xA  }
0x37c: {  	v13 =	vshll.u32 v5, $0x3;
	v11 =	vand.u32 $0xFFFFE000, v9;
	v12 =	vand.u32 $0xFFFFE000, v10  }
0x37d: {  	v8 =	vshll.u32 v7, $0x7;
	v9 =	vshll.u32 v14, $0x7;
	v10 =	vand.u32 $0xFFFFE000, v19  }
0x37e: {  	s1 =	sadd.s32 $0x40, s1;
	v14 =	vand.u32 $0xFFFFFC00, v15;
	v15 =	vand.u32 $0xFFFFFC00, v18;
	v7 =	vshll.u32 v17, $0x7;
	[tilespmem:v16+s2+$0x0] =	vst.idx.add.f32.msk vm4, v3  }
0x37f: {  	v11 =	vadd.s32 v14, v11;
	v12 =	vadd.s32 v15, v12  }
0x380: {  	v13 =	vand.u32 $0xFFFFFC00, v13;
	vm1 =	vmmov vm1;
	vm2 =	vmmov vm2  }
0x381: {  	v8 =	vand.u32 $0x380, v8;
	v9 =	vand.u32 $0x380, v9;
	v6 =	vand.u32 $0x7F, v6  }
0x382: {  	v7 =	vand.u32 $0x380, v7;
	v4 =	vand.u32 $0x7F, v4;
	v8 =	vor.u32 v8, v11  }
0x383: {  	v10 =	vadd.s32 v13, v10;
	v9 =	vor.u32 v9, v12;
	v6 =	vor.u32 v6, v8  }
0x384: {  	v5 =	vand.u32 $0x7F, v5;
	v7 =	vor.u32 v7, v10;
	v4 =	vor.u32 v4, v9  }
0x385: {  	v5 =	vor.u32 v5, v7;
	_ =	sdelay $0x2  }
0x386: {  	[tilespmem:v6+s2+$0x0] =	vst.idx.add.f32.msk vm1, v3  }
0x387: {  	[tilespmem:v4+s2+$0x0] =	vst.idx.add.f32.msk vm2, v3  }
0x388: {  	[tilespmem:v5+s2+$0x0] =	vst.idx.add.f32.msk vm0, v3  }
0x389: {  	_ =	swait.ge [sflag:s28], $0x1000  }
0x38a: {  	[sflag:s28] =	ssyncset.done $0x0  }
0x38b: {  	[sflag:s28] =	ssyncadd.s32 $0xFFFFF000  }
0x38c: {  	_ =	swait.ge [sflag:s28], $0x1000  }
0x38d: {  	[sflag:s28] =	ssyncset.done $0x0  }
0x38e: {  	s0 =	simm.s32 $0x13020;
	[sflag:s28] =	ssyncadd.s32 $0xFFFFF000  }
0x38f: {  	v4 =	vld [tilespmem:s0+$0x10]  }
0x390: {  	v5 =	vld [tilespmem:s0+$0xFFFFFFE0]  }
0x391: {  	s31 =	simm.s32 $0x11020;
	v6 =	vld [tilespmem:s0+$0xFFFFFFF0]  }
0x392: {  	v7 =	vld [tilespmem:s31+$0x10]  }
0x393: {  	v8 =	vld [tilespmem:s0+$0x0];
	_ =	sdelay $0x1  }
0x394: {  	v4 =	vsub.s32 v4, v1  }
0x395: {  	v9 =	vsub.s32 v5, v1;
	vm3 =	vlt.u32 v4, $0x40  }
0x396: {  	v10 =	vsub.s32 v6, v1;
	v12 =	vshll.u32 v7, $0x3;
	v5 =	vnsel vm3, $0x0, v4  }
0x397: {  	v6 =	vld [tilespmem:s31+$0xFFFFFFE0];
	v8 =	vsub.s32 v8, v1;
	v7 =	vand.u32 $0x7F, v7;
	v11 =	vshll.u32 v5, $0xA  }
0x398: {  	v12 =	vand.u32 $0xFFFFFC00, v12;
	v13 =	vshll.u32 v5, $0x7;
	v11 =	vand.u32 $0xFFFFE000, v11  }
0x399: {  	vm1 =	vlt.u32 v9, $0x40;
	v4 =	vld [tilespmem:s31+$0xFFFFFFF0];
	v11 =	vadd.s32 v12, v11;
	v12 =	vand.u32 $0x380, v13  }
0x39a: {  	vm2 =	vlt.u32 v10, $0x40;
	vm0 =	vlt.u32 v8, $0x40;
	v11 =	vor.u32 v12, v11  }
0x39b: {  	v9 =	vnsel vm1, $0x0, v9;
	v17 =	vnsel vm0, $0x0, v8;
	v5 =	vld [tilespmem:s31+$0x0];
	v16 =	vor.u32 v7, v11  }
0x39c: {  	v10 =	vnsel vm2, $0x0, v10;
	v18 =	vshll.u32 v17, $0xA;
	v14 =	vshll.u32 v6, $0x3  }
0x39d: {  	v8 =	vshll.u32 v9, $0x7;
	v12 =	vshll.u32 v10, $0xA;
	v14 =	vand.u32 $0xFFFFFC00, v14  }
0x39e: {  	v7 =	vshll.u32 v9, $0xA;
	v15 =	vshll.u32 v4, $0x3;
	v12 =	vand.u32 $0xFFFFE000, v12  }
0x39f: {  	v9 =	vshll.u32 v10, $0x7;
	v10 =	vand.u32 $0xFFFFE000, v18;
	v11 =	vand.u32 $0xFFFFE000, v7  }
0x3a0: {  	s1 =	simm.s32 $0x13060;
	s0 =	simm.s32 $0x0;
	v13 =	vshll.u32 v5, $0x3;
	v15 =	vand.u32 $0xFFFFFC00, v15;
	v7 =	vshll.u32 v17, $0x7;
	[tilespmem:v16+s2+$0x0] =	vst.idx.add.f32.msk vm3, v3  }
.LBB2_36:
0x3a1: {  	v11 =	vadd.s32 v14, v11;
	v12 =	vadd.s32 v15, v12  }
0x3a2: {  	v16 =	vld [tilespmem:s1+$0x10];
	s0 =	sadd.s32 $0x40, s0;
	v13 =	vand.u32 $0xFFFFFC00, v13;
	vm5 =	vmmov vm1;
	vm3 =	vmmov vm2  }
0x3a3: {  	v8 =	vand.u32 $0x380, v8;
	v9 =	vand.u32 $0x380, v9;
	v14 =	vld [tilespmem:s1+$0xFFFFFFE0];
	p0 =	slt.u32 s0, $0xFC0;
	v10 =	vadd.s32 v13, v10  }
0x3a4: {  	v7 =	vand.u32 $0x380, v7;
	s31 =	sadd.s32 $0x40, s31;
	v8 =	vor.u32 v8, v11;
	v9 =	vor.u32 v9, v12;
	v13 =	vld [tilespmem:s1+$0xFFFFFFF0]  }
0x3a5: {  	v6 =	vand.u32 $0x7F, v6;
	v4 =	vand.u32 $0x7F, v4;
	v7 =	vor.u32 v7, v10;
	v11 =	vld [tilespmem:s31+$0x10]  }
0x3a6: {  	v5 =	vand.u32 $0x7F, v5;
	v8 =	vor.u32 v6, v8;
	v9 =	vor.u32 v4, v9;
	v10 =	vld [tilespmem:s1+$0x0]  }
0x3a7: {  	v7 =	vor.u32 v5, v7;
	v4 =	vld [tilespmem:s31+$0xFFFFFFF0];
	v12 =	vsub.s32 v16, v1  }
0x3a8: {  	v14 =	vsub.s32 v14, v1;
	v5 =	vld [tilespmem:s31+$0x0];
	vm4 =	vlt.u32 v12, $0x40  }
0x3a9: {  	v6 =	vld [tilespmem:s31+$0xFFFFFFE0];
	vm1 =	vlt.u32 v14, $0x40;
	v13 =	vsub.s32 v13, v1;
	v12 =	vnsel vm4, $0x0, v12  }
0x3aa: {  	vm2 =	vlt.u32 v13, $0x40;
	v15 =	vshll.u32 v12, $0xA;
	v16 =	vshll.u32 v11, $0x3  }
0x3ab: {  	v12 =	vshll.u32 v12, $0x7;
	v15 =	vand.u32 $0xFFFFE000, v15;
	v16 =	vand.u32 $0xFFFFFC00, v16;
	[tilespmem:v8+s2+$0x0] =	vst.idx.add.f32.msk vm5, v3  }
0x3ac: {  	v8 =	vsub.s32 v10, v1;
	v12 =	vand.u32 $0x380, v12;
	v10 =	vadd.s32 v16, v15;
	[tilespmem:v9+s2+$0x0] =	vst.idx.add.f32.msk vm3, v3  }
0x3ad: {  	v9 =	vand.u32 $0x7F, v11;
	v10 =	vor.u32 v12, v10;
	[tilespmem:v7+s2+$0x0] =	vst.idx.add.f32.msk vm0, v3;
	vm0 =	vlt.u32 v8, $0x40  }
0x3ae: {  	v7 =	vnsel vm1, $0x0, v14;
	v14 =	vnsel vm2, $0x0, v13;
	v16 =	vor.u32 v9, v10  }
.Ltmp17:
0x3af: {  	v9 =	vshll.u32 v7, $0xA;
	v10 =	vshll.u32 v14, $0xA;
	v17 =	vnsel vm0, $0x0, v8;
	(pc) =	sbr.rel @p0 .LBB2_36-.Ltmp17, $4  }
0x3b0: {  	v18 =	vshll.u32 v4, $0x3;
	v15 =	vshll.u32 v6, $0x3;
	v19 =	vshll.u32 v17, $0xA  }
0x3b1: {  	v13 =	vshll.u32 v5, $0x3;
	v11 =	vand.u32 $0xFFFFE000, v9;
	v12 =	vand.u32 $0xFFFFE000, v10  }
0x3b2: {  	v8 =	vshll.u32 v7, $0x7;
	v9 =	vshll.u32 v14, $0x7;
	v10 =	vand.u32 $0xFFFFE000, v19  }
0x3b3: {  	s1 =	sadd.s32 $0x40, s1;
	v14 =	vand.u32 $0xFFFFFC00, v15;
	v15 =	vand.u32 $0xFFFFFC00, v18;
	v7 =	vshll.u32 v17, $0x7;
	[tilespmem:v16+s2+$0x0] =	vst.idx.add.f32.msk vm4, v3  }
0x3b4: {  	v11 =	vadd.s32 v14, v11;
	v12 =	vadd.s32 v15, v12  }
0x3b5: {  	v13 =	vand.u32 $0xFFFFFC00, v13;
	vm1 =	vmmov vm1;
	vm2 =	vmmov vm2  }
0x3b6: {  	v8 =	vand.u32 $0x380, v8;
	v9 =	vand.u32 $0x380, v9;
	v6 =	vand.u32 $0x7F, v6  }
0x3b7: {  	v7 =	vand.u32 $0x380, v7;
	v4 =	vand.u32 $0x7F, v4;
	v8 =	vor.u32 v8, v11  }
0x3b8: {  	v10 =	vadd.s32 v13, v10;
	v9 =	vor.u32 v9, v12;
	v6 =	vor.u32 v6, v8  }
0x3b9: {  	v5 =	vand.u32 $0x7F, v5;
	v7 =	vor.u32 v7, v10;
	v4 =	vor.u32 v4, v9  }
0x3ba: {  	v5 =	vor.u32 v5, v7;
	_ =	sdelay $0x2  }
0x3bb: {  	[tilespmem:v6+s2+$0x0] =	vst.idx.add.f32.msk vm1, v3  }
0x3bc: {  	[tilespmem:v4+s2+$0x0] =	vst.idx.add.f32.msk vm2, v3  }
0x3bd: {  	[tilespmem:v5+s2+$0x0] =	vst.idx.add.f32.msk vm0, v3  }
0x3be: {  	s0 =	rddreg [dreg:$0x5]  }
0x3bf: {  	[hbm4b:s0+s2] =	stream.linear.scatter [tilespmem:s2], [sflag:$0x3], $0x10000, $0x38;
	[tilespmem:$0x14000] =	vst v63  }
0x3c0: {  	_ =	swait.ge [sflag:s29], $0x10000  }
0x3c1: {  	s30 =	sadd.s32 $0x1, s30;
	s31 =	rddreg [dreg:$0x6]  }
0x3c2: {  	p0 =	sne.s32 s30, s31  }
.Ltmp18:
0x3c3: {  	_ = 	snop;
	(pc) =	sbr.rel @p0 .LBB2_1-.Ltmp18, $3  }
0x3c4: {  	_ =	sdelay $0x1  }
0x3c5: {  	[sflag:s29] =	ssyncset.done $0x0  }
0x3c6: {  	[sflag:s29] =	ssyncadd.s32 $0xFFFF0000  }
0x3c7: {  	_ =	sfence.sel $0x180000  }
0x3c8: {  	[bflag:$0x0] =	sbarrier.arrive $0xFFFF  }
0x3c9: {  	_ =	strace $0x90000047  }
0x3ca: {  	s0 =	stileid.u32;
	[bflag:$0x2] =	sbarrier.arrive $0xFFFF  }
0x3cb: {  	p0 =	sne.s32 s0, $0x0;
	s0 =	rddreg [dreg:$0x2]  }
0x3cc: {  	s0 =	sadd.s32 @!p0 $0x100000, s0  }
0x3cd: {  	[sflag:s0] =	ssyncadd.tile.s32 @!p0 $0x1;
	_ =	shalt  }
.Lfunc_end2:
_tile_overlayer_lowered:
.L_overlay_start_2:
0x3ce: {  	(tag) =	ssettag $0x2  }
0x3cf: {  	s0 =	rddreg [dreg:$0x0];
	s2 =	stileid.u32  }
0x3d0: {  	s1 =	rddreg [dreg:$0x1];
	p0 =	sne.s32 s2, $0x0  }
0x3d1: {  	s3 =	rddreg [dreg:$0x2];
	[bflag:$0x3] =	sbarrier.arrive $0xFFFF;
	s2 =	simm.s32 @!p0 $0x1C03  }
0x3d2: {  	[timem:s3], [sflag:s2] =	dma.local @!p0 [hbm:s0], s1  }
0x3d3: {  	s0 =	simm.s32 @!p0 $0x3  }
0x3d4: {  	_ =	swait.ge @!p0 [sflag:s0], s1  }
0x3d5: {  	s1 =	ssub.s32 @!p0 $0x0, s1;
	[sflag:s0] =	ssyncset.done @!p0 $0x0  }
0x3d6: {  	[sflag:s0] =	ssyncadd.s32 @!p0 s1  }
0x3d7: {  	[bflag:$0x3] =	sbarrier.arrive $0xFFFF  }
0x3d8: {  	_ =	shalt  }

</sc_bundles>
